<compile_context>
chip_gen: v7x
topology: tpu7x:2x2x1
jax: 0.10.2.dev20260603
libtpu: 0.0.44.dev20260713+nightly
codegen_flags: <defaults>
</compile_context>

<pallas_src>
import functools
import jax
import jax.numpy as jnp
from jax import lax
from jax.experimental import pallas as pl
from jax.experimental.pallas import tpu as pltpu
from jax.experimental.pallas import tpu_sc as plsc

POOL = 0.125
NC, NS, L = 2, 16, 16
B, N, D = 4, 8192, 128
K = int(N * POOL)
CHUNK = N // 8
NV = CHUNK // L



def _score_body(x_ref, w1_ref, b1_ref, v_ref, vb_ref, s_ref):
    Bb, BN, Dd = x_ref.shape
    H = w1_ref.shape[0]
    x = x_ref[...].reshape(Bb * BN, Dd)
    h = jnp.tanh(lax.dot_general(
        x, w1_ref[...], (((1,), (1,)), ((), ())),
        preferred_element_type=jnp.float32) + b1_ref[...][None, :])
    row = lax.broadcasted_iota(jnp.int32, (128, H), 0)
    v_pad = jnp.where(row == 0, v_ref[...][0][None, :] + 0.0 * row, 0.0)
    logit = lax.dot_general(
        h, v_pad, (((1,), (1,)), ((), ())),
        preferred_element_type=jnp.float32) + vb_ref[0]
    sig = jax.nn.sigmoid(logit[:, 0]).reshape(Bb, BN)
    s_ref[...] = lax.bitcast_convert_type(sig, jnp.int32)


def _scores(x, W1_w, W1_b, V_w, V_b):
    H = W1_w.shape[0]
    BN = 2048
    return pl.pallas_call(
        _score_body,
        grid=(N // BN,),
        in_specs=[
            pl.BlockSpec((B, BN, D), lambda n: (0, n, 0)),
            pl.BlockSpec((H, D), lambda n: (0, 0)),
            pl.BlockSpec((H,), lambda n: (0,)),
            pl.BlockSpec((1, H), lambda n: (0, 0)),
            pl.BlockSpec((1,), lambda n: (0,)),
        ],
        out_specs=pl.BlockSpec((B, BN), lambda n: (0, n)),
        out_shape=jax.ShapeDtypeStruct((B, N), jnp.int32),
    )(x, W1_w, W1_b, V_w, V_b)



_GDN = lax.GatherDimensionNumbers(
    offset_dims=(), collapsed_slice_dims=(0,), start_index_map=(0,))


def _lane_shuffle(vec, perm):
    return lax.gather(vec, perm[:, None], _GDN, (1,),
                      mode=lax.GatherScatterMode.PROMISE_IN_BOUNDS)


def _tot_gt(ak, ai, bk, bi):
    return jnp.logical_or(ak > bk, jnp.logical_and(ak == bk, ai < bi))


def _cross_stage(key_v, idx_v, k, j, npos, dir_all, start=0):
    npairs = npos // 2 // L

    @plsc.parallel_loop(0, npairs, unroll=2)
    def _(t):
        t16 = t * L
        jm1 = j - 1
        p = start + (((t16 & ~jm1) << 1) | (t16 & jm1))
        ak = key_v[pl.ds(p, L)]
        ai = idx_v[pl.ds(p, L)]
        bk = key_v[pl.ds(p + j, L)]
        bi = idx_v[pl.ds(p + j, L)]
        aw = _tot_gt(ak, ai, bk, bi)
        if dir_all:
            ta = aw
        else:
            dv = jnp.full((L,), True) == jax.lax.broadcast((p & k) == 0, (L,))
            ta = aw == dv
        key_v[pl.ds(p, L)] = jnp.where(ta, ak, bk)
        idx_v[pl.ds(p, L)] = jnp.where(ta, ai, bi)
        key_v[pl.ds(p + j, L)] = jnp.where(ta, bk, ak)
        idx_v[pl.ds(p + j, L)] = jnp.where(ta, bi, ai)


def _intra_pass(key_v, idx_v, k, nvec, dir_all, start=0):
    iota = lax.iota(jnp.int32, L)

    @plsc.parallel_loop(0, nvec, unroll=4)
    def _(v):
        base = start + v * L
        mk = key_v[pl.ds(base, L)]
        mi = idx_v[pl.ds(base, L)]
        if dir_all:
            dm = iota >= 0
        else:
            dm = ((base + iota) & k) == 0
        for j in (8, 4, 2, 1):
            perm = iota ^ j
            pk = _lane_shuffle(mk, perm)
            pi = _lane_shuffle(mi, perm)
            g = _tot_gt(mk, mi, pk, pi)
            is_low = (iota & j) == 0
            keep_mine = (dm == is_low) == g
            mk = jnp.where(keep_mine, mk, pk)
            mi = jnp.where(keep_mine, mi, pi)
        key_v[pl.ds(base, L)] = mk
        idx_v[pl.ds(base, L)] = mi


def _vreg_sort16(key_v, idx_v):
    iota = lax.iota(jnp.int32, L)
    stages = [(2, 1), (4, 2), (4, 1), (8, 4), (8, 2), (8, 1),
              (16, 8), (16, 4), (16, 2), (16, 1)]

    @plsc.parallel_loop(0, NV, unroll=4)
    def _(v):
        base = v * L
        mk = key_v[pl.ds(base, L)]
        mi = idx_v[pl.ds(base, L)]
        for k, j in stages:
            dm = ((base + iota) & k) == 0
            perm = iota ^ j
            pk = _lane_shuffle(mk, perm)
            pi = _lane_shuffle(mi, perm)
            g = _tot_gt(mk, mi, pk, pi)
            is_low = (iota & j) == 0
            keep_mine = (dm == is_low) == g
            mk = jnp.where(keep_mine, mk, pk)
            mi = jnp.where(keep_mine, mi, pi)
        key_v[pl.ds(base, L)] = mk
        idx_v[pl.ds(base, L)] = mi


def _local_sort(key_v, idx_v):
    _vreg_sort16(key_v, idx_v)

    def level(kk, carry):
        k = 1 << kk

        def cross(i, carry2):
            _cross_stage(key_v, idx_v, k, k >> (i + 1), CHUNK, dir_all=False)
            return carry2

        lax.fori_loop(0, kk - 4, cross, 0)
        _intra_pass(key_v, idx_v, k, NV, dir_all=False)
        return carry

    lax.fori_loop(5, 11, level, 0)


def _merge_prune(key_v, idx_v, pk_v, pi_v, h):
    iota = lax.iota(jnp.int32, L)

    @plsc.parallel_loop(0, NV, unroll=2)
    def _(v):
        base = v * L
        ak = key_v[pl.ds(base, L)]
        ai = idx_v[pl.ds(base, L)]
        rev = (CHUNK - 1 - base) - iota
        bk = plsc.load_gather(pk_v, [rev])
        bi = plsc.load_gather(pi_v, [rev])
        aw = _tot_gt(ak, ai, bk, bi)
        key_v[pl.ds(base, L)] = jnp.where(aw, ak, bk)
        idx_v[pl.ds(base, L)] = jnp.where(aw, ai, bi)

    _cross_stage(key_v, idx_v, 0, 512, CHUNK, dir_all=True)
    half = h * (CHUNK // 2)

    def cross(i, carry):
        _cross_stage(key_v, idx_v, 0, 256 >> i, CHUNK // 2, dir_all=True,
                     start=half)
        return carry

    lax.fori_loop(0, 5, cross, 0)
    _intra_pass(key_v, idx_v, 0, NV // 2, dir_all=True, start=half)


def _sc_body(sco_hbm, x_hbm, xv_hbm, xg_hbm, xvg_hbm, sg_hbm,
             key_v, idx_v, pk_v, pi_v, idxg_v, rows_v, rows2_v, sco_f,
             keys_sh, idx_sh, sem, sem2, sem3, sem4):
    c = lax.axis_index("c")
    s = lax.axis_index("s")
    g = s // 8
    q = s % 8
    b = c * 2 + g
    iota = lax.iota(jnp.int32, L)

    base_in = b * N + q * CHUNK
    pltpu.sync_copy(sco_hbm.at[pl.ds(base_in, CHUNK)], key_v)

    @plsc.parallel_loop(0, NV, unroll=2)
    def _(v):
        idx_v[pl.ds(v * L, L)] = (q * CHUNK + v * L) + iota

    _local_sort(key_v, idx_v)

    pltpu.sync_copy(key_v, keys_sh.at[s])
    pltpu.sync_copy(idx_v, idx_sh.at[s])
    plsc.subcore_barrier()

    half = CHUNK // 2

    def _round(r, carry):
        nmerge = 4 >> r
        active = q < 2 * nmerge
        m = q & (nmerge - 1)
        h = q >> (2 - r)

        @pl.when(active)
        def _read():
            slot = g * 8 + 2 * m
            pltpu.sync_copy(keys_sh.at[slot], key_v)
            pltpu.sync_copy(idx_sh.at[slot], idx_v)
            pltpu.sync_copy(keys_sh.at[slot + 1], pk_v)
            pltpu.sync_copy(idx_sh.at[slot + 1], pi_v)

        plsc.subcore_barrier()

        @pl.when(active)
        def _merge():
            _merge_prune(key_v, idx_v, pk_v, pi_v, h)
            hs = h * half
            pltpu.sync_copy(key_v.at[pl.ds(hs, half)],
                            keys_sh.at[g * 8 + m, pl.ds(hs, half)])
            pltpu.sync_copy(idx_v.at[pl.ds(hs, half)],
                            idx_sh.at[g * 8 + m, pl.ds(hs, half)])

        plsc.subcore_barrier()
        return carry

    lax.fori_loop(0, 3, _round, 0)

    half = CHUNK // 2

    @pl.when(q < 2)
    def _write_scores():
        hs = q * half

        @plsc.parallel_loop(0, NV // 2, unroll=2)
        def _(v):
            sco_f[pl.ds(v * L, L)] = plsc.bitcast(
                key_v[pl.ds(hs + v * L, L)], jnp.float32)

        pltpu.sync_copy(sco_f, sg_hbm.at[pl.ds(b * K + hs, half)])

    rows_per_tile = K // 8
    pltpu.sync_copy(idx_sh.at[g * 8, pl.ds(q * rows_per_tile, rows_per_tile)],
                    idxg_v)
    for t in range(rows_per_tile // L):
        idxg_v[pl.ds(t * L, L)] = idxg_v[pl.ds(t * L, L)] + b * N
    out_base = b * K + q * rows_per_tile
    g1 = pltpu.async_copy(x_hbm.at[idxg_v], rows_v, sem)
    g2 = pltpu.async_copy(xv_hbm.at[idxg_v], rows2_v, sem2)
    g1.wait()
    w1 = pltpu.async_copy(rows_v, xg_hbm.at[pl.ds(out_base, rows_per_tile)],
                          sem3)
    g2.wait()
    w2 = pltpu.async_copy(rows2_v,
                          xvg_hbm.at[pl.ds(out_base, rows_per_tile)], sem4)
    w1.wait()
    w2.wait()


_sc_topk = functools.partial(
    pl.kernel,
    out_type=(
        jax.ShapeDtypeStruct((B * K, D), jnp.float32),
        jax.ShapeDtypeStruct((B * K, D), jnp.float32),
        jax.ShapeDtypeStruct((B * K,), jnp.float32),
    ),
    mesh=plsc.VectorSubcoreMesh(core_axis_name="c", subcore_axis_name="s"),
    compiler_params=pltpu.CompilerParams(needs_layout_passes=False),
    scratch_types=[
        pltpu.VMEM((CHUNK,), jnp.int32),
        pltpu.VMEM((CHUNK,), jnp.int32),
        pltpu.VMEM((CHUNK,), jnp.int32),
        pltpu.VMEM((CHUNK,), jnp.int32),
        pltpu.VMEM((K // 8,), jnp.int32),
        pltpu.VMEM((K // 8, D), jnp.float32),
        pltpu.VMEM((K // 8, D), jnp.float32),
        pltpu.VMEM((CHUNK // 2,), jnp.float32),
        pltpu.VMEM_SHARED((NS, CHUNK), jnp.int32),
        pltpu.VMEM_SHARED((NS, CHUNK), jnp.int32),
        pltpu.SemaphoreType.DMA,
        pltpu.SemaphoreType.DMA,
        pltpu.SemaphoreType.DMA,
        pltpu.SemaphoreType.DMA,
    ],
)(_sc_body)


@jax.jit
def kernel(x, x_v, W1_w, W1_b, V_w, V_b):
    s = _scores(x, W1_w, W1_b, V_w, V_b)
    xg, xvg, sg = _sc_topk(s.reshape(B * N),
                           x.reshape(B * N, D),
                           x_v.reshape(B * N, D))
    return (xg.reshape(B, K, D), xvg.reshape(B, K, D),
            sg.reshape(B, K, 1))

# --- scband reference (transcript-rebuilt; emitter-appended) ---
"""Pipeline reference for scband-attention-pooling-15960098472034 (READ-ONLY COPY).

The authoritative reference and input builder live on the scoring server;
editing this copy changes nothing except your own understanding.
"""

import jax, jax.numpy as jnp
import numpy as np

POOLING_FACTOR = 0.125


def setup_inputs(seed: int = 0) -> dict:
    key = jax.random.key(seed)
    k1, k2, k3, k4, k5, k6 = jax.random.split(key, 6)
    B, N, D = 4, 8192, 128
    H = 64
    x = jax.random.normal(k1, (B, N, D), dtype=jnp.float32)
    x_v = jax.random.normal(k2, (B, N, D), dtype=jnp.float32)
    W1_w = jax.random.normal(k3, (H, D), dtype=jnp.float32) * (1.0 / np.sqrt(D))
    W1_b = jax.random.normal(k4, (H,), dtype=jnp.float32) * 0.01
    V_w = jax.random.normal(k5, (1, H), dtype=jnp.float32) * (1.0 / np.sqrt(H))
    V_b = jax.random.normal(k6, (1,), dtype=jnp.float32) * 0.01
    return {"x": x, "x_v": x_v, "W1_w": W1_w, "W1_b": W1_b, "V_w": V_w, "V_b": V_b}


def reference(x, x_v, W1_w, W1_b, V_w, V_b):
    # x_s = Sigmoid(V(Tanh(W1(x))))
    h = jnp.tanh(jnp.einsum('bnd,hd->bnh', x, W1_w) + W1_b)
    x_s = jax.nn.sigmoid(jnp.einsum('bnh,oh->bno', h, V_w) + V_b)  # [B, N, 1]
    n_samples = int(x.shape[1] * POOLING_FACTOR)
    # argsort descending along dim=1, take top n_samples indices
    idx = jnp.argsort(-x_s, axis=1)[:, :n_samples]  # [B, n, 1]
    idx2 = idx[:, :, 0]  # [B, n]
    # knn_gather with K=1 then squeeze(2): gather rows along dim 1
    x_g = jnp.take_along_axis(x, idx2[:, :, None], axis=1)      # [B, n, D]
    x_s_g = jnp.take_along_axis(x_s, idx2[:, :, None], axis=1)  # [B, n, 1]
    x_v_g = jnp.take_along_axis(x_v, idx2[:, :, None], axis=1)  # [B, n, D]
    return (x_g, x_v_g, x_s_g)

if __name__ == "__main__":
    import jax
    _d = setup_inputs()
    print(jax.jit(kernel)(*tuple(_d.values())))

</pallas_src>

<mosaic_0001>
#map = affine_map<(d0, d1) -> (0)>
#map1 = affine_map<(d0, d1) -> (0, 0)>
module attributes {stable_mosaic.version = 14 : i64} {
  func.func @_sc_body(%arg0: i32, %arg1: i32, %arg2: memref<32768xi32, #tpu.memory_space<hbm>>, %arg3: memref<32768x128xf32, #tpu.memory_space<hbm>>, %arg4: memref<32768x128xf32, #tpu.memory_space<hbm>>, %arg5: memref<4096x128xf32, #tpu.memory_space<hbm>>, %arg6: memref<4096x128xf32, #tpu.memory_space<hbm>>, %arg7: memref<4096xf32, #tpu.memory_space<hbm>>, %arg8: memref<1024xi32, #tpu.memory_space<vmem>>, %arg9: memref<1024xi32, #tpu.memory_space<vmem>>, %arg10: memref<1024xi32, #tpu.memory_space<vmem>>, %arg11: memref<1024xi32, #tpu.memory_space<vmem>>, %arg12: memref<128xi32, #tpu.memory_space<vmem>>, %arg13: memref<128x128xf32, #tpu.memory_space<vmem>>, %arg14: memref<128x128xf32, #tpu.memory_space<vmem>>, %arg15: memref<512xf32, #tpu.memory_space<vmem>>, %arg16: memref<16x1024xi32, #tpu.memory_space<vmem_shared>>, %arg17: memref<16x1024xi32, #tpu.memory_space<vmem_shared>>, %arg18: memref<!tpu.dma_semaphore, #tpu.memory_space<semaphore_mem>>, %arg19: memref<!tpu.dma_semaphore, #tpu.memory_space<semaphore_mem>>, %arg20: memref<!tpu.dma_semaphore, #tpu.memory_space<semaphore_mem>>, %arg21: memref<!tpu.dma_semaphore, #tpu.memory_space<semaphore_mem>>) attributes {dimension_semantics = [#tpu.dimension_semantics<core_parallel>, #tpu.dimension_semantics<subcore_parallel>], iteration_bounds = array<i64: 2, 16>, scalar_prefetch = 0 : i64, scratch_operands = 14 : i64, tpu.core_type = #tpu.core_type<sc_vector_subcore>, window_params = [{transform_indices = #map}, {transform_indices = #map1}, {transform_indices = #map1}, {transform_indices = #map1}, {transform_indices = #map1}, {transform_indices = #map}]} {
    %jit3A = arith.constant 8 : i32
    %div3A = arith.divsi %arg1, %jit3A : i32
    %sign3A = arith.constant 0 : i32
    %sign3A_0 = arith.cmpi sgt, %arg1, %sign3A : i32
    %sign3A_1 = arith.extui %sign3A_0 : i1 to i32
    %sign3A_2 = arith.constant 0 : i32
    %sign3A_3 = arith.cmpi slt, %arg1, %sign3A_2 : i32
    %sign3A_4 = arith.extui %sign3A_3 : i1 to i32
    %sign3A_5 = arith.subi %sign3A_1, %sign3A_4 : i32
    %sign3A_6 = arith.constant 0 : i32
    %sign3A_7 = arith.cmpi sgt, %jit3A, %sign3A_6 : i32
    %sign3A_8 = arith.extui %sign3A_7 : i1 to i32
    %sign3A_9 = arith.constant 0 : i32
    %sign3A_10 = arith.cmpi slt, %jit3A, %sign3A_9 : i32
    %sign3A_11 = arith.extui %sign3A_10 : i1 to i32
    %sign3A_12 = arith.subi %sign3A_8, %sign3A_11 : i32
    %ne3A = arith.cmpi ne, %sign3A_5, %sign3A_12 : i32
    %rem3A = arith.remsi %arg1, %jit3A : i32
    %ne3A_13 = arith.constant 0 : i32
    %ne3A_14 = arith.cmpi ne, %rem3A, %ne3A_13 : i32
    %and3A = arith.andi %ne3A, %ne3A_14 : i1
    %sub3A = arith.constant 1 : i32
    %sub3A_15 = arith.subi %div3A, %sub3A : i32
    %select_n3A = arith.select %and3A, %sub3A_15, %div3A : i32
    %jit3A_16 = arith.constant 8 : i32
    %eq3A = arith.constant 0 : i32
    %eq3A_17 = arith.cmpi eq, %jit3A_16, %eq3A : i32
    %jit3A_18 = arith.constant 1 : i32
    %select_n3A_19 = arith.select %eq3A_17, %jit3A_18, %jit3A_16 : i32
    %rem3A_20 = arith.remsi %arg1, %select_n3A_19 : i32
    %ne3A_21 = arith.constant 0 : i32
    %ne3A_22 = arith.cmpi ne, %rem3A_20, %ne3A_21 : i32
    %lt3A = arith.constant 0 : i32
    %lt3A_23 = arith.cmpi slt, %rem3A_20, %lt3A : i32
    %lt3A_24 = arith.constant 0 : i32
    %lt3A_25 = arith.cmpi slt, %select_n3A_19, %lt3A_24 : i32
    %ne3A_26 = arith.xori %lt3A_23, %lt3A_25 : i1
    %and3A_27 = arith.andi %ne3A_26, %ne3A_22 : i1
    %add3A = arith.addi %rem3A_20, %select_n3A_19 : i32
    %select_n3A_28 = arith.select %and3A_27, %add3A, %rem3A_20 : i32
    %mul3A = arith.constant 2 : i32
    %mul3A_29 = arith.muli %arg0, %mul3A : i32
    %add3A_30 = arith.addi %mul3A_29, %select_n3A : i32
    %iota3A = tpu.iota {dimensions = array<i32: 0>} : vector<16xi32>
    %mul3A_31 = arith.constant 8192 : i32
    %mul3A_32 = arith.muli %add3A_30, %mul3A_31 : i32
    %mul3A_33 = arith.constant 1024 : i32
    %mul3A_34 = arith.muli %select_n3A_28, %mul3A_33 : i32
    %add3A_35 = arith.addi %mul3A_32, %mul3A_34 : i32
    "tpu.region"() ({
      %run_scoped3A = tpu.sem_alloc : memref<!tpu.dma_semaphore, #tpu.memory_space<semaphore_mem>>
      %dma_start3A_153 = tpu.memref_slice %arg2[%add3A_35] : memref<32768xi32, #tpu.memory_space<hbm>> -> memref<1024xi32, #tpu.memory_space<hbm>>
      %dma_start3A_154 = tpu.memref_slice %arg2[%add3A_35] : memref<32768xi32, #tpu.memory_space<hbm>> -> memref<1024xi32, #tpu.memory_space<hbm>>
      tpu.enqueue_dma source(%dma_start3A_154 : memref<1024xi32, #tpu.memory_space<hbm>>) target(%arg8 : memref<1024xi32, #tpu.memory_space<vmem>>) target_semaphore(%run_scoped3A : memref<!tpu.dma_semaphore, #tpu.memory_space<semaphore_mem>>)
      %dma_wait3A_155 = tpu.memref_slice %arg2[%add3A_35] : memref<32768xi32, #tpu.memory_space<hbm>> -> memref<1024xi32, #tpu.memory_space<hbm>>
      %dma_wait3A_156 = tpu.memref_slice %arg2[%add3A_35] : memref<32768xi32, #tpu.memory_space<hbm>> -> memref<1024xi32, #tpu.memory_space<hbm>>
      tpu.wait_dma2 semaphore(%run_scoped3A : memref<!tpu.dma_semaphore, #tpu.memory_space<semaphore_mem>>) src(%dma_wait3A_156 : memref<1024xi32, #tpu.memory_space<hbm>>) dst(%arg8 : memref<1024xi32, #tpu.memory_space<vmem>>)
      tpu.yield
    }) : () -> ()
    %parallel_loop3A = arith.constant 0 : i32
    %parallel_loop3A_36 = arith.constant 64 : i32
    %parallel_loop3A_37 = arith.constant 1 : i32
    scf.for %parallel_loop3A_153 = %parallel_loop3A to %parallel_loop3A_36 step %parallel_loop3A_37  : i32 {
      %parallel_loop3A_154 = arith.constant 1024 : i32
      %parallel_loop3A_155 = arith.muli %select_n3A_28, %parallel_loop3A_154 : i32
      %parallel_loop3A_156 = arith.constant 16 : i32
      %parallel_loop3A_157 = arith.muli %parallel_loop3A_153, %parallel_loop3A_156 : i32
      %parallel_loop3A_158 = arith.addi %parallel_loop3A_155, %parallel_loop3A_157 : i32
      %parallel_loop3A_159 = vector.broadcast %parallel_loop3A_158 : i32 to vector<16xi32>
      %parallel_loop3A_160 = arith.addi %parallel_loop3A_159, %iota3A : vector<16xi32>
      %parallel_loop3A_161 = arith.constant 16 : i32
      %parallel_loop3A_162 = arith.muli %parallel_loop3A_153, %parallel_loop3A_161 : i32
      %parallel_loop3A_163 = arith.index_cast %parallel_loop3A_162 : i32 to index
      %parallel_loop3A_164 = tpu.vector_load %arg9[%parallel_loop3A_163] {strides = array<i32>} : memref<1024xi32, #tpu.memory_space<vmem>>, vector<16xi32>,
      tpu.vector_store %arg9[%parallel_loop3A_163], %parallel_loop3A_160 {strides = array<i32>} : memref<1024xi32, #tpu.memory_space<vmem>>, vector<16xi32>,
    } {sc.loop_unroll_factor = 2 : i64, sc.parallel_access}
    %iota3A_38 = tpu.iota {dimensions = array<i32: 0>} : vector<16xi32>
    %parallel_loop3A_39 = arith.constant 0 : i32
    %parallel_loop3A_40 = arith.constant 64 : i32
    %parallel_loop3A_41 = arith.constant 1 : i32
    scf.for %parallel_loop3A_153 = %parallel_loop3A_39 to %parallel_loop3A_40 step %parallel_loop3A_41  : i32 {
      %parallel_loop3A_154 = arith.constant 16 : i32
      %parallel_loop3A_155 = arith.muli %parallel_loop3A_153, %parallel_loop3A_154 : i32
      %parallel_loop3A_156 = arith.index_cast %parallel_loop3A_155 : i32 to index
      %parallel_loop3A_157 = tpu.vector_load %arg8[%parallel_loop3A_156] {strides = array<i32>} : memref<1024xi32, #tpu.memory_space<vmem>>, vector<16xi32>,
      %parallel_loop3A_158 = arith.index_cast %parallel_loop3A_155 : i32 to index
      %parallel_loop3A_159 = tpu.vector_load %arg9[%parallel_loop3A_158] {strides = array<i32>} : memref<1024xi32, #tpu.memory_space<vmem>>, vector<16xi32>,
      %parallel_loop3A_160 = vector.broadcast %parallel_loop3A_155 : i32 to vector<16xi32>
      %parallel_loop3A_161 = arith.addi %parallel_loop3A_160, %iota3A_38 : vector<16xi32>
      %parallel_loop3A_162 = arith.constant 2 : i32
      %parallel_loop3A_163 = vector.broadcast %parallel_loop3A_162 : i32 to vector<16xi32>
      %parallel_loop3A_164 = arith.andi %parallel_loop3A_161, %parallel_loop3A_163 : vector<16xi32>
      %parallel_loop3A_165 = arith.constant 0 : i32
      %parallel_loop3A_166 = vector.broadcast %parallel_loop3A_165 : i32 to vector<16xi32>
      %parallel_loop3A_167 = arith.cmpi eq, %parallel_loop3A_164, %parallel_loop3A_166 : vector<16xi32>
      %parallel_loop3A_168 = arith.constant 1 : i32
      %parallel_loop3A_169 = vector.broadcast %parallel_loop3A_168 : i32 to vector<16xi32>
      %parallel_loop3A_170 = arith.xori %iota3A_38, %parallel_loop3A_169 : vector<16xi32>
      %parallel_loop3A_171 = vector.shape_cast %parallel_loop3A_170 : vector<16xi32> to vector<16x1xi32>
      %parallel_loop3A_172 = vector.shape_cast %parallel_loop3A_171 : vector<16x1xi32> to vector<16xi32>
      %parallel_loop3A_173 = tpu.dynamic_gather %parallel_loop3A_157[%parallel_loop3A_172] in [0] : vector<16xi32>, vector<16xi32> -> vector<16xi32>
      %parallel_loop3A_174 = vector.shape_cast %parallel_loop3A_170 : vector<16xi32> to vector<16x1xi32>
      %parallel_loop3A_175 = vector.shape_cast %parallel_loop3A_174 : vector<16x1xi32> to vector<16xi32>
      %parallel_loop3A_176 = tpu.dynamic_gather %parallel_loop3A_159[%parallel_loop3A_175] in [0] : vector<16xi32>, vector<16xi32> -> vector<16xi32>
      %parallel_loop3A_177 = arith.cmpi sgt, %parallel_loop3A_157, %parallel_loop3A_173 : vector<16xi32>
      %parallel_loop3A_178 = arith.cmpi eq, %parallel_loop3A_157, %parallel_loop3A_173 : vector<16xi32>
      %parallel_loop3A_179 = arith.cmpi slt, %parallel_loop3A_159, %parallel_loop3A_176 : vector<16xi32>
      %parallel_loop3A_180 = arith.andi %parallel_loop3A_178, %parallel_loop3A_179 : vector<16xi1>
      %parallel_loop3A_181 = arith.ori %parallel_loop3A_177, %parallel_loop3A_180 : vector<16xi1>
      %parallel_loop3A_182 = arith.constant 1 : i32
      %parallel_loop3A_183 = vector.broadcast %parallel_loop3A_182 : i32 to vector<16xi32>
      %parallel_loop3A_184 = arith.andi %iota3A_38, %parallel_loop3A_183 : vector<16xi32>
      %parallel_loop3A_185 = arith.constant 0 : i32
      %parallel_loop3A_186 = vector.broadcast %parallel_loop3A_185 : i32 to vector<16xi32>
      %parallel_loop3A_187 = arith.cmpi eq, %parallel_loop3A_184, %parallel_loop3A_186 : vector<16xi32>
      %parallel_loop3A_188 = arith.xori %parallel_loop3A_167, %parallel_loop3A_187 : vector<16xi1>
      %parallel_loop3A_189 = arith.constant dense<true> : vector<16xi1>
      %parallel_loop3A_190 = arith.xori %parallel_loop3A_188, %parallel_loop3A_189 : vector<16xi1>
      %parallel_loop3A_191 = arith.xori %parallel_loop3A_190, %parallel_loop3A_181 : vector<16xi1>
      %parallel_loop3A_192 = arith.constant dense<true> : vector<16xi1>
      %parallel_loop3A_193 = arith.xori %parallel_loop3A_191, %parallel_loop3A_192 : vector<16xi1>
      %parallel_loop3A_194 = arith.select %parallel_loop3A_193, %parallel_loop3A_157, %parallel_loop3A_173 : vector<16xi1>, vector<16xi32>
      %parallel_loop3A_195 = arith.select %parallel_loop3A_193, %parallel_loop3A_159, %parallel_loop3A_176 : vector<16xi1>, vector<16xi32>
      %parallel_loop3A_196 = vector.broadcast %parallel_loop3A_155 : i32 to vector<16xi32>
      %parallel_loop3A_197 = arith.addi %parallel_loop3A_196, %iota3A_38 : vector<16xi32>
      %parallel_loop3A_198 = arith.constant 4 : i32
      %parallel_loop3A_199 = vector.broadcast %parallel_loop3A_198 : i32 to vector<16xi32>
      %parallel_loop3A_200 = arith.andi %parallel_loop3A_197, %parallel_loop3A_199 : vector<16xi32>
      %parallel_loop3A_201 = arith.constant 0 : i32
      %parallel_loop3A_202 = vector.broadcast %parallel_loop3A_201 : i32 to vector<16xi32>
      %parallel_loop3A_203 = arith.cmpi eq, %parallel_loop3A_200, %parallel_loop3A_202 : vector<16xi32>
      %parallel_loop3A_204 = arith.constant 2 : i32
      %parallel_loop3A_205 = vector.broadcast %parallel_loop3A_204 : i32 to vector<16xi32>
      %parallel_loop3A_206 = arith.xori %iota3A_38, %parallel_loop3A_205 : vector<16xi32>
      %parallel_loop3A_207 = vector.shape_cast %parallel_loop3A_206 : vector<16xi32> to vector<16x1xi32>
      %parallel_loop3A_208 = vector.shape_cast %parallel_loop3A_207 : vector<16x1xi32> to vector<16xi32>
      %parallel_loop3A_209 = tpu.dynamic_gather %parallel_loop3A_194[%parallel_loop3A_208] in [0] : vector<16xi32>, vector<16xi32> -> vector<16xi32>
      %parallel_loop3A_210 = vector.shape_cast %parallel_loop3A_206 : vector<16xi32> to vector<16x1xi32>
      %parallel_loop3A_211 = vector.shape_cast %parallel_loop3A_210 : vector<16x1xi32> to vector<16xi32>
      %parallel_loop3A_212 = tpu.dynamic_gather %parallel_loop3A_195[%parallel_loop3A_211] in [0] : vector<16xi32>, vector<16xi32> -> vector<16xi32>
      %parallel_loop3A_213 = arith.cmpi sgt, %parallel_loop3A_194, %parallel_loop3A_209 : vector<16xi32>
      %parallel_loop3A_214 = arith.cmpi eq, %parallel_loop3A_194, %parallel_loop3A_209 : vector<16xi32>
      %parallel_loop3A_215 = arith.cmpi slt, %parallel_loop3A_195, %parallel_loop3A_212 : vector<16xi32>
      %parallel_loop3A_216 = arith.andi %parallel_loop3A_214, %parallel_loop3A_215 : vector<16xi1>
      %parallel_loop3A_217 = arith.ori %parallel_loop3A_213, %parallel_loop3A_216 : vector<16xi1>
      %parallel_loop3A_218 = arith.constant 2 : i32
      %parallel_loop3A_219 = vector.broadcast %parallel_loop3A_218 : i32 to vector<16xi32>
      %parallel_loop3A_220 = arith.andi %iota3A_38, %parallel_loop3A_219 : vector<16xi32>
      %parallel_loop3A_221 = arith.constant 0 : i32
      %parallel_loop3A_222 = vector.broadcast %parallel_loop3A_221 : i32 to vector<16xi32>
      %parallel_loop3A_223 = arith.cmpi eq, %parallel_loop3A_220, %parallel_loop3A_222 : vector<16xi32>
      %parallel_loop3A_224 = arith.xori %parallel_loop3A_203, %parallel_loop3A_223 : vector<16xi1>
      %parallel_loop3A_225 = arith.constant dense<true> : vector<16xi1>
      %parallel_loop3A_226 = arith.xori %parallel_loop3A_224, %parallel_loop3A_225 : vector<16xi1>
      %parallel_loop3A_227 = arith.xori %parallel_loop3A_226, %parallel_loop3A_217 : vector<16xi1>
      %parallel_loop3A_228 = arith.constant dense<true> : vector<16xi1>
      %parallel_loop3A_229 = arith.xori %parallel_loop3A_227, %parallel_loop3A_228 : vector<16xi1>
      %parallel_loop3A_230 = arith.select %parallel_loop3A_229, %parallel_loop3A_194, %parallel_loop3A_209 : vector<16xi1>, vector<16xi32>
      %parallel_loop3A_231 = arith.select %parallel_loop3A_229, %parallel_loop3A_195, %parallel_loop3A_212 : vector<16xi1>, vector<16xi32>
      %parallel_loop3A_232 = vector.broadcast %parallel_loop3A_155 : i32 to vector<16xi32>
      %parallel_loop3A_233 = arith.addi %parallel_loop3A_232, %iota3A_38 : vector<16xi32>
      %parallel_loop3A_234 = arith.constant 4 : i32
      %parallel_loop3A_235 = vector.broadcast %parallel_loop3A_234 : i32 to vector<16xi32>
      %parallel_loop3A_236 = arith.andi %parallel_loop3A_233, %parallel_loop3A_235 : vector<16xi32>
      %parallel_loop3A_237 = arith.constant 0 : i32
      %parallel_loop3A_238 = vector.broadcast %parallel_loop3A_237 : i32 to vector<16xi32>
      %parallel_loop3A_239 = arith.cmpi eq, %parallel_loop3A_236, %parallel_loop3A_238 : vector<16xi32>
      %parallel_loop3A_240 = arith.constant 1 : i32
      %parallel_loop3A_241 = vector.broadcast %parallel_loop3A_240 : i32 to vector<16xi32>
      %parallel_loop3A_242 = arith.xori %iota3A_38, %parallel_loop3A_241 : vector<16xi32>
      %parallel_loop3A_243 = vector.shape_cast %parallel_loop3A_242 : vector<16xi32> to vector<16x1xi32>
      %parallel_loop3A_244 = vector.shape_cast %parallel_loop3A_243 : vector<16x1xi32> to vector<16xi32>
      %parallel_loop3A_245 = tpu.dynamic_gather %parallel_loop3A_230[%parallel_loop3A_244] in [0] : vector<16xi32>, vector<16xi32> -> vector<16xi32>
      %parallel_loop3A_246 = vector.shape_cast %parallel_loop3A_242 : vector<16xi32> to vector<16x1xi32>
      %parallel_loop3A_247 = vector.shape_cast %parallel_loop3A_246 : vector<16x1xi32> to vector<16xi32>
      %parallel_loop3A_248 = tpu.dynamic_gather %parallel_loop3A_231[%parallel_loop3A_247] in [0] : vector<16xi32>, vector<16xi32> -> vector<16xi32>
      %parallel_loop3A_249 = arith.cmpi sgt, %parallel_loop3A_230, %parallel_loop3A_245 : vector<16xi32>
      %parallel_loop3A_250 = arith.cmpi eq, %parallel_loop3A_230, %parallel_loop3A_245 : vector<16xi32>
      %parallel_loop3A_251 = arith.cmpi slt, %parallel_loop3A_231, %parallel_loop3A_248 : vector<16xi32>
      %parallel_loop3A_252 = arith.andi %parallel_loop3A_250, %parallel_loop3A_251 : vector<16xi1>
      %parallel_loop3A_253 = arith.ori %parallel_loop3A_249, %parallel_loop3A_252 : vector<16xi1>
      %parallel_loop3A_254 = arith.constant 1 : i32
      %parallel_loop3A_255 = vector.broadcast %parallel_loop3A_254 : i32 to vector<16xi32>
      %parallel_loop3A_256 = arith.andi %iota3A_38, %parallel_loop3A_255 : vector<16xi32>
      %parallel_loop3A_257 = arith.constant 0 : i32
      %parallel_loop3A_258 = vector.broadcast %parallel_loop3A_257 : i32 to vector<16xi32>
      %parallel_loop3A_259 = arith.cmpi eq, %parallel_loop3A_256, %parallel_loop3A_258 : vector<16xi32>
      %parallel_loop3A_260 = arith.xori %parallel_loop3A_239, %parallel_loop3A_259 : vector<16xi1>
      %parallel_loop3A_261 = arith.constant dense<true> : vector<16xi1>
      %parallel_loop3A_262 = arith.xori %parallel_loop3A_260, %parallel_loop3A_261 : vector<16xi1>
      %parallel_loop3A_263 = arith.xori %parallel_loop3A_262, %parallel_loop3A_253 : vector<16xi1>
      %parallel_loop3A_264 = arith.constant dense<true> : vector<16xi1>
      %parallel_loop3A_265 = arith.xori %parallel_loop3A_263, %parallel_loop3A_264 : vector<16xi1>
      %parallel_loop3A_266 = arith.select %parallel_loop3A_265, %parallel_loop3A_230, %parallel_loop3A_245 : vector<16xi1>, vector<16xi32>
      %parallel_loop3A_267 = arith.select %parallel_loop3A_265, %parallel_loop3A_231, %parallel_loop3A_248 : vector<16xi1>, vector<16xi32>
      %parallel_loop3A_268 = vector.broadcast %parallel_loop3A_155 : i32 to vector<16xi32>
      %parallel_loop3A_269 = arith.addi %parallel_loop3A_268, %iota3A_38 : vector<16xi32>
      %parallel_loop3A_270 = arith.constant 8 : i32
      %parallel_loop3A_271 = vector.broadcast %parallel_loop3A_270 : i32 to vector<16xi32>
      %parallel_loop3A_272 = arith.andi %parallel_loop3A_269, %parallel_loop3A_271 : vector<16xi32>
      %parallel_loop3A_273 = arith.constant 0 : i32
      %parallel_loop3A_274 = vector.broadcast %parallel_loop3A_273 : i32 to vector<16xi32>
      %parallel_loop3A_275 = arith.cmpi eq, %parallel_loop3A_272, %parallel_loop3A_274 : vector<16xi32>
      %parallel_loop3A_276 = arith.constant 4 : i32
      %parallel_loop3A_277 = vector.broadcast %parallel_loop3A_276 : i32 to vector<16xi32>
      %parallel_loop3A_278 = arith.xori %iota3A_38, %parallel_loop3A_277 : vector<16xi32>
      %parallel_loop3A_279 = vector.shape_cast %parallel_loop3A_278 : vector<16xi32> to vector<16x1xi32>
      %parallel_loop3A_280 = vector.shape_cast %parallel_loop3A_279 : vector<16x1xi32> to vector<16xi32>
      %parallel_loop3A_281 = tpu.dynamic_gather %parallel_loop3A_266[%parallel_loop3A_280] in [0] : vector<16xi32>, vector<16xi32> -> vector<16xi32>
      %parallel_loop3A_282 = vector.shape_cast %parallel_loop3A_278 : vector<16xi32> to vector<16x1xi32>
      %parallel_loop3A_283 = vector.shape_cast %parallel_loop3A_282 : vector<16x1xi32> to vector<16xi32>
      %parallel_loop3A_284 = tpu.dynamic_gather %parallel_loop3A_267[%parallel_loop3A_283] in [0] : vector<16xi32>, vector<16xi32> -> vector<16xi32>
      %parallel_loop3A_285 = arith.cmpi sgt, %parallel_loop3A_266, %parallel_loop3A_281 : vector<16xi32>
      %parallel_loop3A_286 = arith.cmpi eq, %parallel_loop3A_266, %parallel_loop3A_281 : vector<16xi32>
      %parallel_loop3A_287 = arith.cmpi slt, %parallel_loop3A_267, %parallel_loop3A_284 : vector<16xi32>
      %parallel_loop3A_288 = arith.andi %parallel_loop3A_286, %parallel_loop3A_287 : vector<16xi1>
      %parallel_loop3A_289 = arith.ori %parallel_loop3A_285, %parallel_loop3A_288 : vector<16xi1>
      %parallel_loop3A_290 = arith.constant 4 : i32
      %parallel_loop3A_291 = vector.broadcast %parallel_loop3A_290 : i32 to vector<16xi32>
      %parallel_loop3A_292 = arith.andi %iota3A_38, %parallel_loop3A_291 : vector<16xi32>
      %parallel_loop3A_293 = arith.constant 0 : i32
      %parallel_loop3A_294 = vector.broadcast %parallel_loop3A_293 : i32 to vector<16xi32>
      %parallel_loop3A_295 = arith.cmpi eq, %parallel_loop3A_292, %parallel_loop3A_294 : vector<16xi32>
      %parallel_loop3A_296 = arith.xori %parallel_loop3A_275, %parallel_loop3A_295 : vector<16xi1>
      %parallel_loop3A_297 = arith.constant dense<true> : vector<16xi1>
      %parallel_loop3A_298 = arith.xori %parallel_loop3A_296, %parallel_loop3A_297 : vector<16xi1>
      %parallel_loop3A_299 = arith.xori %parallel_loop3A_298, %parallel_loop3A_289 : vector<16xi1>
      %parallel_loop3A_300 = arith.constant dense<true> : vector<16xi1>
      %parallel_loop3A_301 = arith.xori %parallel_loop3A_299, %parallel_loop3A_300 : vector<16xi1>
      %parallel_loop3A_302 = arith.select %parallel_loop3A_301, %parallel_loop3A_266, %parallel_loop3A_281 : vector<16xi1>, vector<16xi32>
      %parallel_loop3A_303 = arith.select %parallel_loop3A_301, %parallel_loop3A_267, %parallel_loop3A_284 : vector<16xi1>, vector<16xi32>
      %parallel_loop3A_304 = vector.broadcast %parallel_loop3A_155 : i32 to vector<16xi32>
      %parallel_loop3A_305 = arith.addi %parallel_loop3A_304, %iota3A_38 : vector<16xi32>
      %parallel_loop3A_306 = arith.constant 8 : i32
      %parallel_loop3A_307 = vector.broadcast %parallel_loop3A_306 : i32 to vector<16xi32>
      %parallel_loop3A_308 = arith.andi %parallel_loop3A_305, %parallel_loop3A_307 : vector<16xi32>
      %parallel_loop3A_309 = arith.constant 0 : i32
      %parallel_loop3A_310 = vector.broadcast %parallel_loop3A_309 : i32 to vector<16xi32>
      %parallel_loop3A_311 = arith.cmpi eq, %parallel_loop3A_308, %parallel_loop3A_310 : vector<16xi32>
      %parallel_loop3A_312 = arith.constant 2 : i32
      %parallel_loop3A_313 = vector.broadcast %parallel_loop3A_312 : i32 to vector<16xi32>
      %parallel_loop3A_314 = arith.xori %iota3A_38, %parallel_loop3A_313 : vector<16xi32>
      %parallel_loop3A_315 = vector.shape_cast %parallel_loop3A_314 : vector<16xi32> to vector<16x1xi32>
      %parallel_loop3A_316 = vector.shape_cast %parallel_loop3A_315 : vector<16x1xi32> to vector<16xi32>
      %parallel_loop3A_317 = tpu.dynamic_gather %parallel_loop3A_302[%parallel_loop3A_316] in [0] : vector<16xi32>, vector<16xi32> -> vector<16xi32>
      %parallel_loop3A_318 = vector.shape_cast %parallel_loop3A_314 : vector<16xi32> to vector<16x1xi32>
      %parallel_loop3A_319 = vector.shape_cast %parallel_loop3A_318 : vector<16x1xi32> to vector<16xi32>
      %parallel_loop3A_320 = tpu.dynamic_gather %parallel_loop3A_303[%parallel_loop3A_319] in [0] : vector<16xi32>, vector<16xi32> -> vector<16xi32>
      %parallel_loop3A_321 = arith.cmpi sgt, %parallel_loop3A_302, %parallel_loop3A_317 : vector<16xi32>
      %parallel_loop3A_322 = arith.cmpi eq, %parallel_loop3A_302, %parallel_loop3A_317 : vector<16xi32>
      %parallel_loop3A_323 = arith.cmpi slt, %parallel_loop3A_303, %parallel_loop3A_320 : vector<16xi32>
      %parallel_loop3A_324 = arith.andi %parallel_loop3A_322, %parallel_loop3A_323 : vector<16xi1>
      %parallel_loop3A_325 = arith.ori %parallel_loop3A_321, %parallel_loop3A_324 : vector<16xi1>
      %parallel_loop3A_326 = arith.constant 2 : i32
      %parallel_loop3A_327 = vector.broadcast %parallel_loop3A_326 : i32 to vector<16xi32>
      %parallel_loop3A_328 = arith.andi %iota3A_38, %parallel_loop3A_327 : vector<16xi32>
      %parallel_loop3A_329 = arith.constant 0 : i32
      %parallel_loop3A_330 = vector.broadcast %parallel_loop3A_329 : i32 to vector<16xi32>
      %parallel_loop3A_331 = arith.cmpi eq, %parallel_loop3A_328, %parallel_loop3A_330 : vector<16xi32>
      %parallel_loop3A_332 = arith.xori %parallel_loop3A_311, %parallel_loop3A_331 : vector<16xi1>
      %parallel_loop3A_333 = arith.constant dense<true> : vector<16xi1>
      %parallel_loop3A_334 = arith.xori %parallel_loop3A_332, %parallel_loop3A_333 : vector<16xi1>
      %parallel_loop3A_335 = arith.xori %parallel_loop3A_334, %parallel_loop3A_325 : vector<16xi1>
      %parallel_loop3A_336 = arith.constant dense<true> : vector<16xi1>
      %parallel_loop3A_337 = arith.xori %parallel_loop3A_335, %parallel_loop3A_336 : vector<16xi1>
      %parallel_loop3A_338 = arith.select %parallel_loop3A_337, %parallel_loop3A_302, %parallel_loop3A_317 : vector<16xi1>, vector<16xi32>
      %parallel_loop3A_339 = arith.select %parallel_loop3A_337, %parallel_loop3A_303, %parallel_loop3A_320 : vector<16xi1>, vector<16xi32>
      %parallel_loop3A_340 = vector.broadcast %parallel_loop3A_155 : i32 to vector<16xi32>
      %parallel_loop3A_341 = arith.addi %parallel_loop3A_340, %iota3A_38 : vector<16xi32>
      %parallel_loop3A_342 = arith.constant 8 : i32
      %parallel_loop3A_343 = vector.broadcast %parallel_loop3A_342 : i32 to vector<16xi32>
      %parallel_loop3A_344 = arith.andi %parallel_loop3A_341, %parallel_loop3A_343 : vector<16xi32>
      %parallel_loop3A_345 = arith.constant 0 : i32
      %parallel_loop3A_346 = vector.broadcast %parallel_loop3A_345 : i32 to vector<16xi32>
      %parallel_loop3A_347 = arith.cmpi eq, %parallel_loop3A_344, %parallel_loop3A_346 : vector<16xi32>
      %parallel_loop3A_348 = arith.constant 1 : i32
      %parallel_loop3A_349 = vector.broadcast %parallel_loop3A_348 : i32 to vector<16xi32>
      %parallel_loop3A_350 = arith.xori %iota3A_38, %parallel_loop3A_349 : vector<16xi32>
      %parallel_loop3A_351 = vector.shape_cast %parallel_loop3A_350 : vector<16xi32> to vector<16x1xi32>
      %parallel_loop3A_352 = vector.shape_cast %parallel_loop3A_351 : vector<16x1xi32> to vector<16xi32>
      %parallel_loop3A_353 = tpu.dynamic_gather %parallel_loop3A_338[%parallel_loop3A_352] in [0] : vector<16xi32>, vector<16xi32> -> vector<16xi32>
      %parallel_loop3A_354 = vector.shape_cast %parallel_loop3A_350 : vector<16xi32> to vector<16x1xi32>
      %parallel_loop3A_355 = vector.shape_cast %parallel_loop3A_354 : vector<16x1xi32> to vector<16xi32>
      %parallel_loop3A_356 = tpu.dynamic_gather %parallel_loop3A_339[%parallel_loop3A_355] in [0] : vector<16xi32>, vector<16xi32> -> vector<16xi32>
      %parallel_loop3A_357 = arith.cmpi sgt, %parallel_loop3A_338, %parallel_loop3A_353 : vector<16xi32>
      %parallel_loop3A_358 = arith.cmpi eq, %parallel_loop3A_338, %parallel_loop3A_353 : vector<16xi32>
      %parallel_loop3A_359 = arith.cmpi slt, %parallel_loop3A_339, %parallel_loop3A_356 : vector<16xi32>
      %parallel_loop3A_360 = arith.andi %parallel_loop3A_358, %parallel_loop3A_359 : vector<16xi1>
      %parallel_loop3A_361 = arith.ori %parallel_loop3A_357, %parallel_loop3A_360 : vector<16xi1>
      %parallel_loop3A_362 = arith.constant 1 : i32
      %parallel_loop3A_363 = vector.broadcast %parallel_loop3A_362 : i32 to vector<16xi32>
      %parallel_loop3A_364 = arith.andi %iota3A_38, %parallel_loop3A_363 : vector<16xi32>
      %parallel_loop3A_365 = arith.constant 0 : i32
      %parallel_loop3A_366 = vector.broadcast %parallel_loop3A_365 : i32 to vector<16xi32>
      %parallel_loop3A_367 = arith.cmpi eq, %parallel_loop3A_364, %parallel_loop3A_366 : vector<16xi32>
      %parallel_loop3A_368 = arith.xori %parallel_loop3A_347, %parallel_loop3A_367 : vector<16xi1>
      %parallel_loop3A_369 = arith.constant dense<true> : vector<16xi1>
      %parallel_loop3A_370 = arith.xori %parallel_loop3A_368, %parallel_loop3A_369 : vector<16xi1>
      %parallel_loop3A_371 = arith.xori %parallel_loop3A_370, %parallel_loop3A_361 : vector<16xi1>
      %parallel_loop3A_372 = arith.constant dense<true> : vector<16xi1>
      %parallel_loop3A_373 = arith.xori %parallel_loop3A_371, %parallel_loop3A_372 : vector<16xi1>
      %parallel_loop3A_374 = arith.select %parallel_loop3A_373, %parallel_loop3A_338, %parallel_loop3A_353 : vector<16xi1>, vector<16xi32>
      %parallel_loop3A_375 = arith.select %parallel_loop3A_373, %parallel_loop3A_339, %parallel_loop3A_356 : vector<16xi1>, vector<16xi32>
      %parallel_loop3A_376 = vector.broadcast %parallel_loop3A_155 : i32 to vector<16xi32>
      %parallel_loop3A_377 = arith.addi %parallel_loop3A_376, %iota3A_38 : vector<16xi32>
      %parallel_loop3A_378 = arith.constant 16 : i32
      %parallel_loop3A_379 = vector.broadcast %parallel_loop3A_378 : i32 to vector<16xi32>
      %parallel_loop3A_380 = arith.andi %parallel_loop3A_377, %parallel_loop3A_379 : vector<16xi32>
      %parallel_loop3A_381 = arith.constant 0 : i32
      %parallel_loop3A_382 = vector.broadcast %parallel_loop3A_381 : i32 to vector<16xi32>
      %parallel_loop3A_383 = arith.cmpi eq, %parallel_loop3A_380, %parallel_loop3A_382 : vector<16xi32>
      %parallel_loop3A_384 = arith.constant 8 : i32
      %parallel_loop3A_385 = vector.broadcast %parallel_loop3A_384 : i32 to vector<16xi32>
      %parallel_loop3A_386 = arith.xori %iota3A_38, %parallel_loop3A_385 : vector<16xi32>
      %parallel_loop3A_387 = vector.shape_cast %parallel_loop3A_386 : vector<16xi32> to vector<16x1xi32>
      %parallel_loop3A_388 = vector.shape_cast %parallel_loop3A_387 : vector<16x1xi32> to vector<16xi32>
      %parallel_loop3A_389 = tpu.dynamic_gather %parallel_loop3A_374[%parallel_loop3A_388] in [0] : vector<16xi32>, vector<16xi32> -> vector<16xi32>
      %parallel_loop3A_390 = vector.shape_cast %parallel_loop3A_386 : vector<16xi32> to vector<16x1xi32>
      %parallel_loop3A_391 = vector.shape_cast %parallel_loop3A_390 : vector<16x1xi32> to vector<16xi32>
      %parallel_loop3A_392 = tpu.dynamic_gather %parallel_loop3A_375[%parallel_loop3A_391] in [0] : vector<16xi32>, vector<16xi32> -> vector<16xi32>
      %parallel_loop3A_393 = arith.cmpi sgt, %parallel_loop3A_374, %parallel_loop3A_389 : vector<16xi32>
      %parallel_loop3A_394 = arith.cmpi eq, %parallel_loop3A_374, %parallel_loop3A_389 : vector<16xi32>
      %parallel_loop3A_395 = arith.cmpi slt, %parallel_loop3A_375, %parallel_loop3A_392 : vector<16xi32>
      %parallel_loop3A_396 = arith.andi %parallel_loop3A_394, %parallel_loop3A_395 : vector<16xi1>
      %parallel_loop3A_397 = arith.ori %parallel_loop3A_393, %parallel_loop3A_396 : vector<16xi1>
      %parallel_loop3A_398 = arith.constant 8 : i32
      %parallel_loop3A_399 = vector.broadcast %parallel_loop3A_398 : i32 to vector<16xi32>
      %parallel_loop3A_400 = arith.andi %iota3A_38, %parallel_loop3A_399 : vector<16xi32>
      %parallel_loop3A_401 = arith.constant 0 : i32
      %parallel_loop3A_402 = vector.broadcast %parallel_loop3A_401 : i32 to vector<16xi32>
      %parallel_loop3A_403 = arith.cmpi eq, %parallel_loop3A_400, %parallel_loop3A_402 : vector<16xi32>
      %parallel_loop3A_404 = arith.xori %parallel_loop3A_383, %parallel_loop3A_403 : vector<16xi1>
      %parallel_loop3A_405 = arith.constant dense<true> : vector<16xi1>
      %parallel_loop3A_406 = arith.xori %parallel_loop3A_404, %parallel_loop3A_405 : vector<16xi1>
      %parallel_loop3A_407 = arith.xori %parallel_loop3A_406, %parallel_loop3A_397 : vector<16xi1>
      %parallel_loop3A_408 = arith.constant dense<true> : vector<16xi1>
      %parallel_loop3A_409 = arith.xori %parallel_loop3A_407, %parallel_loop3A_408 : vector<16xi1>
      %parallel_loop3A_410 = arith.select %parallel_loop3A_409, %parallel_loop3A_374, %parallel_loop3A_389 : vector<16xi1>, vector<16xi32>
      %parallel_loop3A_411 = arith.select %parallel_loop3A_409, %parallel_loop3A_375, %parallel_loop3A_392 : vector<16xi1>, vector<16xi32>
      %parallel_loop3A_412 = vector.broadcast %parallel_loop3A_155 : i32 to vector<16xi32>
      %parallel_loop3A_413 = arith.addi %parallel_loop3A_412, %iota3A_38 : vector<16xi32>
      %parallel_loop3A_414 = arith.constant 16 : i32
      %parallel_loop3A_415 = vector.broadcast %parallel_loop3A_414 : i32 to vector<16xi32>
      %parallel_loop3A_416 = arith.andi %parallel_loop3A_413, %parallel_loop3A_415 : vector<16xi32>
      %parallel_loop3A_417 = arith.constant 0 : i32
      %parallel_loop3A_418 = vector.broadcast %parallel_loop3A_417 : i32 to vector<16xi32>
      %parallel_loop3A_419 = arith.cmpi eq, %parallel_loop3A_416, %parallel_loop3A_418 : vector<16xi32>
      %parallel_loop3A_420 = arith.constant 4 : i32
      %parallel_loop3A_421 = vector.broadcast %parallel_loop3A_420 : i32 to vector<16xi32>
      %parallel_loop3A_422 = arith.xori %iota3A_38, %parallel_loop3A_421 : vector<16xi32>
      %parallel_loop3A_423 = vector.shape_cast %parallel_loop3A_422 : vector<16xi32> to vector<16x1xi32>
      %parallel_loop3A_424 = vector.shape_cast %parallel_loop3A_423 : vector<16x1xi32> to vector<16xi32>
      %parallel_loop3A_425 = tpu.dynamic_gather %parallel_loop3A_410[%parallel_loop3A_424] in [0] : vector<16xi32>, vector<16xi32> -> vector<16xi32>
      %parallel_loop3A_426 = vector.shape_cast %parallel_loop3A_422 : vector<16xi32> to vector<16x1xi32>
      %parallel_loop3A_427 = vector.shape_cast %parallel_loop3A_426 : vector<16x1xi32> to vector<16xi32>
      %parallel_loop3A_428 = tpu.dynamic_gather %parallel_loop3A_411[%parallel_loop3A_427] in [0] : vector<16xi32>, vector<16xi32> -> vector<16xi32>
      %parallel_loop3A_429 = arith.cmpi sgt, %parallel_loop3A_410, %parallel_loop3A_425 : vector<16xi32>
      %parallel_loop3A_430 = arith.cmpi eq, %parallel_loop3A_410, %parallel_loop3A_425 : vector<16xi32>
      %parallel_loop3A_431 = arith.cmpi slt, %parallel_loop3A_411, %parallel_loop3A_428 : vector<16xi32>
      %parallel_loop3A_432 = arith.andi %parallel_loop3A_430, %parallel_loop3A_431 : vector<16xi1>
      %parallel_loop3A_433 = arith.ori %parallel_loop3A_429, %parallel_loop3A_432 : vector<16xi1>
      %parallel_loop3A_434 = arith.constant 4 : i32
      %parallel_loop3A_435 = vector.broadcast %parallel_loop3A_434 : i32 to vector<16xi32>
      %parallel_loop3A_436 = arith.andi %iota3A_38, %parallel_loop3A_435 : vector<16xi32>
      %parallel_loop3A_437 = arith.constant 0 : i32
      %parallel_loop3A_438 = vector.broadcast %parallel_loop3A_437 : i32 to vector<16xi32>
      %parallel_loop3A_439 = arith.cmpi eq, %parallel_loop3A_436, %parallel_loop3A_438 : vector<16xi32>
      %parallel_loop3A_440 = arith.xori %parallel_loop3A_419, %parallel_loop3A_439 : vector<16xi1>
      %parallel_loop3A_441 = arith.constant dense<true> : vector<16xi1>
      %parallel_loop3A_442 = arith.xori %parallel_loop3A_440, %parallel_loop3A_441 : vector<16xi1>
      %parallel_loop3A_443 = arith.xori %parallel_loop3A_442, %parallel_loop3A_433 : vector<16xi1>
      %parallel_loop3A_444 = arith.constant dense<true> : vector<16xi1>
      %parallel_loop3A_445 = arith.xori %parallel_loop3A_443, %parallel_loop3A_444 : vector<16xi1>
      %parallel_loop3A_446 = arith.select %parallel_loop3A_445, %parallel_loop3A_410, %parallel_loop3A_425 : vector<16xi1>, vector<16xi32>
      %parallel_loop3A_447 = arith.select %parallel_loop3A_445, %parallel_loop3A_411, %parallel_loop3A_428 : vector<16xi1>, vector<16xi32>
      %parallel_loop3A_448 = vector.broadcast %parallel_loop3A_155 : i32 to vector<16xi32>
      %parallel_loop3A_449 = arith.addi %parallel_loop3A_448, %iota3A_38 : vector<16xi32>
      %parallel_loop3A_450 = arith.constant 16 : i32
      %parallel_loop3A_451 = vector.broadcast %parallel_loop3A_450 : i32 to vector<16xi32>
      %parallel_loop3A_452 = arith.andi %parallel_loop3A_449, %parallel_loop3A_451 : vector<16xi32>
      %parallel_loop3A_453 = arith.constant 0 : i32
      %parallel_loop3A_454 = vector.broadcast %parallel_loop3A_453 : i32 to vector<16xi32>
      %parallel_loop3A_455 = arith.cmpi eq, %parallel_loop3A_452, %parallel_loop3A_454 : vector<16xi32>
      %parallel_loop3A_456 = arith.constant 2 : i32
      %parallel_loop3A_457 = vector.broadcast %parallel_loop3A_456 : i32 to vector<16xi32>
      %parallel_loop3A_458 = arith.xori %iota3A_38, %parallel_loop3A_457 : vector<16xi32>
      %parallel_loop3A_459 = vector.shape_cast %parallel_loop3A_458 : vector<16xi32> to vector<16x1xi32>
      %parallel_loop3A_460 = vector.shape_cast %parallel_loop3A_459 : vector<16x1xi32> to vector<16xi32>
      %parallel_loop3A_461 = tpu.dynamic_gather %parallel_loop3A_446[%parallel_loop3A_460] in [0] : vector<16xi32>, vector<16xi32> -> vector<16xi32>
      %parallel_loop3A_462 = vector.shape_cast %parallel_loop3A_458 : vector<16xi32> to vector<16x1xi32>
      %parallel_loop3A_463 = vector.shape_cast %parallel_loop3A_462 : vector<16x1xi32> to vector<16xi32>
      %parallel_loop3A_464 = tpu.dynamic_gather %parallel_loop3A_447[%parallel_loop3A_463] in [0] : vector<16xi32>, vector<16xi32> -> vector<16xi32>
      %parallel_loop3A_465 = arith.cmpi sgt, %parallel_loop3A_446, %parallel_loop3A_461 : vector<16xi32>
      %parallel_loop3A_466 = arith.cmpi eq, %parallel_loop3A_446, %parallel_loop3A_461 : vector<16xi32>
      %parallel_loop3A_467 = arith.cmpi slt, %parallel_loop3A_447, %parallel_loop3A_464 : vector<16xi32>
      %parallel_loop3A_468 = arith.andi %parallel_loop3A_466, %parallel_loop3A_467 : vector<16xi1>
      %parallel_loop3A_469 = arith.ori %parallel_loop3A_465, %parallel_loop3A_468 : vector<16xi1>
      %parallel_loop3A_470 = arith.constant 2 : i32
      %parallel_loop3A_471 = vector.broadcast %parallel_loop3A_470 : i32 to vector<16xi32>
      %parallel_loop3A_472 = arith.andi %iota3A_38, %parallel_loop3A_471 : vector<16xi32>
      %parallel_loop3A_473 = arith.constant 0 : i32
      %parallel_loop3A_474 = vector.broadcast %parallel_loop3A_473 : i32 to vector<16xi32>
      %parallel_loop3A_475 = arith.cmpi eq, %parallel_loop3A_472, %parallel_loop3A_474 : vector<16xi32>
      %parallel_loop3A_476 = arith.xori %parallel_loop3A_455, %parallel_loop3A_475 : vector<16xi1>
      %parallel_loop3A_477 = arith.constant dense<true> : vector<16xi1>
      %parallel_loop3A_478 = arith.xori %parallel_loop3A_476, %parallel_loop3A_477 : vector<16xi1>
      %parallel_loop3A_479 = arith.xori %parallel_loop3A_478, %parallel_loop3A_469 : vector<16xi1>
      %parallel_loop3A_480 = arith.constant dense<true> : vector<16xi1>
      %parallel_loop3A_481 = arith.xori %parallel_loop3A_479, %parallel_loop3A_480 : vector<16xi1>
      %parallel_loop3A_482 = arith.select %parallel_loop3A_481, %parallel_loop3A_446, %parallel_loop3A_461 : vector<16xi1>, vector<16xi32>
      %parallel_loop3A_483 = arith.select %parallel_loop3A_481, %parallel_loop3A_447, %parallel_loop3A_464 : vector<16xi1>, vector<16xi32>
      %parallel_loop3A_484 = vector.broadcast %parallel_loop3A_155 : i32 to vector<16xi32>
      %parallel_loop3A_485 = arith.addi %parallel_loop3A_484, %iota3A_38 : vector<16xi32>
      %parallel_loop3A_486 = arith.constant 16 : i32
      %parallel_loop3A_487 = vector.broadcast %parallel_loop3A_486 : i32 to vector<16xi32>
      %parallel_loop3A_488 = arith.andi %parallel_loop3A_485, %parallel_loop3A_487 : vector<16xi32>
      %parallel_loop3A_489 = arith.constant 0 : i32
      %parallel_loop3A_490 = vector.broadcast %parallel_loop3A_489 : i32 to vector<16xi32>
      %parallel_loop3A_491 = arith.cmpi eq, %parallel_loop3A_488, %parallel_loop3A_490 : vector<16xi32>
      %parallel_loop3A_492 = arith.constant 1 : i32
      %parallel_loop3A_493 = vector.broadcast %parallel_loop3A_492 : i32 to vector<16xi32>
      %parallel_loop3A_494 = arith.xori %iota3A_38, %parallel_loop3A_493 : vector<16xi32>
      %parallel_loop3A_495 = vector.shape_cast %parallel_loop3A_494 : vector<16xi32> to vector<16x1xi32>
      %parallel_loop3A_496 = vector.shape_cast %parallel_loop3A_495 : vector<16x1xi32> to vector<16xi32>
      %parallel_loop3A_497 = tpu.dynamic_gather %parallel_loop3A_482[%parallel_loop3A_496] in [0] : vector<16xi32>, vector<16xi32> -> vector<16xi32>
      %parallel_loop3A_498 = vector.shape_cast %parallel_loop3A_494 : vector<16xi32> to vector<16x1xi32>
      %parallel_loop3A_499 = vector.shape_cast %parallel_loop3A_498 : vector<16x1xi32> to vector<16xi32>
      %parallel_loop3A_500 = tpu.dynamic_gather %parallel_loop3A_483[%parallel_loop3A_499] in [0] : vector<16xi32>, vector<16xi32> -> vector<16xi32>
      %parallel_loop3A_501 = arith.cmpi sgt, %parallel_loop3A_482, %parallel_loop3A_497 : vector<16xi32>
      %parallel_loop3A_502 = arith.cmpi eq, %parallel_loop3A_482, %parallel_loop3A_497 : vector<16xi32>
      %parallel_loop3A_503 = arith.cmpi slt, %parallel_loop3A_483, %parallel_loop3A_500 : vector<16xi32>
      %parallel_loop3A_504 = arith.andi %parallel_loop3A_502, %parallel_loop3A_503 : vector<16xi1>
      %parallel_loop3A_505 = arith.ori %parallel_loop3A_501, %parallel_loop3A_504 : vector<16xi1>
      %parallel_loop3A_506 = arith.constant 1 : i32
      %parallel_loop3A_507 = vector.broadcast %parallel_loop3A_506 : i32 to vector<16xi32>
      %parallel_loop3A_508 = arith.andi %iota3A_38, %parallel_loop3A_507 : vector<16xi32>
      %parallel_loop3A_509 = arith.constant 0 : i32
      %parallel_loop3A_510 = vector.broadcast %parallel_loop3A_509 : i32 to vector<16xi32>
      %parallel_loop3A_511 = arith.cmpi eq, %parallel_loop3A_508, %parallel_loop3A_510 : vector<16xi32>
      %parallel_loop3A_512 = arith.xori %parallel_loop3A_491, %parallel_loop3A_511 : vector<16xi1>
      %parallel_loop3A_513 = arith.constant dense<true> : vector<16xi1>
      %parallel_loop3A_514 = arith.xori %parallel_loop3A_512, %parallel_loop3A_513 : vector<16xi1>
      %parallel_loop3A_515 = arith.xori %parallel_loop3A_514, %parallel_loop3A_505 : vector<16xi1>
      %parallel_loop3A_516 = arith.constant dense<true> : vector<16xi1>
      %parallel_loop3A_517 = arith.xori %parallel_loop3A_515, %parallel_loop3A_516 : vector<16xi1>
      %parallel_loop3A_518 = arith.select %parallel_loop3A_517, %parallel_loop3A_482, %parallel_loop3A_497 : vector<16xi1>, vector<16xi32>
      %parallel_loop3A_519 = arith.select %parallel_loop3A_517, %parallel_loop3A_483, %parallel_loop3A_500 : vector<16xi1>, vector<16xi32>
      %parallel_loop3A_520 = arith.index_cast %parallel_loop3A_155 : i32 to index
      %parallel_loop3A_521 = tpu.vector_load %arg8[%parallel_loop3A_520] {strides = array<i32>} : memref<1024xi32, #tpu.memory_space<vmem>>, vector<16xi32>,
      tpu.vector_store %arg8[%parallel_loop3A_520], %parallel_loop3A_518 {strides = array<i32>} : memref<1024xi32, #tpu.memory_space<vmem>>, vector<16xi32>,
      %parallel_loop3A_522 = arith.index_cast %parallel_loop3A_155 : i32 to index
      %parallel_loop3A_523 = tpu.vector_load %arg9[%parallel_loop3A_522] {strides = array<i32>} : memref<1024xi32, #tpu.memory_space<vmem>>, vector<16xi32>,
      tpu.vector_store %arg9[%parallel_loop3A_522], %parallel_loop3A_519 {strides = array<i32>} : memref<1024xi32, #tpu.memory_space<vmem>>, vector<16xi32>,
    } {sc.loop_unroll_factor = 4 : i64, sc.parallel_access}
    %scan3A = arith.constant 0 : i32
    %scan3A_42 = arith.constant 5 : i32
    %scan3A_43 = arith.constant 6 : i32
    %scan3A_44 = arith.addi %scan3A_42, %scan3A_43 : i32
    %scan3A_45 = arith.constant 1 : i32
    scf.for %scan3A_153 = %scan3A_42 to %scan3A_44 step %scan3A_45  : i32 {
      %shift_left3A = arith.constant 1 : i32
      %shift_left3A_154 = arith.shli %shift_left3A, %scan3A_153 : i32
      %sub3A_155 = arith.constant 4 : i32
      %sub3A_156 = arith.subi %scan3A_153, %sub3A_155 : i32
      %while3A = arith.constant 0 : i32
      %while3A_157 = arith.constant 0 : i32
      %while3A_158 = arith.subi %sub3A_156, %while3A_157 : i32
      %while3A_159 = arith.addi %while3A_157, %while3A_158 : i32
      %while3A_160 = arith.constant 1 : i32
      %while3A_161 = arith.divsi %while3A_158, %while3A_160 : i32
      %while3A_162 = arith.muli %while3A_161, %while3A_160 : i32
      %while3A_163 = arith.addi %while3A_157, %while3A_162 : i32
      %while3A_164 = arith.constant 1 : i32
      scf.for %while3A_170 = %while3A_157 to %while3A_163 step %while3A_164  : i32 {
        %add3A_171 = arith.constant 1 : i32
        %add3A_172 = arith.addi %while3A_170, %add3A_171 : i32
        %shift_right_arithmetic3A = arith.shrsi %shift_left3A_154, %add3A_172 : i32
        %parallel_loop3A_173 = arith.constant 0 : i32
        %parallel_loop3A_174 = arith.constant 32 : i32
        %parallel_loop3A_175 = arith.constant 1 : i32
        scf.for %parallel_loop3A_176 = %parallel_loop3A_173 to %parallel_loop3A_174 step %parallel_loop3A_175  : i32 {
          %parallel_loop3A_177 = arith.constant 16 : i32
          %parallel_loop3A_178 = arith.muli %parallel_loop3A_176, %parallel_loop3A_177 : i32
          %parallel_loop3A_179 = arith.constant 1 : i32
          %parallel_loop3A_180 = arith.subi %shift_right_arithmetic3A, %parallel_loop3A_179 : i32
          %parallel_loop3A_181 = arith.constant -1 : i32
          %parallel_loop3A_182 = arith.xori %parallel_loop3A_180, %parallel_loop3A_181 : i32
          %parallel_loop3A_183 = arith.andi %parallel_loop3A_178, %parallel_loop3A_182 : i32
          %parallel_loop3A_184 = arith.constant 1 : i32
          %parallel_loop3A_185 = arith.shli %parallel_loop3A_183, %parallel_loop3A_184 : i32
          %parallel_loop3A_186 = arith.andi %parallel_loop3A_178, %parallel_loop3A_180 : i32
          %parallel_loop3A_187 = arith.ori %parallel_loop3A_185, %parallel_loop3A_186 : i32
          %parallel_loop3A_188 = arith.constant 0 : i32
          %parallel_loop3A_189 = arith.addi %parallel_loop3A_188, %parallel_loop3A_187 : i32
          %parallel_loop3A_190 = arith.index_cast %parallel_loop3A_189 : i32 to index
          %parallel_loop3A_191 = tpu.vector_load %arg8[%parallel_loop3A_190] {strides = array<i32>} : memref<1024xi32, #tpu.memory_space<vmem>>, vector<16xi32>,
          %parallel_loop3A_192 = arith.index_cast %parallel_loop3A_189 : i32 to index
          %parallel_loop3A_193 = tpu.vector_load %arg9[%parallel_loop3A_192] {strides = array<i32>} : memref<1024xi32, #tpu.memory_space<vmem>>, vector<16xi32>,
          %parallel_loop3A_194 = arith.addi %parallel_loop3A_189, %shift_right_arithmetic3A : i32
          %parallel_loop3A_195 = arith.index_cast %parallel_loop3A_194 : i32 to index
          %parallel_loop3A_196 = tpu.vector_load %arg8[%parallel_loop3A_195] {strides = array<i32>} : memref<1024xi32, #tpu.memory_space<vmem>>, vector<16xi32>,
          %parallel_loop3A_197 = arith.addi %parallel_loop3A_189, %shift_right_arithmetic3A : i32
          %parallel_loop3A_198 = arith.index_cast %parallel_loop3A_197 : i32 to index
          %parallel_loop3A_199 = tpu.vector_load %arg9[%parallel_loop3A_198] {strides = array<i32>} : memref<1024xi32, #tpu.memory_space<vmem>>, vector<16xi32>,
          %parallel_loop3A_200 = arith.cmpi sgt, %parallel_loop3A_191, %parallel_loop3A_196 : vector<16xi32>
          %parallel_loop3A_201 = arith.cmpi eq, %parallel_loop3A_191, %parallel_loop3A_196 : vector<16xi32>
          %parallel_loop3A_202 = arith.cmpi slt, %parallel_loop3A_193, %parallel_loop3A_199 : vector<16xi32>
          %parallel_loop3A_203 = arith.andi %parallel_loop3A_201, %parallel_loop3A_202 : vector<16xi1>
          %parallel_loop3A_204 = arith.ori %parallel_loop3A_200, %parallel_loop3A_203 : vector<16xi1>
          %parallel_loop3A_205 = arith.constant true
          %parallel_loop3A_206 = vector.broadcast %parallel_loop3A_205 : i1 to vector<16xi1>
          %parallel_loop3A_207 = arith.andi %parallel_loop3A_189, %shift_left3A_154 : i32
          %parallel_loop3A_208 = arith.constant 0 : i32
          %parallel_loop3A_209 = arith.cmpi eq, %parallel_loop3A_207, %parallel_loop3A_208 : i32
          %parallel_loop3A_210 = vector.broadcast %parallel_loop3A_209 : i1 to vector<16xi1>
          %parallel_loop3A_211 = arith.xori %parallel_loop3A_206, %parallel_loop3A_210 : vector<16xi1>
          %parallel_loop3A_212 = arith.constant dense<true> : vector<16xi1>
          %parallel_loop3A_213 = arith.xori %parallel_loop3A_211, %parallel_loop3A_212 : vector<16xi1>
          %parallel_loop3A_214 = arith.xori %parallel_loop3A_204, %parallel_loop3A_213 : vector<16xi1>
          %parallel_loop3A_215 = arith.constant dense<true> : vector<16xi1>
          %parallel_loop3A_216 = arith.xori %parallel_loop3A_214, %parallel_loop3A_215 : vector<16xi1>
          %parallel_loop3A_217 = arith.select %parallel_loop3A_216, %parallel_loop3A_191, %parallel_loop3A_196 : vector<16xi1>, vector<16xi32>
          %parallel_loop3A_218 = arith.index_cast %parallel_loop3A_189 : i32 to index
          %parallel_loop3A_219 = tpu.vector_load %arg8[%parallel_loop3A_218] {strides = array<i32>} : memref<1024xi32, #tpu.memory_space<vmem>>, vector<16xi32>,
          tpu.vector_store %arg8[%parallel_loop3A_218], %parallel_loop3A_217 {strides = array<i32>} : memref<1024xi32, #tpu.memory_space<vmem>>, vector<16xi32>,
          %parallel_loop3A_220 = arith.select %parallel_loop3A_216, %parallel_loop3A_193, %parallel_loop3A_199 : vector<16xi1>, vector<16xi32>
          %parallel_loop3A_221 = arith.index_cast %parallel_loop3A_189 : i32 to index
          %parallel_loop3A_222 = tpu.vector_load %arg9[%parallel_loop3A_221] {strides = array<i32>} : memref<1024xi32, #tpu.memory_space<vmem>>, vector<16xi32>,
          tpu.vector_store %arg9[%parallel_loop3A_221], %parallel_loop3A_220 {strides = array<i32>} : memref<1024xi32, #tpu.memory_space<vmem>>, vector<16xi32>,
          %parallel_loop3A_223 = arith.select %parallel_loop3A_216, %parallel_loop3A_196, %parallel_loop3A_191 : vector<16xi1>, vector<16xi32>
          %parallel_loop3A_224 = arith.addi %parallel_loop3A_189, %shift_right_arithmetic3A : i32
          %parallel_loop3A_225 = arith.index_cast %parallel_loop3A_224 : i32 to index
          %parallel_loop3A_226 = tpu.vector_load %arg8[%parallel_loop3A_225] {strides = array<i32>} : memref<1024xi32, #tpu.memory_space<vmem>>, vector<16xi32>,
          tpu.vector_store %arg8[%parallel_loop3A_225], %parallel_loop3A_223 {strides = array<i32>} : memref<1024xi32, #tpu.memory_space<vmem>>, vector<16xi32>,
          %parallel_loop3A_227 = arith.select %parallel_loop3A_216, %parallel_loop3A_199, %parallel_loop3A_193 : vector<16xi1>, vector<16xi32>
          %parallel_loop3A_228 = arith.addi %parallel_loop3A_189, %shift_right_arithmetic3A : i32
          %parallel_loop3A_229 = arith.index_cast %parallel_loop3A_228 : i32 to index
          %parallel_loop3A_230 = tpu.vector_load %arg9[%parallel_loop3A_229] {strides = array<i32>} : memref<1024xi32, #tpu.memory_space<vmem>>, vector<16xi32>,
          tpu.vector_store %arg9[%parallel_loop3A_229], %parallel_loop3A_227 {strides = array<i32>} : memref<1024xi32, #tpu.memory_space<vmem>>, vector<16xi32>,
        } {sc.loop_unroll_factor = 2 : i64, sc.parallel_access}
      }
      %while3A_165 = arith.constant 1 : i32
      scf.for %while3A_170 = %while3A_163 to %while3A_159 step %while3A_165  : i32 {
        %add3A_171 = arith.constant 1 : i32
        %add3A_172 = arith.addi %while3A_170, %add3A_171 : i32
        %shift_right_arithmetic3A = arith.shrsi %shift_left3A_154, %add3A_172 : i32
        %parallel_loop3A_173 = arith.constant 0 : i32
        %parallel_loop3A_174 = arith.constant 32 : i32
        %parallel_loop3A_175 = arith.constant 1 : i32
        scf.for %parallel_loop3A_176 = %parallel_loop3A_173 to %parallel_loop3A_174 step %parallel_loop3A_175  : i32 {
          %parallel_loop3A_177 = arith.constant 16 : i32
          %parallel_loop3A_178 = arith.muli %parallel_loop3A_176, %parallel_loop3A_177 : i32
          %parallel_loop3A_179 = arith.constant 1 : i32
          %parallel_loop3A_180 = arith.subi %shift_right_arithmetic3A, %parallel_loop3A_179 : i32
          %parallel_loop3A_181 = arith.constant -1 : i32
          %parallel_loop3A_182 = arith.xori %parallel_loop3A_180, %parallel_loop3A_181 : i32
          %parallel_loop3A_183 = arith.andi %parallel_loop3A_178, %parallel_loop3A_182 : i32
          %parallel_loop3A_184 = arith.constant 1 : i32
          %parallel_loop3A_185 = arith.shli %parallel_loop3A_183, %parallel_loop3A_184 : i32
          %parallel_loop3A_186 = arith.andi %parallel_loop3A_178, %parallel_loop3A_180 : i32
          %parallel_loop3A_187 = arith.ori %parallel_loop3A_185, %parallel_loop3A_186 : i32
          %parallel_loop3A_188 = arith.constant 0 : i32
          %parallel_loop3A_189 = arith.addi %parallel_loop3A_188, %parallel_loop3A_187 : i32
          %parallel_loop3A_190 = arith.index_cast %parallel_loop3A_189 : i32 to index
          %parallel_loop3A_191 = tpu.vector_load %arg8[%parallel_loop3A_190] {strides = array<i32>} : memref<1024xi32, #tpu.memory_space<vmem>>, vector<16xi32>,
          %parallel_loop3A_192 = arith.index_cast %parallel_loop3A_189 : i32 to index
          %parallel_loop3A_193 = tpu.vector_load %arg9[%parallel_loop3A_192] {strides = array<i32>} : memref<1024xi32, #tpu.memory_space<vmem>>, vector<16xi32>,
          %parallel_loop3A_194 = arith.addi %parallel_loop3A_189, %shift_right_arithmetic3A : i32
          %parallel_loop3A_195 = arith.index_cast %parallel_loop3A_194 : i32 to index
          %parallel_loop3A_196 = tpu.vector_load %arg8[%parallel_loop3A_195] {strides = array<i32>} : memref<1024xi32, #tpu.memory_space<vmem>>, vector<16xi32>,
          %parallel_loop3A_197 = arith.addi %parallel_loop3A_189, %shift_right_arithmetic3A : i32
          %parallel_loop3A_198 = arith.index_cast %parallel_loop3A_197 : i32 to index
          %parallel_loop3A_199 = tpu.vector_load %arg9[%parallel_loop3A_198] {strides = array<i32>} : memref<1024xi32, #tpu.memory_space<vmem>>, vector<16xi32>,
          %parallel_loop3A_200 = arith.cmpi sgt, %parallel_loop3A_191, %parallel_loop3A_196 : vector<16xi32>
          %parallel_loop3A_201 = arith.cmpi eq, %parallel_loop3A_191, %parallel_loop3A_196 : vector<16xi32>
          %parallel_loop3A_202 = arith.cmpi slt, %parallel_loop3A_193, %parallel_loop3A_199 : vector<16xi32>
          %parallel_loop3A_203 = arith.andi %parallel_loop3A_201, %parallel_loop3A_202 : vector<16xi1>
          %parallel_loop3A_204 = arith.ori %parallel_loop3A_200, %parallel_loop3A_203 : vector<16xi1>
          %parallel_loop3A_205 = arith.constant true
          %parallel_loop3A_206 = vector.broadcast %parallel_loop3A_205 : i1 to vector<16xi1>
          %parallel_loop3A_207 = arith.andi %parallel_loop3A_189, %shift_left3A_154 : i32
          %parallel_loop3A_208 = arith.constant 0 : i32
          %parallel_loop3A_209 = arith.cmpi eq, %parallel_loop3A_207, %parallel_loop3A_208 : i32
          %parallel_loop3A_210 = vector.broadcast %parallel_loop3A_209 : i1 to vector<16xi1>
          %parallel_loop3A_211 = arith.xori %parallel_loop3A_206, %parallel_loop3A_210 : vector<16xi1>
          %parallel_loop3A_212 = arith.constant dense<true> : vector<16xi1>
          %parallel_loop3A_213 = arith.xori %parallel_loop3A_211, %parallel_loop3A_212 : vector<16xi1>
          %parallel_loop3A_214 = arith.xori %parallel_loop3A_204, %parallel_loop3A_213 : vector<16xi1>
          %parallel_loop3A_215 = arith.constant dense<true> : vector<16xi1>
          %parallel_loop3A_216 = arith.xori %parallel_loop3A_214, %parallel_loop3A_215 : vector<16xi1>
          %parallel_loop3A_217 = arith.select %parallel_loop3A_216, %parallel_loop3A_191, %parallel_loop3A_196 : vector<16xi1>, vector<16xi32>
          %parallel_loop3A_218 = arith.index_cast %parallel_loop3A_189 : i32 to index
          %parallel_loop3A_219 = tpu.vector_load %arg8[%parallel_loop3A_218] {strides = array<i32>} : memref<1024xi32, #tpu.memory_space<vmem>>, vector<16xi32>,
          tpu.vector_store %arg8[%parallel_loop3A_218], %parallel_loop3A_217 {strides = array<i32>} : memref<1024xi32, #tpu.memory_space<vmem>>, vector<16xi32>,
          %parallel_loop3A_220 = arith.select %parallel_loop3A_216, %parallel_loop3A_193, %parallel_loop3A_199 : vector<16xi1>, vector<16xi32>
          %parallel_loop3A_221 = arith.index_cast %parallel_loop3A_189 : i32 to index
          %parallel_loop3A_222 = tpu.vector_load %arg9[%parallel_loop3A_221] {strides = array<i32>} : memref<1024xi32, #tpu.memory_space<vmem>>, vector<16xi32>,
          tpu.vector_store %arg9[%parallel_loop3A_221], %parallel_loop3A_220 {strides = array<i32>} : memref<1024xi32, #tpu.memory_space<vmem>>, vector<16xi32>,
          %parallel_loop3A_223 = arith.select %parallel_loop3A_216, %parallel_loop3A_196, %parallel_loop3A_191 : vector<16xi1>, vector<16xi32>
          %parallel_loop3A_224 = arith.addi %parallel_loop3A_189, %shift_right_arithmetic3A : i32
          %parallel_loop3A_225 = arith.index_cast %parallel_loop3A_224 : i32 to index
          %parallel_loop3A_226 = tpu.vector_load %arg8[%parallel_loop3A_225] {strides = array<i32>} : memref<1024xi32, #tpu.memory_space<vmem>>, vector<16xi32>,
          tpu.vector_store %arg8[%parallel_loop3A_225], %parallel_loop3A_223 {strides = array<i32>} : memref<1024xi32, #tpu.memory_space<vmem>>, vector<16xi32>,
          %parallel_loop3A_227 = arith.select %parallel_loop3A_216, %parallel_loop3A_199, %parallel_loop3A_193 : vector<16xi1>, vector<16xi32>
          %parallel_loop3A_228 = arith.addi %parallel_loop3A_189, %shift_right_arithmetic3A : i32
          %parallel_loop3A_229 = arith.index_cast %parallel_loop3A_228 : i32 to index
          %parallel_loop3A_230 = tpu.vector_load %arg9[%parallel_loop3A_229] {strides = array<i32>} : memref<1024xi32, #tpu.memory_space<vmem>>, vector<16xi32>,
          tpu.vector_store %arg9[%parallel_loop3A_229], %parallel_loop3A_227 {strides = array<i32>} : memref<1024xi32, #tpu.memory_space<vmem>>, vector<16xi32>,
        } {sc.loop_unroll_factor = 2 : i64, sc.parallel_access}
      }
      %iota3A_166 = tpu.iota {dimensions = array<i32: 0>} : vector<16xi32>
      %parallel_loop3A_167 = arith.constant 0 : i32
      %parallel_loop3A_168 = arith.constant 64 : i32
      %parallel_loop3A_169 = arith.constant 1 : i32
      scf.for %parallel_loop3A_170 = %parallel_loop3A_167 to %parallel_loop3A_168 step %parallel_loop3A_169  : i32 {
        %parallel_loop3A_171 = arith.constant 16 : i32
        %parallel_loop3A_172 = arith.muli %parallel_loop3A_170, %parallel_loop3A_171 : i32
        %parallel_loop3A_173 = arith.constant 0 : i32
        %parallel_loop3A_174 = arith.addi %parallel_loop3A_173, %parallel_loop3A_172 : i32
        %parallel_loop3A_175 = arith.index_cast %parallel_loop3A_174 : i32 to index
        %parallel_loop3A_176 = tpu.vector_load %arg8[%parallel_loop3A_175] {strides = array<i32>} : memref<1024xi32, #tpu.memory_space<vmem>>, vector<16xi32>,
        %parallel_loop3A_177 = arith.index_cast %parallel_loop3A_174 : i32 to index
        %parallel_loop3A_178 = tpu.vector_load %arg9[%parallel_loop3A_177] {strides = array<i32>} : memref<1024xi32, #tpu.memory_space<vmem>>, vector<16xi32>,
        %parallel_loop3A_179 = vector.broadcast %parallel_loop3A_174 : i32 to vector<16xi32>
        %parallel_loop3A_180 = arith.addi %parallel_loop3A_179, %iota3A_166 : vector<16xi32>
        %parallel_loop3A_181 = vector.broadcast %shift_left3A_154 : i32 to vector<16xi32>
        %parallel_loop3A_182 = arith.andi %parallel_loop3A_180, %parallel_loop3A_181 : vector<16xi32>
        %parallel_loop3A_183 = arith.constant 0 : i32
        %parallel_loop3A_184 = vector.broadcast %parallel_loop3A_183 : i32 to vector<16xi32>
        %parallel_loop3A_185 = arith.cmpi eq, %parallel_loop3A_182, %parallel_loop3A_184 : vector<16xi32>
        %parallel_loop3A_186 = arith.constant 8 : i32
        %parallel_loop3A_187 = vector.broadcast %parallel_loop3A_186 : i32 to vector<16xi32>
        %parallel_loop3A_188 = arith.xori %iota3A_166, %parallel_loop3A_187 : vector<16xi32>
        %parallel_loop3A_189 = vector.shape_cast %parallel_loop3A_188 : vector<16xi32> to vector<16x1xi32>
        %parallel_loop3A_190 = vector.shape_cast %parallel_loop3A_189 : vector<16x1xi32> to vector<16xi32>
        %parallel_loop3A_191 = tpu.dynamic_gather %parallel_loop3A_176[%parallel_loop3A_190] in [0] : vector<16xi32>, vector<16xi32> -> vector<16xi32>
        %parallel_loop3A_192 = vector.shape_cast %parallel_loop3A_188 : vector<16xi32> to vector<16x1xi32>
        %parallel_loop3A_193 = vector.shape_cast %parallel_loop3A_192 : vector<16x1xi32> to vector<16xi32>
        %parallel_loop3A_194 = tpu.dynamic_gather %parallel_loop3A_178[%parallel_loop3A_193] in [0] : vector<16xi32>, vector<16xi32> -> vector<16xi32>
        %parallel_loop3A_195 = arith.cmpi sgt, %parallel_loop3A_176, %parallel_loop3A_191 : vector<16xi32>
        %parallel_loop3A_196 = arith.cmpi eq, %parallel_loop3A_176, %parallel_loop3A_191 : vector<16xi32>
        %parallel_loop3A_197 = arith.cmpi slt, %parallel_loop3A_178, %parallel_loop3A_194 : vector<16xi32>
        %parallel_loop3A_198 = arith.andi %parallel_loop3A_196, %parallel_loop3A_197 : vector<16xi1>
        %parallel_loop3A_199 = arith.ori %parallel_loop3A_195, %parallel_loop3A_198 : vector<16xi1>
        %parallel_loop3A_200 = arith.constant 8 : i32
        %parallel_loop3A_201 = vector.broadcast %parallel_loop3A_200 : i32 to vector<16xi32>
        %parallel_loop3A_202 = arith.andi %iota3A_166, %parallel_loop3A_201 : vector<16xi32>
        %parallel_loop3A_203 = arith.constant 0 : i32
        %parallel_loop3A_204 = vector.broadcast %parallel_loop3A_203 : i32 to vector<16xi32>
        %parallel_loop3A_205 = arith.cmpi eq, %parallel_loop3A_202, %parallel_loop3A_204 : vector<16xi32>
        %parallel_loop3A_206 = arith.xori %parallel_loop3A_185, %parallel_loop3A_205 : vector<16xi1>
        %parallel_loop3A_207 = arith.constant dense<true> : vector<16xi1>
        %parallel_loop3A_208 = arith.xori %parallel_loop3A_206, %parallel_loop3A_207 : vector<16xi1>
        %parallel_loop3A_209 = arith.xori %parallel_loop3A_208, %parallel_loop3A_199 : vector<16xi1>
        %parallel_loop3A_210 = arith.constant dense<true> : vector<16xi1>
        %parallel_loop3A_211 = arith.xori %parallel_loop3A_209, %parallel_loop3A_210 : vector<16xi1>
        %parallel_loop3A_212 = arith.select %parallel_loop3A_211, %parallel_loop3A_176, %parallel_loop3A_191 : vector<16xi1>, vector<16xi32>
        %parallel_loop3A_213 = arith.select %parallel_loop3A_211, %parallel_loop3A_178, %parallel_loop3A_194 : vector<16xi1>, vector<16xi32>
        %parallel_loop3A_214 = arith.constant 4 : i32
        %parallel_loop3A_215 = vector.broadcast %parallel_loop3A_214 : i32 to vector<16xi32>
        %parallel_loop3A_216 = arith.xori %iota3A_166, %parallel_loop3A_215 : vector<16xi32>
        %parallel_loop3A_217 = vector.shape_cast %parallel_loop3A_216 : vector<16xi32> to vector<16x1xi32>
        %parallel_loop3A_218 = vector.shape_cast %parallel_loop3A_217 : vector<16x1xi32> to vector<16xi32>
        %parallel_loop3A_219 = tpu.dynamic_gather %parallel_loop3A_212[%parallel_loop3A_218] in [0] : vector<16xi32>, vector<16xi32> -> vector<16xi32>
        %parallel_loop3A_220 = vector.shape_cast %parallel_loop3A_216 : vector<16xi32> to vector<16x1xi32>
        %parallel_loop3A_221 = vector.shape_cast %parallel_loop3A_220 : vector<16x1xi32> to vector<16xi32>
        %parallel_loop3A_222 = tpu.dynamic_gather %parallel_loop3A_213[%parallel_loop3A_221] in [0] : vector<16xi32>, vector<16xi32> -> vector<16xi32>
        %parallel_loop3A_223 = arith.cmpi sgt, %parallel_loop3A_212, %parallel_loop3A_219 : vector<16xi32>
        %parallel_loop3A_224 = arith.cmpi eq, %parallel_loop3A_212, %parallel_loop3A_219 : vector<16xi32>
        %parallel_loop3A_225 = arith.cmpi slt, %parallel_loop3A_213, %parallel_loop3A_222 : vector<16xi32>
        %parallel_loop3A_226 = arith.andi %parallel_loop3A_224, %parallel_loop3A_225 : vector<16xi1>
        %parallel_loop3A_227 = arith.ori %parallel_loop3A_223, %parallel_loop3A_226 : vector<16xi1>
        %parallel_loop3A_228 = arith.constant 4 : i32
        %parallel_loop3A_229 = vector.broadcast %parallel_loop3A_228 : i32 to vector<16xi32>
        %parallel_loop3A_230 = arith.andi %iota3A_166, %parallel_loop3A_229 : vector<16xi32>
        %parallel_loop3A_231 = arith.constant 0 : i32
        %parallel_loop3A_232 = vector.broadcast %parallel_loop3A_231 : i32 to vector<16xi32>
        %parallel_loop3A_233 = arith.cmpi eq, %parallel_loop3A_230, %parallel_loop3A_232 : vector<16xi32>
        %parallel_loop3A_234 = arith.xori %parallel_loop3A_185, %parallel_loop3A_233 : vector<16xi1>
        %parallel_loop3A_235 = arith.constant dense<true> : vector<16xi1>
        %parallel_loop3A_236 = arith.xori %parallel_loop3A_234, %parallel_loop3A_235 : vector<16xi1>
        %parallel_loop3A_237 = arith.xori %parallel_loop3A_236, %parallel_loop3A_227 : vector<16xi1>
        %parallel_loop3A_238 = arith.constant dense<true> : vector<16xi1>
        %parallel_loop3A_239 = arith.xori %parallel_loop3A_237, %parallel_loop3A_238 : vector<16xi1>
        %parallel_loop3A_240 = arith.select %parallel_loop3A_239, %parallel_loop3A_212, %parallel_loop3A_219 : vector<16xi1>, vector<16xi32>
        %parallel_loop3A_241 = arith.select %parallel_loop3A_239, %parallel_loop3A_213, %parallel_loop3A_222 : vector<16xi1>, vector<16xi32>
        %parallel_loop3A_242 = arith.constant 2 : i32
        %parallel_loop3A_243 = vector.broadcast %parallel_loop3A_242 : i32 to vector<16xi32>
        %parallel_loop3A_244 = arith.xori %iota3A_166, %parallel_loop3A_243 : vector<16xi32>
        %parallel_loop3A_245 = vector.shape_cast %parallel_loop3A_244 : vector<16xi32> to vector<16x1xi32>
        %parallel_loop3A_246 = vector.shape_cast %parallel_loop3A_245 : vector<16x1xi32> to vector<16xi32>
        %parallel_loop3A_247 = tpu.dynamic_gather %parallel_loop3A_240[%parallel_loop3A_246] in [0] : vector<16xi32>, vector<16xi32> -> vector<16xi32>
        %parallel_loop3A_248 = vector.shape_cast %parallel_loop3A_244 : vector<16xi32> to vector<16x1xi32>
        %parallel_loop3A_249 = vector.shape_cast %parallel_loop3A_248 : vector<16x1xi32> to vector<16xi32>
        %parallel_loop3A_250 = tpu.dynamic_gather %parallel_loop3A_241[%parallel_loop3A_249] in [0] : vector<16xi32>, vector<16xi32> -> vector<16xi32>
        %parallel_loop3A_251 = arith.cmpi sgt, %parallel_loop3A_240, %parallel_loop3A_247 : vector<16xi32>
        %parallel_loop3A_252 = arith.cmpi eq, %parallel_loop3A_240, %parallel_loop3A_247 : vector<16xi32>
        %parallel_loop3A_253 = arith.cmpi slt, %parallel_loop3A_241, %parallel_loop3A_250 : vector<16xi32>
        %parallel_loop3A_254 = arith.andi %parallel_loop3A_252, %parallel_loop3A_253 : vector<16xi1>
        %parallel_loop3A_255 = arith.ori %parallel_loop3A_251, %parallel_loop3A_254 : vector<16xi1>
        %parallel_loop3A_256 = arith.constant 2 : i32
        %parallel_loop3A_257 = vector.broadcast %parallel_loop3A_256 : i32 to vector<16xi32>
        %parallel_loop3A_258 = arith.andi %iota3A_166, %parallel_loop3A_257 : vector<16xi32>
        %parallel_loop3A_259 = arith.constant 0 : i32
        %parallel_loop3A_260 = vector.broadcast %parallel_loop3A_259 : i32 to vector<16xi32>
        %parallel_loop3A_261 = arith.cmpi eq, %parallel_loop3A_258, %parallel_loop3A_260 : vector<16xi32>
        %parallel_loop3A_262 = arith.xori %parallel_loop3A_185, %parallel_loop3A_261 : vector<16xi1>
        %parallel_loop3A_263 = arith.constant dense<true> : vector<16xi1>
        %parallel_loop3A_264 = arith.xori %parallel_loop3A_262, %parallel_loop3A_263 : vector<16xi1>
        %parallel_loop3A_265 = arith.xori %parallel_loop3A_264, %parallel_loop3A_255 : vector<16xi1>
        %parallel_loop3A_266 = arith.constant dense<true> : vector<16xi1>
        %parallel_loop3A_267 = arith.xori %parallel_loop3A_265, %parallel_loop3A_266 : vector<16xi1>
        %parallel_loop3A_268 = arith.select %parallel_loop3A_267, %parallel_loop3A_240, %parallel_loop3A_247 : vector<16xi1>, vector<16xi32>
        %parallel_loop3A_269 = arith.select %parallel_loop3A_267, %parallel_loop3A_241, %parallel_loop3A_250 : vector<16xi1>, vector<16xi32>
        %parallel_loop3A_270 = arith.constant 1 : i32
        %parallel_loop3A_271 = vector.broadcast %parallel_loop3A_270 : i32 to vector<16xi32>
        %parallel_loop3A_272 = arith.xori %iota3A_166, %parallel_loop3A_271 : vector<16xi32>
        %parallel_loop3A_273 = vector.shape_cast %parallel_loop3A_272 : vector<16xi32> to vector<16x1xi32>
        %parallel_loop3A_274 = vector.shape_cast %parallel_loop3A_273 : vector<16x1xi32> to vector<16xi32>
        %parallel_loop3A_275 = tpu.dynamic_gather %parallel_loop3A_268[%parallel_loop3A_274] in [0] : vector<16xi32>, vector<16xi32> -> vector<16xi32>
        %parallel_loop3A_276 = vector.shape_cast %parallel_loop3A_272 : vector<16xi32> to vector<16x1xi32>
        %parallel_loop3A_277 = vector.shape_cast %parallel_loop3A_276 : vector<16x1xi32> to vector<16xi32>
        %parallel_loop3A_278 = tpu.dynamic_gather %parallel_loop3A_269[%parallel_loop3A_277] in [0] : vector<16xi32>, vector<16xi32> -> vector<16xi32>
        %parallel_loop3A_279 = arith.cmpi sgt, %parallel_loop3A_268, %parallel_loop3A_275 : vector<16xi32>
        %parallel_loop3A_280 = arith.cmpi eq, %parallel_loop3A_268, %parallel_loop3A_275 : vector<16xi32>
        %parallel_loop3A_281 = arith.cmpi slt, %parallel_loop3A_269, %parallel_loop3A_278 : vector<16xi32>
        %parallel_loop3A_282 = arith.andi %parallel_loop3A_280, %parallel_loop3A_281 : vector<16xi1>
        %parallel_loop3A_283 = arith.ori %parallel_loop3A_279, %parallel_loop3A_282 : vector<16xi1>
        %parallel_loop3A_284 = arith.constant 1 : i32
        %parallel_loop3A_285 = vector.broadcast %parallel_loop3A_284 : i32 to vector<16xi32>
        %parallel_loop3A_286 = arith.andi %iota3A_166, %parallel_loop3A_285 : vector<16xi32>
        %parallel_loop3A_287 = arith.constant 0 : i32
        %parallel_loop3A_288 = vector.broadcast %parallel_loop3A_287 : i32 to vector<16xi32>
        %parallel_loop3A_289 = arith.cmpi eq, %parallel_loop3A_286, %parallel_loop3A_288 : vector<16xi32>
        %parallel_loop3A_290 = arith.xori %parallel_loop3A_185, %parallel_loop3A_289 : vector<16xi1>
        %parallel_loop3A_291 = arith.constant dense<true> : vector<16xi1>
        %parallel_loop3A_292 = arith.xori %parallel_loop3A_290, %parallel_loop3A_291 : vector<16xi1>
        %parallel_loop3A_293 = arith.xori %parallel_loop3A_292, %parallel_loop3A_283 : vector<16xi1>
        %parallel_loop3A_294 = arith.constant dense<true> : vector<16xi1>
        %parallel_loop3A_295 = arith.xori %parallel_loop3A_293, %parallel_loop3A_294 : vector<16xi1>
        %parallel_loop3A_296 = arith.select %parallel_loop3A_295, %parallel_loop3A_268, %parallel_loop3A_275 : vector<16xi1>, vector<16xi32>
        %parallel_loop3A_297 = arith.select %parallel_loop3A_295, %parallel_loop3A_269, %parallel_loop3A_278 : vector<16xi1>, vector<16xi32>
        %parallel_loop3A_298 = arith.index_cast %parallel_loop3A_174 : i32 to index
        %parallel_loop3A_299 = tpu.vector_load %arg8[%parallel_loop3A_298] {strides = array<i32>} : memref<1024xi32, #tpu.memory_space<vmem>>, vector<16xi32>,
        tpu.vector_store %arg8[%parallel_loop3A_298], %parallel_loop3A_296 {strides = array<i32>} : memref<1024xi32, #tpu.memory_space<vmem>>, vector<16xi32>,
        %parallel_loop3A_300 = arith.index_cast %parallel_loop3A_174 : i32 to index
        %parallel_loop3A_301 = tpu.vector_load %arg9[%parallel_loop3A_300] {strides = array<i32>} : memref<1024xi32, #tpu.memory_space<vmem>>, vector<16xi32>,
        tpu.vector_store %arg9[%parallel_loop3A_300], %parallel_loop3A_297 {strides = array<i32>} : memref<1024xi32, #tpu.memory_space<vmem>>, vector<16xi32>,
      } {sc.loop_unroll_factor = 4 : i64, sc.parallel_access}
    }
    %scan3A_46 = arith.constant 6 : i32
    "tpu.region"() ({
      %run_scoped3A = tpu.sem_alloc : memref<!tpu.dma_semaphore, #tpu.memory_space<semaphore_mem>>
      %dma_start3A_153 = arith.constant 0 : i32
      %dma_start3A_154 = tpu.memref_slice %arg16[%arg1, %dma_start3A_153] : memref<16x1024xi32, #tpu.memory_space<vmem_shared>> -> memref<1x1024xi32, #tpu.memory_space<vmem_shared>>
      %dma_start3A_155 = tpu.memref_squeeze %dma_start3A_154 : memref<1x1024xi32, #tpu.memory_space<vmem_shared>> -> memref<1024xi32, #tpu.memory_space<vmem_shared>>
      %dma_start3A_156 = arith.constant 0 : i32
      %dma_start3A_157 = tpu.memref_slice %arg16[%arg1, %dma_start3A_156] : memref<16x1024xi32, #tpu.memory_space<vmem_shared>> -> memref<1x1024xi32, #tpu.memory_space<vmem_shared>>
      %dma_start3A_158 = tpu.memref_squeeze %dma_start3A_157 : memref<1x1024xi32, #tpu.memory_space<vmem_shared>> -> memref<1024xi32, #tpu.memory_space<vmem_shared>>
      tpu.enqueue_dma source(%arg8 : memref<1024xi32, #tpu.memory_space<vmem>>) target(%dma_start3A_158 : memref<1024xi32, #tpu.memory_space<vmem_shared>>) target_semaphore(%run_scoped3A : memref<!tpu.dma_semaphore, #tpu.memory_space<semaphore_mem>>)
      %dma_wait3A_159 = arith.constant 0 : i32
      %dma_wait3A_160 = tpu.memref_slice %arg16[%arg1, %dma_wait3A_159] : memref<16x1024xi32, #tpu.memory_space<vmem_shared>> -> memref<1x1024xi32, #tpu.memory_space<vmem_shared>>
      %dma_wait3A_161 = tpu.memref_squeeze %dma_wait3A_160 : memref<1x1024xi32, #tpu.memory_space<vmem_shared>> -> memref<1024xi32, #tpu.memory_space<vmem_shared>>
      %dma_wait3A_162 = arith.constant 0 : i32
      %dma_wait3A_163 = tpu.memref_slice %arg16[%arg1, %dma_wait3A_162] : memref<16x1024xi32, #tpu.memory_space<vmem_shared>> -> memref<1x1024xi32, #tpu.memory_space<vmem_shared>>
      %dma_wait3A_164 = tpu.memref_squeeze %dma_wait3A_163 : memref<1x1024xi32, #tpu.memory_space<vmem_shared>> -> memref<1024xi32, #tpu.memory_space<vmem_shared>>
      tpu.wait_dma2 semaphore(%run_scoped3A : memref<!tpu.dma_semaphore, #tpu.memory_space<semaphore_mem>>) src(%arg8 : memref<1024xi32, #tpu.memory_space<vmem>>) dst(%dma_wait3A_164 : memref<1024xi32, #tpu.memory_space<vmem_shared>>)
      tpu.yield
    }) : () -> ()
    "tpu.region"() ({
      %run_scoped3A = tpu.sem_alloc : memref<!tpu.dma_semaphore, #tpu.memory_space<semaphore_mem>>
      %dma_start3A_153 = arith.constant 0 : i32
      %dma_start3A_154 = tpu.memref_slice %arg17[%arg1, %dma_start3A_153] : memref<16x1024xi32, #tpu.memory_space<vmem_shared>> -> memref<1x1024xi32, #tpu.memory_space<vmem_shared>>
      %dma_start3A_155 = tpu.memref_squeeze %dma_start3A_154 : memref<1x1024xi32, #tpu.memory_space<vmem_shared>> -> memref<1024xi32, #tpu.memory_space<vmem_shared>>
      %dma_start3A_156 = arith.constant 0 : i32
      %dma_start3A_157 = tpu.memref_slice %arg17[%arg1, %dma_start3A_156] : memref<16x1024xi32, #tpu.memory_space<vmem_shared>> -> memref<1x1024xi32, #tpu.memory_space<vmem_shared>>
      %dma_start3A_158 = tpu.memref_squeeze %dma_start3A_157 : memref<1x1024xi32, #tpu.memory_space<vmem_shared>> -> memref<1024xi32, #tpu.memory_space<vmem_shared>>
      tpu.enqueue_dma source(%arg9 : memref<1024xi32, #tpu.memory_space<vmem>>) target(%dma_start3A_158 : memref<1024xi32, #tpu.memory_space<vmem_shared>>) target_semaphore(%run_scoped3A : memref<!tpu.dma_semaphore, #tpu.memory_space<semaphore_mem>>)
      %dma_wait3A_159 = arith.constant 0 : i32
      %dma_wait3A_160 = tpu.memref_slice %arg17[%arg1, %dma_wait3A_159] : memref<16x1024xi32, #tpu.memory_space<vmem_shared>> -> memref<1x1024xi32, #tpu.memory_space<vmem_shared>>
      %dma_wait3A_161 = tpu.memref_squeeze %dma_wait3A_160 : memref<1x1024xi32, #tpu.memory_space<vmem_shared>> -> memref<1024xi32, #tpu.memory_space<vmem_shared>>
      %dma_wait3A_162 = arith.constant 0 : i32
      %dma_wait3A_163 = tpu.memref_slice %arg17[%arg1, %dma_wait3A_162] : memref<16x1024xi32, #tpu.memory_space<vmem_shared>> -> memref<1x1024xi32, #tpu.memory_space<vmem_shared>>
      %dma_wait3A_164 = tpu.memref_squeeze %dma_wait3A_163 : memref<1x1024xi32, #tpu.memory_space<vmem_shared>> -> memref<1024xi32, #tpu.memory_space<vmem_shared>>
      tpu.wait_dma2 semaphore(%run_scoped3A : memref<!tpu.dma_semaphore, #tpu.memory_space<semaphore_mem>>) src(%arg9 : memref<1024xi32, #tpu.memory_space<vmem>>) dst(%dma_wait3A_164 : memref<1024xi32, #tpu.memory_space<vmem_shared>>)
      tpu.yield
    }) : () -> ()
    %barrier3A = arith.constant 0 : index
    tpu.barrier barrier_id(%barrier3A)
    %scan3A_47 = arith.constant 0 : i32
    %scan3A_48 = arith.constant 0 : i32
    %scan3A_49 = arith.constant 3 : i32
    %scan3A_50 = arith.addi %scan3A_48, %scan3A_49 : i32
    %scan3A_51 = arith.constant 1 : i32
    scf.for %scan3A_153 = %scan3A_48 to %scan3A_50 step %scan3A_51  : i32 {
      %shift_right_arithmetic3A = arith.constant 4 : i32
      %shift_right_arithmetic3A_154 = arith.shrsi %shift_right_arithmetic3A, %scan3A_153 : i32
      %mul3A_155 = arith.constant 2 : i32
      %mul3A_156 = arith.muli %mul3A_155, %shift_right_arithmetic3A_154 : i32
      %lt3A_157 = arith.cmpi slt, %select_n3A_28, %mul3A_156 : i32
      %sub3A_158 = arith.constant 1 : i32
      %sub3A_159 = arith.subi %shift_right_arithmetic3A_154, %sub3A_158 : i32
      %and3A_160 = arith.andi %select_n3A_28, %sub3A_159 : i32
      %sub3A_161 = arith.constant 2 : i32
      %sub3A_162 = arith.subi %sub3A_161, %scan3A_153 : i32
      %shift_right_arithmetic3A_163 = arith.shrsi %select_n3A_28, %sub3A_162 : i32
      %convert_element_type3A_164 = arith.extui %lt3A_157 : i1 to i32
      %cond3A_165 = arith.constant 0 : i32
      %cond3A_166 = arith.cmpi ne, %convert_element_type3A_164, %cond3A_165 : i32
      scf.if %cond3A_166 {
        %mul3A_172 = arith.constant 8 : i32
        %mul3A_173 = arith.muli %select_n3A, %mul3A_172 : i32
        %mul3A_174 = arith.constant 2 : i32
        %mul3A_175 = arith.muli %mul3A_174, %and3A_160 : i32
        %add3A_176 = arith.addi %mul3A_173, %mul3A_175 : i32
        "tpu.region"() ({
          %run_scoped3A = tpu.sem_alloc : memref<!tpu.dma_semaphore, #tpu.memory_space<semaphore_mem>>
          %dma_start3A_181 = arith.constant 0 : i32
          %dma_start3A_182 = tpu.memref_slice %arg16[%add3A_176, %dma_start3A_181] : memref<16x1024xi32, #tpu.memory_space<vmem_shared>> -> memref<1x1024xi32, #tpu.memory_space<vmem_shared>>
          %dma_start3A_183 = tpu.memref_squeeze %dma_start3A_182 : memref<1x1024xi32, #tpu.memory_space<vmem_shared>> -> memref<1024xi32, #tpu.memory_space<vmem_shared>>
          %dma_start3A_184 = arith.constant 0 : i32
          %dma_start3A_185 = tpu.memref_slice %arg16[%add3A_176, %dma_start3A_184] : memref<16x1024xi32, #tpu.memory_space<vmem_shared>> -> memref<1x1024xi32, #tpu.memory_space<vmem_shared>>
          %dma_start3A_186 = tpu.memref_squeeze %dma_start3A_185 : memref<1x1024xi32, #tpu.memory_space<vmem_shared>> -> memref<1024xi32, #tpu.memory_space<vmem_shared>>
          tpu.enqueue_dma source(%dma_start3A_186 : memref<1024xi32, #tpu.memory_space<vmem_shared>>) target(%arg8 : memref<1024xi32, #tpu.memory_space<vmem>>) target_semaphore(%run_scoped3A : memref<!tpu.dma_semaphore, #tpu.memory_space<semaphore_mem>>)
          %dma_wait3A_187 = arith.constant 0 : i32
          %dma_wait3A_188 = tpu.memref_slice %arg16[%add3A_176, %dma_wait3A_187] : memref<16x1024xi32, #tpu.memory_space<vmem_shared>> -> memref<1x1024xi32, #tpu.memory_space<vmem_shared>>
          %dma_wait3A_189 = tpu.memref_squeeze %dma_wait3A_188 : memref<1x1024xi32, #tpu.memory_space<vmem_shared>> -> memref<1024xi32, #tpu.memory_space<vmem_shared>>
          %dma_wait3A_190 = arith.constant 0 : i32
          %dma_wait3A_191 = tpu.memref_slice %arg16[%add3A_176, %dma_wait3A_190] : memref<16x1024xi32, #tpu.memory_space<vmem_shared>> -> memref<1x1024xi32, #tpu.memory_space<vmem_shared>>
          %dma_wait3A_192 = tpu.memref_squeeze %dma_wait3A_191 : memref<1x1024xi32, #tpu.memory_space<vmem_shared>> -> memref<1024xi32, #tpu.memory_space<vmem_shared>>
          tpu.wait_dma2 semaphore(%run_scoped3A : memref<!tpu.dma_semaphore, #tpu.memory_space<semaphore_mem>>) src(%dma_wait3A_192 : memref<1024xi32, #tpu.memory_space<vmem_shared>>) dst(%arg8 : memref<1024xi32, #tpu.memory_space<vmem>>)
          tpu.yield
        }) : () -> ()
        "tpu.region"() ({
          %run_scoped3A = tpu.sem_alloc : memref<!tpu.dma_semaphore, #tpu.memory_space<semaphore_mem>>
          %dma_start3A_181 = arith.constant 0 : i32
          %dma_start3A_182 = tpu.memref_slice %arg17[%add3A_176, %dma_start3A_181] : memref<16x1024xi32, #tpu.memory_space<vmem_shared>> -> memref<1x1024xi32, #tpu.memory_space<vmem_shared>>
          %dma_start3A_183 = tpu.memref_squeeze %dma_start3A_182 : memref<1x1024xi32, #tpu.memory_space<vmem_shared>> -> memref<1024xi32, #tpu.memory_space<vmem_shared>>
          %dma_start3A_184 = arith.constant 0 : i32
          %dma_start3A_185 = tpu.memref_slice %arg17[%add3A_176, %dma_start3A_184] : memref<16x1024xi32, #tpu.memory_space<vmem_shared>> -> memref<1x1024xi32, #tpu.memory_space<vmem_shared>>
          %dma_start3A_186 = tpu.memref_squeeze %dma_start3A_185 : memref<1x1024xi32, #tpu.memory_space<vmem_shared>> -> memref<1024xi32, #tpu.memory_space<vmem_shared>>
          tpu.enqueue_dma source(%dma_start3A_186 : memref<1024xi32, #tpu.memory_space<vmem_shared>>) target(%arg9 : memref<1024xi32, #tpu.memory_space<vmem>>) target_semaphore(%run_scoped3A : memref<!tpu.dma_semaphore, #tpu.memory_space<semaphore_mem>>)
          %dma_wait3A_187 = arith.constant 0 : i32
          %dma_wait3A_188 = tpu.memref_slice %arg17[%add3A_176, %dma_wait3A_187] : memref<16x1024xi32, #tpu.memory_space<vmem_shared>> -> memref<1x1024xi32, #tpu.memory_space<vmem_shared>>
          %dma_wait3A_189 = tpu.memref_squeeze %dma_wait3A_188 : memref<1x1024xi32, #tpu.memory_space<vmem_shared>> -> memref<1024xi32, #tpu.memory_space<vmem_shared>>
          %dma_wait3A_190 = arith.constant 0 : i32
          %dma_wait3A_191 = tpu.memref_slice %arg17[%add3A_176, %dma_wait3A_190] : memref<16x1024xi32, #tpu.memory_space<vmem_shared>> -> memref<1x1024xi32, #tpu.memory_space<vmem_shared>>
          %dma_wait3A_192 = tpu.memref_squeeze %dma_wait3A_191 : memref<1x1024xi32, #tpu.memory_space<vmem_shared>> -> memref<1024xi32, #tpu.memory_space<vmem_shared>>
          tpu.wait_dma2 semaphore(%run_scoped3A : memref<!tpu.dma_semaphore, #tpu.memory_space<semaphore_mem>>) src(%dma_wait3A_192 : memref<1024xi32, #tpu.memory_space<vmem_shared>>) dst(%arg9 : memref<1024xi32, #tpu.memory_space<vmem>>)
          tpu.yield
        }) : () -> ()
        %add3A_177 = arith.constant 1 : i32
        %add3A_178 = arith.addi %add3A_176, %add3A_177 : i32
        "tpu.region"() ({
          %run_scoped3A = tpu.sem_alloc : memref<!tpu.dma_semaphore, #tpu.memory_space<semaphore_mem>>
          %dma_start3A_181 = arith.constant 0 : i32
          %dma_start3A_182 = tpu.memref_slice %arg16[%add3A_178, %dma_start3A_181] : memref<16x1024xi32, #tpu.memory_space<vmem_shared>> -> memref<1x1024xi32, #tpu.memory_space<vmem_shared>>
          %dma_start3A_183 = tpu.memref_squeeze %dma_start3A_182 : memref<1x1024xi32, #tpu.memory_space<vmem_shared>> -> memref<1024xi32, #tpu.memory_space<vmem_shared>>
          %dma_start3A_184 = arith.constant 0 : i32
          %dma_start3A_185 = tpu.memref_slice %arg16[%add3A_178, %dma_start3A_184] : memref<16x1024xi32, #tpu.memory_space<vmem_shared>> -> memref<1x1024xi32, #tpu.memory_space<vmem_shared>>
          %dma_start3A_186 = tpu.memref_squeeze %dma_start3A_185 : memref<1x1024xi32, #tpu.memory_space<vmem_shared>> -> memref<1024xi32, #tpu.memory_space<vmem_shared>>
          tpu.enqueue_dma source(%dma_start3A_186 : memref<1024xi32, #tpu.memory_space<vmem_shared>>) target(%arg10 : memref<1024xi32, #tpu.memory_space<vmem>>) target_semaphore(%run_scoped3A : memref<!tpu.dma_semaphore, #tpu.memory_space<semaphore_mem>>)
          %dma_wait3A_187 = arith.constant 0 : i32
          %dma_wait3A_188 = tpu.memref_slice %arg16[%add3A_178, %dma_wait3A_187] : memref<16x1024xi32, #tpu.memory_space<vmem_shared>> -> memref<1x1024xi32, #tpu.memory_space<vmem_shared>>
          %dma_wait3A_189 = tpu.memref_squeeze %dma_wait3A_188 : memref<1x1024xi32, #tpu.memory_space<vmem_shared>> -> memref<1024xi32, #tpu.memory_space<vmem_shared>>
          %dma_wait3A_190 = arith.constant 0 : i32
          %dma_wait3A_191 = tpu.memref_slice %arg16[%add3A_178, %dma_wait3A_190] : memref<16x1024xi32, #tpu.memory_space<vmem_shared>> -> memref<1x1024xi32, #tpu.memory_space<vmem_shared>>
          %dma_wait3A_192 = tpu.memref_squeeze %dma_wait3A_191 : memref<1x1024xi32, #tpu.memory_space<vmem_shared>> -> memref<1024xi32, #tpu.memory_space<vmem_shared>>
          tpu.wait_dma2 semaphore(%run_scoped3A : memref<!tpu.dma_semaphore, #tpu.memory_space<semaphore_mem>>) src(%dma_wait3A_192 : memref<1024xi32, #tpu.memory_space<vmem_shared>>) dst(%arg10 : memref<1024xi32, #tpu.memory_space<vmem>>)
          tpu.yield
        }) : () -> ()
        %add3A_179 = arith.constant 1 : i32
        %add3A_180 = arith.addi %add3A_176, %add3A_179 : i32
        "tpu.region"() ({
          %run_scoped3A = tpu.sem_alloc : memref<!tpu.dma_semaphore, #tpu.memory_space<semaphore_mem>>
          %dma_start3A_181 = arith.constant 0 : i32
          %dma_start3A_182 = tpu.memref_slice %arg17[%add3A_180, %dma_start3A_181] : memref<16x1024xi32, #tpu.memory_space<vmem_shared>> -> memref<1x1024xi32, #tpu.memory_space<vmem_shared>>
          %dma_start3A_183 = tpu.memref_squeeze %dma_start3A_182 : memref<1x1024xi32, #tpu.memory_space<vmem_shared>> -> memref<1024xi32, #tpu.memory_space<vmem_shared>>
          %dma_start3A_184 = arith.constant 0 : i32
          %dma_start3A_185 = tpu.memref_slice %arg17[%add3A_180, %dma_start3A_184] : memref<16x1024xi32, #tpu.memory_space<vmem_shared>> -> memref<1x1024xi32, #tpu.memory_space<vmem_shared>>
          %dma_start3A_186 = tpu.memref_squeeze %dma_start3A_185 : memref<1x1024xi32, #tpu.memory_space<vmem_shared>> -> memref<1024xi32, #tpu.memory_space<vmem_shared>>
          tpu.enqueue_dma source(%dma_start3A_186 : memref<1024xi32, #tpu.memory_space<vmem_shared>>) target(%arg11 : memref<1024xi32, #tpu.memory_space<vmem>>) target_semaphore(%run_scoped3A : memref<!tpu.dma_semaphore, #tpu.memory_space<semaphore_mem>>)
          %dma_wait3A_187 = arith.constant 0 : i32
          %dma_wait3A_188 = tpu.memref_slice %arg17[%add3A_180, %dma_wait3A_187] : memref<16x1024xi32, #tpu.memory_space<vmem_shared>> -> memref<1x1024xi32, #tpu.memory_space<vmem_shared>>
          %dma_wait3A_189 = tpu.memref_squeeze %dma_wait3A_188 : memref<1x1024xi32, #tpu.memory_space<vmem_shared>> -> memref<1024xi32, #tpu.memory_space<vmem_shared>>
          %dma_wait3A_190 = arith.constant 0 : i32
          %dma_wait3A_191 = tpu.memref_slice %arg17[%add3A_180, %dma_wait3A_190] : memref<16x1024xi32, #tpu.memory_space<vmem_shared>> -> memref<1x1024xi32, #tpu.memory_space<vmem_shared>>
          %dma_wait3A_192 = tpu.memref_squeeze %dma_wait3A_191 : memref<1x1024xi32, #tpu.memory_space<vmem_shared>> -> memref<1024xi32, #tpu.memory_space<vmem_shared>>
          tpu.wait_dma2 semaphore(%run_scoped3A : memref<!tpu.dma_semaphore, #tpu.memory_space<semaphore_mem>>) src(%dma_wait3A_192 : memref<1024xi32, #tpu.memory_space<vmem_shared>>) dst(%arg11 : memref<1024xi32, #tpu.memory_space<vmem>>)
          tpu.yield
        }) : () -> ()
      } else {
      }
      %barrier3A_167 = arith.constant 0 : index
      tpu.barrier barrier_id(%barrier3A_167)
      %convert_element_type3A_168 = arith.extui %lt3A_157 : i1 to i32
      %cond3A_169 = arith.constant 0 : i32
      %cond3A_170 = arith.cmpi ne, %convert_element_type3A_168, %cond3A_169 : i32
      scf.if %cond3A_170 {
        %iota3A_172 = tpu.iota {dimensions = array<i32: 0>} : vector<16xi32>
        %parallel_loop3A_173 = arith.constant 0 : i32
        %parallel_loop3A_174 = arith.constant 64 : i32
        %parallel_loop3A_175 = arith.constant 1 : i32
        scf.for %parallel_loop3A_199 = %parallel_loop3A_173 to %parallel_loop3A_174 step %parallel_loop3A_175  : i32 {
          %parallel_loop3A_200 = arith.constant 16 : i32
          %parallel_loop3A_201 = arith.muli %parallel_loop3A_199, %parallel_loop3A_200 : i32
          %parallel_loop3A_202 = arith.index_cast %parallel_loop3A_201 : i32 to index
          %parallel_loop3A_203 = tpu.vector_load %arg8[%parallel_loop3A_202] {strides = array<i32>} : memref<1024xi32, #tpu.memory_space<vmem>>, vector<16xi32>,
          %parallel_loop3A_204 = arith.index_cast %parallel_loop3A_201 : i32 to index
          %parallel_loop3A_205 = tpu.vector_load %arg9[%parallel_loop3A_204] {strides = array<i32>} : memref<1024xi32, #tpu.memory_space<vmem>>, vector<16xi32>,
          %parallel_loop3A_206 = arith.constant 1023 : i32
          %parallel_loop3A_207 = arith.subi %parallel_loop3A_206, %parallel_loop3A_201 : i32
          %parallel_loop3A_208 = vector.broadcast %parallel_loop3A_207 : i32 to vector<16xi32>
          %parallel_loop3A_209 = arith.subi %parallel_loop3A_208, %iota3A_172 : vector<16xi32>
          %parallel_loop3A_210 = tpu.vector_load_idx %arg10[%parallel_loop3A_209] : memref<1024xi32, #tpu.memory_space<vmem>>[vector<16xi32>], vector<16xi32>,
          %parallel_loop3A_211 = tpu.vector_load_idx %arg11[%parallel_loop3A_209] : memref<1024xi32, #tpu.memory_space<vmem>>[vector<16xi32>], vector<16xi32>,
          %parallel_loop3A_212 = arith.cmpi sgt, %parallel_loop3A_203, %parallel_loop3A_210 : vector<16xi32>
          %parallel_loop3A_213 = arith.cmpi eq, %parallel_loop3A_203, %parallel_loop3A_210 : vector<16xi32>
          %parallel_loop3A_214 = arith.cmpi slt, %parallel_loop3A_205, %parallel_loop3A_211 : vector<16xi32>
          %parallel_loop3A_215 = arith.andi %parallel_loop3A_213, %parallel_loop3A_214 : vector<16xi1>
          %parallel_loop3A_216 = arith.ori %parallel_loop3A_212, %parallel_loop3A_215 : vector<16xi1>
          %parallel_loop3A_217 = arith.select %parallel_loop3A_216, %parallel_loop3A_203, %parallel_loop3A_210 : vector<16xi1>, vector<16xi32>
          %parallel_loop3A_218 = arith.index_cast %parallel_loop3A_201 : i32 to index
          %parallel_loop3A_219 = tpu.vector_load %arg8[%parallel_loop3A_218] {strides = array<i32>} : memref<1024xi32, #tpu.memory_space<vmem>>, vector<16xi32>,
          tpu.vector_store %arg8[%parallel_loop3A_218], %parallel_loop3A_217 {strides = array<i32>} : memref<1024xi32, #tpu.memory_space<vmem>>, vector<16xi32>,
          %parallel_loop3A_220 = arith.select %parallel_loop3A_216, %parallel_loop3A_205, %parallel_loop3A_211 : vector<16xi1>, vector<16xi32>
          %parallel_loop3A_221 = arith.index_cast %parallel_loop3A_201 : i32 to index
          %parallel_loop3A_222 = tpu.vector_load %arg9[%parallel_loop3A_221] {strides = array<i32>} : memref<1024xi32, #tpu.memory_space<vmem>>, vector<16xi32>,
          tpu.vector_store %arg9[%parallel_loop3A_221], %parallel_loop3A_220 {strides = array<i32>} : memref<1024xi32, #tpu.memory_space<vmem>>, vector<16xi32>,
        } {sc.loop_unroll_factor = 2 : i64, sc.parallel_access}
        %parallel_loop3A_176 = arith.constant 0 : i32
        %parallel_loop3A_177 = arith.constant 32 : i32
        %parallel_loop3A_178 = arith.constant 1 : i32
        scf.for %parallel_loop3A_199 = %parallel_loop3A_176 to %parallel_loop3A_177 step %parallel_loop3A_178  : i32 {
          %parallel_loop3A_200 = arith.constant 16 : i32
          %parallel_loop3A_201 = arith.muli %parallel_loop3A_199, %parallel_loop3A_200 : i32
          %parallel_loop3A_202 = arith.constant -512 : i32
          %parallel_loop3A_203 = arith.andi %parallel_loop3A_201, %parallel_loop3A_202 : i32
          %parallel_loop3A_204 = arith.constant 1 : i32
          %parallel_loop3A_205 = arith.shli %parallel_loop3A_203, %parallel_loop3A_204 : i32
          %parallel_loop3A_206 = arith.constant 511 : i32
          %parallel_loop3A_207 = arith.andi %parallel_loop3A_201, %parallel_loop3A_206 : i32
          %parallel_loop3A_208 = arith.ori %parallel_loop3A_205, %parallel_loop3A_207 : i32
          %parallel_loop3A_209 = arith.constant 0 : i32
          %parallel_loop3A_210 = arith.addi %parallel_loop3A_209, %parallel_loop3A_208 : i32
          %parallel_loop3A_211 = arith.index_cast %parallel_loop3A_210 : i32 to index
          %parallel_loop3A_212 = tpu.vector_load %arg8[%parallel_loop3A_211] {strides = array<i32>} : memref<1024xi32, #tpu.memory_space<vmem>>, vector<16xi32>,
          %parallel_loop3A_213 = arith.index_cast %parallel_loop3A_210 : i32 to index
          %parallel_loop3A_214 = tpu.vector_load %arg9[%parallel_loop3A_213] {strides = array<i32>} : memref<1024xi32, #tpu.memory_space<vmem>>, vector<16xi32>,
          %parallel_loop3A_215 = arith.constant 512 : i32
          %parallel_loop3A_216 = arith.addi %parallel_loop3A_210, %parallel_loop3A_215 : i32
          %parallel_loop3A_217 = arith.index_cast %parallel_loop3A_216 : i32 to index
          %parallel_loop3A_218 = tpu.vector_load %arg8[%parallel_loop3A_217] {strides = array<i32>} : memref<1024xi32, #tpu.memory_space<vmem>>, vector<16xi32>,
          %parallel_loop3A_219 = arith.constant 512 : i32
          %parallel_loop3A_220 = arith.addi %parallel_loop3A_210, %parallel_loop3A_219 : i32
          %parallel_loop3A_221 = arith.index_cast %parallel_loop3A_220 : i32 to index
          %parallel_loop3A_222 = tpu.vector_load %arg9[%parallel_loop3A_221] {strides = array<i32>} : memref<1024xi32, #tpu.memory_space<vmem>>, vector<16xi32>,
          %parallel_loop3A_223 = arith.cmpi sgt, %parallel_loop3A_212, %parallel_loop3A_218 : vector<16xi32>
          %parallel_loop3A_224 = arith.cmpi eq, %parallel_loop3A_212, %parallel_loop3A_218 : vector<16xi32>
          %parallel_loop3A_225 = arith.cmpi slt, %parallel_loop3A_214, %parallel_loop3A_222 : vector<16xi32>
          %parallel_loop3A_226 = arith.andi %parallel_loop3A_224, %parallel_loop3A_225 : vector<16xi1>
          %parallel_loop3A_227 = arith.ori %parallel_loop3A_223, %parallel_loop3A_226 : vector<16xi1>
          %parallel_loop3A_228 = arith.select %parallel_loop3A_227, %parallel_loop3A_212, %parallel_loop3A_218 : vector<16xi1>, vector<16xi32>
          %parallel_loop3A_229 = arith.index_cast %parallel_loop3A_210 : i32 to index
          %parallel_loop3A_230 = tpu.vector_load %arg8[%parallel_loop3A_229] {strides = array<i32>} : memref<1024xi32, #tpu.memory_space<vmem>>, vector<16xi32>,
          tpu.vector_store %arg8[%parallel_loop3A_229], %parallel_loop3A_228 {strides = array<i32>} : memref<1024xi32, #tpu.memory_space<vmem>>, vector<16xi32>,
          %parallel_loop3A_231 = arith.select %parallel_loop3A_227, %parallel_loop3A_214, %parallel_loop3A_222 : vector<16xi1>, vector<16xi32>
          %parallel_loop3A_232 = arith.index_cast %parallel_loop3A_210 : i32 to index
          %parallel_loop3A_233 = tpu.vector_load %arg9[%parallel_loop3A_232] {strides = array<i32>} : memref<1024xi32, #tpu.memory_space<vmem>>, vector<16xi32>,
          tpu.vector_store %arg9[%parallel_loop3A_232], %parallel_loop3A_231 {strides = array<i32>} : memref<1024xi32, #tpu.memory_space<vmem>>, vector<16xi32>,
          %parallel_loop3A_234 = arith.select %parallel_loop3A_227, %parallel_loop3A_218, %parallel_loop3A_212 : vector<16xi1>, vector<16xi32>
          %parallel_loop3A_235 = arith.constant 512 : i32
          %parallel_loop3A_236 = arith.addi %parallel_loop3A_210, %parallel_loop3A_235 : i32
          %parallel_loop3A_237 = arith.index_cast %parallel_loop3A_236 : i32 to index
          %parallel_loop3A_238 = tpu.vector_load %arg8[%parallel_loop3A_237] {strides = array<i32>} : memref<1024xi32, #tpu.memory_space<vmem>>, vector<16xi32>,
          tpu.vector_store %arg8[%parallel_loop3A_237], %parallel_loop3A_234 {strides = array<i32>} : memref<1024xi32, #tpu.memory_space<vmem>>, vector<16xi32>,
          %parallel_loop3A_239 = arith.select %parallel_loop3A_227, %parallel_loop3A_222, %parallel_loop3A_214 : vector<16xi1>, vector<16xi32>
          %parallel_loop3A_240 = arith.constant 512 : i32
          %parallel_loop3A_241 = arith.addi %parallel_loop3A_210, %parallel_loop3A_240 : i32
          %parallel_loop3A_242 = arith.index_cast %parallel_loop3A_241 : i32 to index
          %parallel_loop3A_243 = tpu.vector_load %arg9[%parallel_loop3A_242] {strides = array<i32>} : memref<1024xi32, #tpu.memory_space<vmem>>, vector<16xi32>,
          tpu.vector_store %arg9[%parallel_loop3A_242], %parallel_loop3A_239 {strides = array<i32>} : memref<1024xi32, #tpu.memory_space<vmem>>, vector<16xi32>,
        } {sc.loop_unroll_factor = 2 : i64, sc.parallel_access}
        %mul3A_179 = arith.constant 512 : i32
        %mul3A_180 = arith.muli %shift_right_arithmetic3A_163, %mul3A_179 : i32
        %scan3A_181 = arith.constant 0 : i32
        %scan3A_182 = arith.constant 0 : i32
        %scan3A_183 = arith.constant 5 : i32
        %scan3A_184 = arith.addi %scan3A_182, %scan3A_183 : i32
        %scan3A_185 = arith.constant 1 : i32
        scf.for %scan3A_199 = %scan3A_182 to %scan3A_184 step %scan3A_185  : i32 {
          %shift_right_arithmetic3A_200 = arith.constant 256 : i32
          %shift_right_arithmetic3A_201 = arith.shrsi %shift_right_arithmetic3A_200, %scan3A_199 : i32
          %parallel_loop3A_202 = arith.constant 0 : i32
          %parallel_loop3A_203 = arith.constant 16 : i32
          %parallel_loop3A_204 = arith.constant 1 : i32
          scf.for %parallel_loop3A_205 = %parallel_loop3A_202 to %parallel_loop3A_203 step %parallel_loop3A_204  : i32 {
            %parallel_loop3A_206 = arith.constant 16 : i32
            %parallel_loop3A_207 = arith.muli %parallel_loop3A_205, %parallel_loop3A_206 : i32
            %parallel_loop3A_208 = arith.constant 1 : i32
            %parallel_loop3A_209 = arith.subi %shift_right_arithmetic3A_201, %parallel_loop3A_208 : i32
            %parallel_loop3A_210 = arith.constant -1 : i32
            %parallel_loop3A_211 = arith.xori %parallel_loop3A_209, %parallel_loop3A_210 : i32
            %parallel_loop3A_212 = arith.andi %parallel_loop3A_207, %parallel_loop3A_211 : i32
            %parallel_loop3A_213 = arith.constant 1 : i32
            %parallel_loop3A_214 = arith.shli %parallel_loop3A_212, %parallel_loop3A_213 : i32
            %parallel_loop3A_215 = arith.andi %parallel_loop3A_207, %parallel_loop3A_209 : i32
            %parallel_loop3A_216 = arith.ori %parallel_loop3A_214, %parallel_loop3A_215 : i32
            %parallel_loop3A_217 = arith.addi %mul3A_180, %parallel_loop3A_216 : i32
            %parallel_loop3A_218 = arith.index_cast %parallel_loop3A_217 : i32 to index
            %parallel_loop3A_219 = tpu.vector_load %arg8[%parallel_loop3A_218] {strides = array<i32>} : memref<1024xi32, #tpu.memory_space<vmem>>, vector<16xi32>,
            %parallel_loop3A_220 = arith.index_cast %parallel_loop3A_217 : i32 to index
            %parallel_loop3A_221 = tpu.vector_load %arg9[%parallel_loop3A_220] {strides = array<i32>} : memref<1024xi32, #tpu.memory_space<vmem>>, vector<16xi32>,
            %parallel_loop3A_222 = arith.addi %parallel_loop3A_217, %shift_right_arithmetic3A_201 : i32
            %parallel_loop3A_223 = arith.index_cast %parallel_loop3A_222 : i32 to index
            %parallel_loop3A_224 = tpu.vector_load %arg8[%parallel_loop3A_223] {strides = array<i32>} : memref<1024xi32, #tpu.memory_space<vmem>>, vector<16xi32>,
            %parallel_loop3A_225 = arith.addi %parallel_loop3A_217, %shift_right_arithmetic3A_201 : i32
            %parallel_loop3A_226 = arith.index_cast %parallel_loop3A_225 : i32 to index
            %parallel_loop3A_227 = tpu.vector_load %arg9[%parallel_loop3A_226] {strides = array<i32>} : memref<1024xi32, #tpu.memory_space<vmem>>, vector<16xi32>,
            %parallel_loop3A_228 = arith.cmpi sgt, %parallel_loop3A_219, %parallel_loop3A_224 : vector<16xi32>
            %parallel_loop3A_229 = arith.cmpi eq, %parallel_loop3A_219, %parallel_loop3A_224 : vector<16xi32>
            %parallel_loop3A_230 = arith.cmpi slt, %parallel_loop3A_221, %parallel_loop3A_227 : vector<16xi32>
            %parallel_loop3A_231 = arith.andi %parallel_loop3A_229, %parallel_loop3A_230 : vector<16xi1>
            %parallel_loop3A_232 = arith.ori %parallel_loop3A_228, %parallel_loop3A_231 : vector<16xi1>
            %parallel_loop3A_233 = arith.select %parallel_loop3A_232, %parallel_loop3A_219, %parallel_loop3A_224 : vector<16xi1>, vector<16xi32>
            %parallel_loop3A_234 = arith.index_cast %parallel_loop3A_217 : i32 to index
            %parallel_loop3A_235 = tpu.vector_load %arg8[%parallel_loop3A_234] {strides = array<i32>} : memref<1024xi32, #tpu.memory_space<vmem>>, vector<16xi32>,
            tpu.vector_store %arg8[%parallel_loop3A_234], %parallel_loop3A_233 {strides = array<i32>} : memref<1024xi32, #tpu.memory_space<vmem>>, vector<16xi32>,
            %parallel_loop3A_236 = arith.select %parallel_loop3A_232, %parallel_loop3A_221, %parallel_loop3A_227 : vector<16xi1>, vector<16xi32>
            %parallel_loop3A_237 = arith.index_cast %parallel_loop3A_217 : i32 to index
            %parallel_loop3A_238 = tpu.vector_load %arg9[%parallel_loop3A_237] {strides = array<i32>} : memref<1024xi32, #tpu.memory_space<vmem>>, vector<16xi32>,
            tpu.vector_store %arg9[%parallel_loop3A_237], %parallel_loop3A_236 {strides = array<i32>} : memref<1024xi32, #tpu.memory_space<vmem>>, vector<16xi32>,
            %parallel_loop3A_239 = arith.select %parallel_loop3A_232, %parallel_loop3A_224, %parallel_loop3A_219 : vector<16xi1>, vector<16xi32>
            %parallel_loop3A_240 = arith.addi %parallel_loop3A_217, %shift_right_arithmetic3A_201 : i32
            %parallel_loop3A_241 = arith.index_cast %parallel_loop3A_240 : i32 to index
            %parallel_loop3A_242 = tpu.vector_load %arg8[%parallel_loop3A_241] {strides = array<i32>} : memref<1024xi32, #tpu.memory_space<vmem>>, vector<16xi32>,
            tpu.vector_store %arg8[%parallel_loop3A_241], %parallel_loop3A_239 {strides = array<i32>} : memref<1024xi32, #tpu.memory_space<vmem>>, vector<16xi32>,
            %parallel_loop3A_243 = arith.select %parallel_loop3A_232, %parallel_loop3A_227, %parallel_loop3A_221 : vector<16xi1>, vector<16xi32>
            %parallel_loop3A_244 = arith.addi %parallel_loop3A_217, %shift_right_arithmetic3A_201 : i32
            %parallel_loop3A_245 = arith.index_cast %parallel_loop3A_244 : i32 to index
            %parallel_loop3A_246 = tpu.vector_load %arg9[%parallel_loop3A_245] {strides = array<i32>} : memref<1024xi32, #tpu.memory_space<vmem>>, vector<16xi32>,
            tpu.vector_store %arg9[%parallel_loop3A_245], %parallel_loop3A_243 {strides = array<i32>} : memref<1024xi32, #tpu.memory_space<vmem>>, vector<16xi32>,
          } {sc.loop_unroll_factor = 2 : i64, sc.parallel_access}
        }
        %scan3A_186 = arith.constant 5 : i32
        %iota3A_187 = tpu.iota {dimensions = array<i32: 0>} : vector<16xi32>
        %parallel_loop3A_188 = arith.constant 0 : i32
        %parallel_loop3A_189 = arith.constant 32 : i32
        %parallel_loop3A_190 = arith.constant 1 : i32
        scf.for %parallel_loop3A_199 = %parallel_loop3A_188 to %parallel_loop3A_189 step %parallel_loop3A_190  : i32 {
          %parallel_loop3A_200 = arith.constant 16 : i32
          %parallel_loop3A_201 = arith.muli %parallel_loop3A_199, %parallel_loop3A_200 : i32
          %parallel_loop3A_202 = arith.addi %mul3A_180, %parallel_loop3A_201 : i32
          %parallel_loop3A_203 = arith.index_cast %parallel_loop3A_202 : i32 to index
          %parallel_loop3A_204 = tpu.vector_load %arg8[%parallel_loop3A_203] {strides = array<i32>} : memref<1024xi32, #tpu.memory_space<vmem>>, vector<16xi32>,
          %parallel_loop3A_205 = arith.index_cast %parallel_loop3A_202 : i32 to index
          %parallel_loop3A_206 = tpu.vector_load %arg9[%parallel_loop3A_205] {strides = array<i32>} : memref<1024xi32, #tpu.memory_space<vmem>>, vector<16xi32>,
          %parallel_loop3A_207 = arith.constant 0 : i32
          %parallel_loop3A_208 = vector.broadcast %parallel_loop3A_207 : i32 to vector<16xi32>
          %parallel_loop3A_209 = arith.cmpi sge, %iota3A_187, %parallel_loop3A_208 : vector<16xi32>
          %parallel_loop3A_210 = arith.constant 8 : i32
          %parallel_loop3A_211 = vector.broadcast %parallel_loop3A_210 : i32 to vector<16xi32>
          %parallel_loop3A_212 = arith.xori %iota3A_187, %parallel_loop3A_211 : vector<16xi32>
          %parallel_loop3A_213 = vector.shape_cast %parallel_loop3A_212 : vector<16xi32> to vector<16x1xi32>
          %parallel_loop3A_214 = vector.shape_cast %parallel_loop3A_213 : vector<16x1xi32> to vector<16xi32>
          %parallel_loop3A_215 = tpu.dynamic_gather %parallel_loop3A_204[%parallel_loop3A_214] in [0] : vector<16xi32>, vector<16xi32> -> vector<16xi32>
          %parallel_loop3A_216 = vector.shape_cast %parallel_loop3A_212 : vector<16xi32> to vector<16x1xi32>
          %parallel_loop3A_217 = vector.shape_cast %parallel_loop3A_216 : vector<16x1xi32> to vector<16xi32>
          %parallel_loop3A_218 = tpu.dynamic_gather %parallel_loop3A_206[%parallel_loop3A_217] in [0] : vector<16xi32>, vector<16xi32> -> vector<16xi32>
          %parallel_loop3A_219 = arith.cmpi sgt, %parallel_loop3A_204, %parallel_loop3A_215 : vector<16xi32>
          %parallel_loop3A_220 = arith.cmpi eq, %parallel_loop3A_204, %parallel_loop3A_215 : vector<16xi32>
          %parallel_loop3A_221 = arith.cmpi slt, %parallel_loop3A_206, %parallel_loop3A_218 : vector<16xi32>
          %parallel_loop3A_222 = arith.andi %parallel_loop3A_220, %parallel_loop3A_221 : vector<16xi1>
          %parallel_loop3A_223 = arith.ori %parallel_loop3A_219, %parallel_loop3A_222 : vector<16xi1>
          %parallel_loop3A_224 = arith.constant 8 : i32
          %parallel_loop3A_225 = vector.broadcast %parallel_loop3A_224 : i32 to vector<16xi32>
          %parallel_loop3A_226 = arith.andi %iota3A_187, %parallel_loop3A_225 : vector<16xi32>
          %parallel_loop3A_227 = arith.constant 0 : i32
          %parallel_loop3A_228 = vector.broadcast %parallel_loop3A_227 : i32 to vector<16xi32>
          %parallel_loop3A_229 = arith.cmpi eq, %parallel_loop3A_226, %parallel_loop3A_228 : vector<16xi32>
          %parallel_loop3A_230 = arith.xori %parallel_loop3A_209, %parallel_loop3A_229 : vector<16xi1>
          %parallel_loop3A_231 = arith.constant dense<true> : vector<16xi1>
          %parallel_loop3A_232 = arith.xori %parallel_loop3A_230, %parallel_loop3A_231 : vector<16xi1>
          %parallel_loop3A_233 = arith.xori %parallel_loop3A_232, %parallel_loop3A_223 : vector<16xi1>
          %parallel_loop3A_234 = arith.constant dense<true> : vector<16xi1>
          %parallel_loop3A_235 = arith.xori %parallel_loop3A_233, %parallel_loop3A_234 : vector<16xi1>
          %parallel_loop3A_236 = arith.select %parallel_loop3A_235, %parallel_loop3A_204, %parallel_loop3A_215 : vector<16xi1>, vector<16xi32>
          %parallel_loop3A_237 = arith.select %parallel_loop3A_235, %parallel_loop3A_206, %parallel_loop3A_218 : vector<16xi1>, vector<16xi32>
          %parallel_loop3A_238 = arith.constant 4 : i32
          %parallel_loop3A_239 = vector.broadcast %parallel_loop3A_238 : i32 to vector<16xi32>
          %parallel_loop3A_240 = arith.xori %iota3A_187, %parallel_loop3A_239 : vector<16xi32>
          %parallel_loop3A_241 = vector.shape_cast %parallel_loop3A_240 : vector<16xi32> to vector<16x1xi32>
          %parallel_loop3A_242 = vector.shape_cast %parallel_loop3A_241 : vector<16x1xi32> to vector<16xi32>
          %parallel_loop3A_243 = tpu.dynamic_gather %parallel_loop3A_236[%parallel_loop3A_242] in [0] : vector<16xi32>, vector<16xi32> -> vector<16xi32>
          %parallel_loop3A_244 = vector.shape_cast %parallel_loop3A_240 : vector<16xi32> to vector<16x1xi32>
          %parallel_loop3A_245 = vector.shape_cast %parallel_loop3A_244 : vector<16x1xi32> to vector<16xi32>
          %parallel_loop3A_246 = tpu.dynamic_gather %parallel_loop3A_237[%parallel_loop3A_245] in [0] : vector<16xi32>, vector<16xi32> -> vector<16xi32>
          %parallel_loop3A_247 = arith.cmpi sgt, %parallel_loop3A_236, %parallel_loop3A_243 : vector<16xi32>
          %parallel_loop3A_248 = arith.cmpi eq, %parallel_loop3A_236, %parallel_loop3A_243 : vector<16xi32>
          %parallel_loop3A_249 = arith.cmpi slt, %parallel_loop3A_237, %parallel_loop3A_246 : vector<16xi32>
          %parallel_loop3A_250 = arith.andi %parallel_loop3A_248, %parallel_loop3A_249 : vector<16xi1>
          %parallel_loop3A_251 = arith.ori %parallel_loop3A_247, %parallel_loop3A_250 : vector<16xi1>
          %parallel_loop3A_252 = arith.constant 4 : i32
          %parallel_loop3A_253 = vector.broadcast %parallel_loop3A_252 : i32 to vector<16xi32>
          %parallel_loop3A_254 = arith.andi %iota3A_187, %parallel_loop3A_253 : vector<16xi32>
          %parallel_loop3A_255 = arith.constant 0 : i32
          %parallel_loop3A_256 = vector.broadcast %parallel_loop3A_255 : i32 to vector<16xi32>
          %parallel_loop3A_257 = arith.cmpi eq, %parallel_loop3A_254, %parallel_loop3A_256 : vector<16xi32>
          %parallel_loop3A_258 = arith.xori %parallel_loop3A_209, %parallel_loop3A_257 : vector<16xi1>
          %parallel_loop3A_259 = arith.constant dense<true> : vector<16xi1>
          %parallel_loop3A_260 = arith.xori %parallel_loop3A_258, %parallel_loop3A_259 : vector<16xi1>
          %parallel_loop3A_261 = arith.xori %parallel_loop3A_260, %parallel_loop3A_251 : vector<16xi1>
          %parallel_loop3A_262 = arith.constant dense<true> : vector<16xi1>
          %parallel_loop3A_263 = arith.xori %parallel_loop3A_261, %parallel_loop3A_262 : vector<16xi1>
          %parallel_loop3A_264 = arith.select %parallel_loop3A_263, %parallel_loop3A_236, %parallel_loop3A_243 : vector<16xi1>, vector<16xi32>
          %parallel_loop3A_265 = arith.select %parallel_loop3A_263, %parallel_loop3A_237, %parallel_loop3A_246 : vector<16xi1>, vector<16xi32>
          %parallel_loop3A_266 = arith.constant 2 : i32
          %parallel_loop3A_267 = vector.broadcast %parallel_loop3A_266 : i32 to vector<16xi32>
          %parallel_loop3A_268 = arith.xori %iota3A_187, %parallel_loop3A_267 : vector<16xi32>
          %parallel_loop3A_269 = vector.shape_cast %parallel_loop3A_268 : vector<16xi32> to vector<16x1xi32>
          %parallel_loop3A_270 = vector.shape_cast %parallel_loop3A_269 : vector<16x1xi32> to vector<16xi32>
          %parallel_loop3A_271 = tpu.dynamic_gather %parallel_loop3A_264[%parallel_loop3A_270] in [0] : vector<16xi32>, vector<16xi32> -> vector<16xi32>
          %parallel_loop3A_272 = vector.shape_cast %parallel_loop3A_268 : vector<16xi32> to vector<16x1xi32>
          %parallel_loop3A_273 = vector.shape_cast %parallel_loop3A_272 : vector<16x1xi32> to vector<16xi32>
          %parallel_loop3A_274 = tpu.dynamic_gather %parallel_loop3A_265[%parallel_loop3A_273] in [0] : vector<16xi32>, vector<16xi32> -> vector<16xi32>
          %parallel_loop3A_275 = arith.cmpi sgt, %parallel_loop3A_264, %parallel_loop3A_271 : vector<16xi32>
          %parallel_loop3A_276 = arith.cmpi eq, %parallel_loop3A_264, %parallel_loop3A_271 : vector<16xi32>
          %parallel_loop3A_277 = arith.cmpi slt, %parallel_loop3A_265, %parallel_loop3A_274 : vector<16xi32>
          %parallel_loop3A_278 = arith.andi %parallel_loop3A_276, %parallel_loop3A_277 : vector<16xi1>
          %parallel_loop3A_279 = arith.ori %parallel_loop3A_275, %parallel_loop3A_278 : vector<16xi1>
          %parallel_loop3A_280 = arith.constant 2 : i32
          %parallel_loop3A_281 = vector.broadcast %parallel_loop3A_280 : i32 to vector<16xi32>
          %parallel_loop3A_282 = arith.andi %iota3A_187, %parallel_loop3A_281 : vector<16xi32>
          %parallel_loop3A_283 = arith.constant 0 : i32
          %parallel_loop3A_284 = vector.broadcast %parallel_loop3A_283 : i32 to vector<16xi32>
          %parallel_loop3A_285 = arith.cmpi eq, %parallel_loop3A_282, %parallel_loop3A_284 : vector<16xi32>
          %parallel_loop3A_286 = arith.xori %parallel_loop3A_209, %parallel_loop3A_285 : vector<16xi1>
          %parallel_loop3A_287 = arith.constant dense<true> : vector<16xi1>
          %parallel_loop3A_288 = arith.xori %parallel_loop3A_286, %parallel_loop3A_287 : vector<16xi1>
          %parallel_loop3A_289 = arith.xori %parallel_loop3A_288, %parallel_loop3A_279 : vector<16xi1>
          %parallel_loop3A_290 = arith.constant dense<true> : vector<16xi1>
          %parallel_loop3A_291 = arith.xori %parallel_loop3A_289, %parallel_loop3A_290 : vector<16xi1>
          %parallel_loop3A_292 = arith.select %parallel_loop3A_291, %parallel_loop3A_264, %parallel_loop3A_271 : vector<16xi1>, vector<16xi32>
          %parallel_loop3A_293 = arith.select %parallel_loop3A_291, %parallel_loop3A_265, %parallel_loop3A_274 : vector<16xi1>, vector<16xi32>
          %parallel_loop3A_294 = arith.constant 1 : i32
          %parallel_loop3A_295 = vector.broadcast %parallel_loop3A_294 : i32 to vector<16xi32>
          %parallel_loop3A_296 = arith.xori %iota3A_187, %parallel_loop3A_295 : vector<16xi32>
          %parallel_loop3A_297 = vector.shape_cast %parallel_loop3A_296 : vector<16xi32> to vector<16x1xi32>
          %parallel_loop3A_298 = vector.shape_cast %parallel_loop3A_297 : vector<16x1xi32> to vector<16xi32>
          %parallel_loop3A_299 = tpu.dynamic_gather %parallel_loop3A_292[%parallel_loop3A_298] in [0] : vector<16xi32>, vector<16xi32> -> vector<16xi32>
          %parallel_loop3A_300 = vector.shape_cast %parallel_loop3A_296 : vector<16xi32> to vector<16x1xi32>
          %parallel_loop3A_301 = vector.shape_cast %parallel_loop3A_300 : vector<16x1xi32> to vector<16xi32>
          %parallel_loop3A_302 = tpu.dynamic_gather %parallel_loop3A_293[%parallel_loop3A_301] in [0] : vector<16xi32>, vector<16xi32> -> vector<16xi32>
          %parallel_loop3A_303 = arith.cmpi sgt, %parallel_loop3A_292, %parallel_loop3A_299 : vector<16xi32>
          %parallel_loop3A_304 = arith.cmpi eq, %parallel_loop3A_292, %parallel_loop3A_299 : vector<16xi32>
          %parallel_loop3A_305 = arith.cmpi slt, %parallel_loop3A_293, %parallel_loop3A_302 : vector<16xi32>
          %parallel_loop3A_306 = arith.andi %parallel_loop3A_304, %parallel_loop3A_305 : vector<16xi1>
          %parallel_loop3A_307 = arith.ori %parallel_loop3A_303, %parallel_loop3A_306 : vector<16xi1>
          %parallel_loop3A_308 = arith.constant 1 : i32
          %parallel_loop3A_309 = vector.broadcast %parallel_loop3A_308 : i32 to vector<16xi32>
          %parallel_loop3A_310 = arith.andi %iota3A_187, %parallel_loop3A_309 : vector<16xi32>
          %parallel_loop3A_311 = arith.constant 0 : i32
          %parallel_loop3A_312 = vector.broadcast %parallel_loop3A_311 : i32 to vector<16xi32>
          %parallel_loop3A_313 = arith.cmpi eq, %parallel_loop3A_310, %parallel_loop3A_312 : vector<16xi32>
          %parallel_loop3A_314 = arith.xori %parallel_loop3A_209, %parallel_loop3A_313 : vector<16xi1>
          %parallel_loop3A_315 = arith.constant dense<true> : vector<16xi1>
          %parallel_loop3A_316 = arith.xori %parallel_loop3A_314, %parallel_loop3A_315 : vector<16xi1>
          %parallel_loop3A_317 = arith.xori %parallel_loop3A_316, %parallel_loop3A_307 : vector<16xi1>
          %parallel_loop3A_318 = arith.constant dense<true> : vector<16xi1>
          %parallel_loop3A_319 = arith.xori %parallel_loop3A_317, %parallel_loop3A_318 : vector<16xi1>
          %parallel_loop3A_320 = arith.select %parallel_loop3A_319, %parallel_loop3A_292, %parallel_loop3A_299 : vector<16xi1>, vector<16xi32>
          %parallel_loop3A_321 = arith.select %parallel_loop3A_319, %parallel_loop3A_293, %parallel_loop3A_302 : vector<16xi1>, vector<16xi32>
          %parallel_loop3A_322 = arith.index_cast %parallel_loop3A_202 : i32 to index
          %parallel_loop3A_323 = tpu.vector_load %arg8[%parallel_loop3A_322] {strides = array<i32>} : memref<1024xi32, #tpu.memory_space<vmem>>, vector<16xi32>,
          tpu.vector_store %arg8[%parallel_loop3A_322], %parallel_loop3A_320 {strides = array<i32>} : memref<1024xi32, #tpu.memory_space<vmem>>, vector<16xi32>,
          %parallel_loop3A_324 = arith.index_cast %parallel_loop3A_202 : i32 to index
          %parallel_loop3A_325 = tpu.vector_load %arg9[%parallel_loop3A_324] {strides = array<i32>} : memref<1024xi32, #tpu.memory_space<vmem>>, vector<16xi32>,
          tpu.vector_store %arg9[%parallel_loop3A_324], %parallel_loop3A_321 {strides = array<i32>} : memref<1024xi32, #tpu.memory_space<vmem>>, vector<16xi32>,
        } {sc.loop_unroll_factor = 4 : i64, sc.parallel_access}
        %mul3A_191 = arith.constant 512 : i32
        %mul3A_192 = arith.muli %shift_right_arithmetic3A_163, %mul3A_191 : i32
        %mul3A_193 = arith.constant 8 : i32
        %mul3A_194 = arith.muli %select_n3A, %mul3A_193 : i32
        %add3A_195 = arith.addi %mul3A_194, %and3A_160 : i32
        "tpu.region"() ({
          %run_scoped3A = tpu.sem_alloc : memref<!tpu.dma_semaphore, #tpu.memory_space<semaphore_mem>>
          %dma_start3A_199 = tpu.memref_slice %arg8[%mul3A_192] : memref<1024xi32, #tpu.memory_space<vmem>> -> memref<512xi32, #tpu.memory_space<vmem>>
          %dma_start3A_200 = tpu.memref_slice %arg16[%add3A_195, %mul3A_192] : memref<16x1024xi32, #tpu.memory_space<vmem_shared>> -> memref<1x512xi32, #tpu.memory_space<vmem_shared>>
          %dma_start3A_201 = tpu.memref_squeeze %dma_start3A_200 : memref<1x512xi32, #tpu.memory_space<vmem_shared>> -> memref<512xi32, #tpu.memory_space<vmem_shared>>
          %dma_start3A_202 = tpu.memref_slice %arg16[%add3A_195, %mul3A_192] : memref<16x1024xi32, #tpu.memory_space<vmem_shared>> -> memref<1x512xi32, #tpu.memory_space<vmem_shared>>
          %dma_start3A_203 = tpu.memref_squeeze %dma_start3A_202 : memref<1x512xi32, #tpu.memory_space<vmem_shared>> -> memref<512xi32, #tpu.memory_space<vmem_shared>>
          %dma_start3A_204 = tpu.memref_slice %arg8[%mul3A_192] : memref<1024xi32, #tpu.memory_space<vmem>> -> memref<512xi32, #tpu.memory_space<vmem>>
          tpu.enqueue_dma source(%dma_start3A_204 : memref<512xi32, #tpu.memory_space<vmem>>) target(%dma_start3A_203 : memref<512xi32, #tpu.memory_space<vmem_shared>>) target_semaphore(%run_scoped3A : memref<!tpu.dma_semaphore, #tpu.memory_space<semaphore_mem>>)
          %dma_wait3A_205 = tpu.memref_slice %arg8[%mul3A_192] : memref<1024xi32, #tpu.memory_space<vmem>> -> memref<512xi32, #tpu.memory_space<vmem>>
          %dma_wait3A_206 = tpu.memref_slice %arg16[%add3A_195, %mul3A_192] : memref<16x1024xi32, #tpu.memory_space<vmem_shared>> -> memref<1x512xi32, #tpu.memory_space<vmem_shared>>
          %dma_wait3A_207 = tpu.memref_squeeze %dma_wait3A_206 : memref<1x512xi32, #tpu.memory_space<vmem_shared>> -> memref<512xi32, #tpu.memory_space<vmem_shared>>
          %dma_wait3A_208 = tpu.memref_slice %arg16[%add3A_195, %mul3A_192] : memref<16x1024xi32, #tpu.memory_space<vmem_shared>> -> memref<1x512xi32, #tpu.memory_space<vmem_shared>>
          %dma_wait3A_209 = tpu.memref_squeeze %dma_wait3A_208 : memref<1x512xi32, #tpu.memory_space<vmem_shared>> -> memref<512xi32, #tpu.memory_space<vmem_shared>>
          %dma_wait3A_210 = tpu.memref_slice %arg8[%mul3A_192] : memref<1024xi32, #tpu.memory_space<vmem>> -> memref<512xi32, #tpu.memory_space<vmem>>
          tpu.wait_dma2 semaphore(%run_scoped3A : memref<!tpu.dma_semaphore, #tpu.memory_space<semaphore_mem>>) src(%dma_wait3A_210 : memref<512xi32, #tpu.memory_space<vmem>>) dst(%dma_wait3A_209 : memref<512xi32, #tpu.memory_space<vmem_shared>>)
          tpu.yield
        }) : () -> ()
        %mul3A_196 = arith.constant 8 : i32
        %mul3A_197 = arith.muli %select_n3A, %mul3A_196 : i32
        %add3A_198 = arith.addi %mul3A_197, %and3A_160 : i32
        "tpu.region"() ({
          %run_scoped3A = tpu.sem_alloc : memref<!tpu.dma_semaphore, #tpu.memory_space<semaphore_mem>>
          %dma_start3A_199 = tpu.memref_slice %arg9[%mul3A_192] : memref<1024xi32, #tpu.memory_space<vmem>> -> memref<512xi32, #tpu.memory_space<vmem>>
          %dma_start3A_200 = tpu.memref_slice %arg17[%add3A_198, %mul3A_192] : memref<16x1024xi32, #tpu.memory_space<vmem_shared>> -> memref<1x512xi32, #tpu.memory_space<vmem_shared>>
          %dma_start3A_201 = tpu.memref_squeeze %dma_start3A_200 : memref<1x512xi32, #tpu.memory_space<vmem_shared>> -> memref<512xi32, #tpu.memory_space<vmem_shared>>
          %dma_start3A_202 = tpu.memref_slice %arg17[%add3A_198, %mul3A_192] : memref<16x1024xi32, #tpu.memory_space<vmem_shared>> -> memref<1x512xi32, #tpu.memory_space<vmem_shared>>
          %dma_start3A_203 = tpu.memref_squeeze %dma_start3A_202 : memref<1x512xi32, #tpu.memory_space<vmem_shared>> -> memref<512xi32, #tpu.memory_space<vmem_shared>>
          %dma_start3A_204 = tpu.memref_slice %arg9[%mul3A_192] : memref<1024xi32, #tpu.memory_space<vmem>> -> memref<512xi32, #tpu.memory_space<vmem>>
          tpu.enqueue_dma source(%dma_start3A_204 : memref<512xi32, #tpu.memory_space<vmem>>) target(%dma_start3A_203 : memref<512xi32, #tpu.memory_space<vmem_shared>>) target_semaphore(%run_scoped3A : memref<!tpu.dma_semaphore, #tpu.memory_space<semaphore_mem>>)
          %dma_wait3A_205 = tpu.memref_slice %arg9[%mul3A_192] : memref<1024xi32, #tpu.memory_space<vmem>> -> memref<512xi32, #tpu.memory_space<vmem>>
          %dma_wait3A_206 = tpu.memref_slice %arg17[%add3A_198, %mul3A_192] : memref<16x1024xi32, #tpu.memory_space<vmem_shared>> -> memref<1x512xi32, #tpu.memory_space<vmem_shared>>
          %dma_wait3A_207 = tpu.memref_squeeze %dma_wait3A_206 : memref<1x512xi32, #tpu.memory_space<vmem_shared>> -> memref<512xi32, #tpu.memory_space<vmem_shared>>
          %dma_wait3A_208 = tpu.memref_slice %arg17[%add3A_198, %mul3A_192] : memref<16x1024xi32, #tpu.memory_space<vmem_shared>> -> memref<1x512xi32, #tpu.memory_space<vmem_shared>>
          %dma_wait3A_209 = tpu.memref_squeeze %dma_wait3A_208 : memref<1x512xi32, #tpu.memory_space<vmem_shared>> -> memref<512xi32, #tpu.memory_space<vmem_shared>>
          %dma_wait3A_210 = tpu.memref_slice %arg9[%mul3A_192] : memref<1024xi32, #tpu.memory_space<vmem>> -> memref<512xi32, #tpu.memory_space<vmem>>
          tpu.wait_dma2 semaphore(%run_scoped3A : memref<!tpu.dma_semaphore, #tpu.memory_space<semaphore_mem>>) src(%dma_wait3A_210 : memref<512xi32, #tpu.memory_space<vmem>>) dst(%dma_wait3A_209 : memref<512xi32, #tpu.memory_space<vmem_shared>>)
          tpu.yield
        }) : () -> ()
      } else {
      }
      %barrier3A_171 = arith.constant 0 : index
      tpu.barrier barrier_id(%barrier3A_171)
    }
    %scan3A_52 = arith.constant 3 : i32
    %lt3A_53 = arith.constant 2 : i32
    %lt3A_54 = arith.cmpi slt, %select_n3A_28, %lt3A_53 : i32
    %convert_element_type3A = arith.extui %lt3A_54 : i1 to i32
    %cond3A = arith.constant 0 : i32
    %cond3A_55 = arith.cmpi ne, %convert_element_type3A, %cond3A : i32
    scf.if %cond3A_55 {
      %mul3A_153 = arith.constant 512 : i32
      %mul3A_154 = arith.muli %select_n3A_28, %mul3A_153 : i32
      %parallel_loop3A_155 = arith.constant 0 : i32
      %parallel_loop3A_156 = arith.constant 32 : i32
      %parallel_loop3A_157 = arith.constant 1 : i32
      scf.for %parallel_loop3A_161 = %parallel_loop3A_155 to %parallel_loop3A_156 step %parallel_loop3A_157  : i32 {
        %parallel_loop3A_162 = arith.constant 16 : i32
        %parallel_loop3A_163 = arith.muli %parallel_loop3A_161, %parallel_loop3A_162 : i32
        %parallel_loop3A_164 = arith.addi %mul3A_154, %parallel_loop3A_163 : i32
        %parallel_loop3A_165 = arith.index_cast %parallel_loop3A_164 : i32 to index
        %parallel_loop3A_166 = tpu.vector_load %arg8[%parallel_loop3A_165] {strides = array<i32>} : memref<1024xi32, #tpu.memory_space<vmem>>, vector<16xi32>,
        %parallel_loop3A_167 = vector.bitcast %parallel_loop3A_166 : vector<16xi32> to vector<16xf32>
        %parallel_loop3A_168 = arith.constant 16 : i32
        %parallel_loop3A_169 = arith.muli %parallel_loop3A_161, %parallel_loop3A_168 : i32
        %parallel_loop3A_170 = arith.index_cast %parallel_loop3A_169 : i32 to index
        %parallel_loop3A_171 = tpu.vector_load %arg15[%parallel_loop3A_170] {strides = array<i32>} : memref<512xf32, #tpu.memory_space<vmem>>, vector<16xf32>,
        tpu.vector_store %arg15[%parallel_loop3A_170], %parallel_loop3A_167 {strides = array<i32>} : memref<512xf32, #tpu.memory_space<vmem>>, vector<16xf32>,
      } {sc.loop_unroll_factor = 2 : i64, sc.parallel_access}
      %mul3A_158 = arith.constant 1024 : i32
      %mul3A_159 = arith.muli %add3A_30, %mul3A_158 : i32
      %add3A_160 = arith.addi %mul3A_159, %mul3A_154 : i32
      "tpu.region"() ({
        %run_scoped3A = tpu.sem_alloc : memref<!tpu.dma_semaphore, #tpu.memory_space<semaphore_mem>>
        %dma_start3A_161 = tpu.memref_slice %arg7[%add3A_160] : memref<4096xf32, #tpu.memory_space<hbm>> -> memref<512xf32, #tpu.memory_space<hbm>>
        %dma_start3A_162 = tpu.memref_slice %arg7[%add3A_160] : memref<4096xf32, #tpu.memory_space<hbm>> -> memref<512xf32, #tpu.memory_space<hbm>>
        tpu.enqueue_dma source(%arg15 : memref<512xf32, #tpu.memory_space<vmem>>) target(%dma_start3A_162 : memref<512xf32, #tpu.memory_space<hbm>>) target_semaphore(%run_scoped3A : memref<!tpu.dma_semaphore, #tpu.memory_space<semaphore_mem>>)
        %dma_wait3A_163 = tpu.memref_slice %arg7[%add3A_160] : memref<4096xf32, #tpu.memory_space<hbm>> -> memref<512xf32, #tpu.memory_space<hbm>>
        %dma_wait3A_164 = tpu.memref_slice %arg7[%add3A_160] : memref<4096xf32, #tpu.memory_space<hbm>> -> memref<512xf32, #tpu.memory_space<hbm>>
        tpu.wait_dma2 semaphore(%run_scoped3A : memref<!tpu.dma_semaphore, #tpu.memory_space<semaphore_mem>>) src(%arg15 : memref<512xf32, #tpu.memory_space<vmem>>) dst(%dma_wait3A_164 : memref<512xf32, #tpu.memory_space<hbm>>)
        tpu.yield
      }) : () -> ()
    } else {
    }
    %mul3A_56 = arith.constant 8 : i32
    %mul3A_57 = arith.muli %select_n3A, %mul3A_56 : i32
    %mul3A_58 = arith.constant 128 : i32
    %mul3A_59 = arith.muli %select_n3A_28, %mul3A_58 : i32
    "tpu.region"() ({
      %run_scoped3A = tpu.sem_alloc : memref<!tpu.dma_semaphore, #tpu.memory_space<semaphore_mem>>
      %dma_start3A_153 = tpu.memref_slice %arg17[%mul3A_57, %mul3A_59] : memref<16x1024xi32, #tpu.memory_space<vmem_shared>> -> memref<1x128xi32, #tpu.memory_space<vmem_shared>>
      %dma_start3A_154 = tpu.memref_squeeze %dma_start3A_153 : memref<1x128xi32, #tpu.memory_space<vmem_shared>> -> memref<128xi32, #tpu.memory_space<vmem_shared>>
      %dma_start3A_155 = tpu.memref_slice %arg17[%mul3A_57, %mul3A_59] : memref<16x1024xi32, #tpu.memory_space<vmem_shared>> -> memref<1x128xi32, #tpu.memory_space<vmem_shared>>
      %dma_start3A_156 = tpu.memref_squeeze %dma_start3A_155 : memref<1x128xi32, #tpu.memory_space<vmem_shared>> -> memref<128xi32, #tpu.memory_space<vmem_shared>>
      tpu.enqueue_dma source(%dma_start3A_156 : memref<128xi32, #tpu.memory_space<vmem_shared>>) target(%arg12 : memref<128xi32, #tpu.memory_space<vmem>>) target_semaphore(%run_scoped3A : memref<!tpu.dma_semaphore, #tpu.memory_space<semaphore_mem>>)
      %dma_wait3A_157 = tpu.memref_slice %arg17[%mul3A_57, %mul3A_59] : memref<16x1024xi32, #tpu.memory_space<vmem_shared>> -> memref<1x128xi32, #tpu.memory_space<vmem_shared>>
      %dma_wait3A_158 = tpu.memref_squeeze %dma_wait3A_157 : memref<1x128xi32, #tpu.memory_space<vmem_shared>> -> memref<128xi32, #tpu.memory_space<vmem_shared>>
      %dma_wait3A_159 = tpu.memref_slice %arg17[%mul3A_57, %mul3A_59] : memref<16x1024xi32, #tpu.memory_space<vmem_shared>> -> memref<1x128xi32, #tpu.memory_space<vmem_shared>>
      %dma_wait3A_160 = tpu.memref_squeeze %dma_wait3A_159 : memref<1x128xi32, #tpu.memory_space<vmem_shared>> -> memref<128xi32, #tpu.memory_space<vmem_shared>>
      tpu.wait_dma2 semaphore(%run_scoped3A : memref<!tpu.dma_semaphore, #tpu.memory_space<semaphore_mem>>) src(%dma_wait3A_160 : memref<128xi32, #tpu.memory_space<vmem_shared>>) dst(%arg12 : memref<128xi32, #tpu.memory_space<vmem>>)
      tpu.yield
    }) : () -> ()
    %get3A = arith.constant 0 : index
    %get3A_60 = tpu.vector_load %arg12[%get3A] {strides = array<i32>} : memref<128xi32, #tpu.memory_space<vmem>>, vector<16xi32>,
    %mul3A_61 = arith.constant 8192 : i32
    %mul3A_62 = arith.muli %add3A_30, %mul3A_61 : i32
    %add3A_63 = vector.broadcast %mul3A_62 : i32 to vector<16xi32>
    %add3A_64 = arith.addi %get3A_60, %add3A_63 : vector<16xi32>
    %swap3A = arith.constant 0 : index
    %swap3A_65 = tpu.vector_load %arg12[%swap3A] {strides = array<i32>} : memref<128xi32, #tpu.memory_space<vmem>>, vector<16xi32>,
    tpu.vector_store %arg12[%swap3A], %add3A_64 {strides = array<i32>} : memref<128xi32, #tpu.memory_space<vmem>>, vector<16xi32>,
    %get3A_66 = arith.constant 16 : index
    %get3A_67 = tpu.vector_load %arg12[%get3A_66] {strides = array<i32>} : memref<128xi32, #tpu.memory_space<vmem>>, vector<16xi32>,
    %mul3A_68 = arith.constant 8192 : i32
    %mul3A_69 = arith.muli %add3A_30, %mul3A_68 : i32
    %add3A_70 = vector.broadcast %mul3A_69 : i32 to vector<16xi32>
    %add3A_71 = arith.addi %get3A_67, %add3A_70 : vector<16xi32>
    %swap3A_72 = arith.constant 16 : index
    %swap3A_73 = tpu.vector_load %arg12[%swap3A_72] {strides = array<i32>} : memref<128xi32, #tpu.memory_space<vmem>>, vector<16xi32>,
    tpu.vector_store %arg12[%swap3A_72], %add3A_71 {strides = array<i32>} : memref<128xi32, #tpu.memory_space<vmem>>, vector<16xi32>,
    %get3A_74 = arith.constant 32 : index
    %get3A_75 = tpu.vector_load %arg12[%get3A_74] {strides = array<i32>} : memref<128xi32, #tpu.memory_space<vmem>>, vector<16xi32>,
    %mul3A_76 = arith.constant 8192 : i32
    %mul3A_77 = arith.muli %add3A_30, %mul3A_76 : i32
    %add3A_78 = vector.broadcast %mul3A_77 : i32 to vector<16xi32>
    %add3A_79 = arith.addi %get3A_75, %add3A_78 : vector<16xi32>
    %swap3A_80 = arith.constant 32 : index
    %swap3A_81 = tpu.vector_load %arg12[%swap3A_80] {strides = array<i32>} : memref<128xi32, #tpu.memory_space<vmem>>, vector<16xi32>,
    tpu.vector_store %arg12[%swap3A_80], %add3A_79 {strides = array<i32>} : memref<128xi32, #tpu.memory_space<vmem>>, vector<16xi32>,
    %get3A_82 = arith.constant 48 : index
    %get3A_83 = tpu.vector_load %arg12[%get3A_82] {strides = array<i32>} : memref<128xi32, #tpu.memory_space<vmem>>, vector<16xi32>,
    %mul3A_84 = arith.constant 8192 : i32
    %mul3A_85 = arith.muli %add3A_30, %mul3A_84 : i32
    %add3A_86 = vector.broadcast %mul3A_85 : i32 to vector<16xi32>
    %add3A_87 = arith.addi %get3A_83, %add3A_86 : vector<16xi32>
    %swap3A_88 = arith.constant 48 : index
    %swap3A_89 = tpu.vector_load %arg12[%swap3A_88] {strides = array<i32>} : memref<128xi32, #tpu.memory_space<vmem>>, vector<16xi32>,
    tpu.vector_store %arg12[%swap3A_88], %add3A_87 {strides = array<i32>} : memref<128xi32, #tpu.memory_space<vmem>>, vector<16xi32>,
    %get3A_90 = arith.constant 64 : index
    %get3A_91 = tpu.vector_load %arg12[%get3A_90] {strides = array<i32>} : memref<128xi32, #tpu.memory_space<vmem>>, vector<16xi32>,
    %mul3A_92 = arith.constant 8192 : i32
    %mul3A_93 = arith.muli %add3A_30, %mul3A_92 : i32
    %add3A_94 = vector.broadcast %mul3A_93 : i32 to vector<16xi32>
    %add3A_95 = arith.addi %get3A_91, %add3A_94 : vector<16xi32>
    %swap3A_96 = arith.constant 64 : index
    %swap3A_97 = tpu.vector_load %arg12[%swap3A_96] {strides = array<i32>} : memref<128xi32, #tpu.memory_space<vmem>>, vector<16xi32>,
    tpu.vector_store %arg12[%swap3A_96], %add3A_95 {strides = array<i32>} : memref<128xi32, #tpu.memory_space<vmem>>, vector<16xi32>,
    %get3A_98 = arith.constant 80 : index
    %get3A_99 = tpu.vector_load %arg12[%get3A_98] {strides = array<i32>} : memref<128xi32, #tpu.memory_space<vmem>>, vector<16xi32>,
    %mul3A_100 = arith.constant 8192 : i32
    %mul3A_101 = arith.muli %add3A_30, %mul3A_100 : i32
    %add3A_102 = vector.broadcast %mul3A_101 : i32 to vector<16xi32>
    %add3A_103 = arith.addi %get3A_99, %add3A_102 : vector<16xi32>
    %swap3A_104 = arith.constant 80 : index
    %swap3A_105 = tpu.vector_load %arg12[%swap3A_104] {strides = array<i32>} : memref<128xi32, #tpu.memory_space<vmem>>, vector<16xi32>,
    tpu.vector_store %arg12[%swap3A_104], %add3A_103 {strides = array<i32>} : memref<128xi32, #tpu.memory_space<vmem>>, vector<16xi32>,
    %get3A_106 = arith.constant 96 : index
    %get3A_107 = tpu.vector_load %arg12[%get3A_106] {strides = array<i32>} : memref<128xi32, #tpu.memory_space<vmem>>, vector<16xi32>,
    %mul3A_108 = arith.constant 8192 : i32
    %mul3A_109 = arith.muli %add3A_30, %mul3A_108 : i32
    %add3A_110 = vector.broadcast %mul3A_109 : i32 to vector<16xi32>
    %add3A_111 = arith.addi %get3A_107, %add3A_110 : vector<16xi32>
    %swap3A_112 = arith.constant 96 : index
    %swap3A_113 = tpu.vector_load %arg12[%swap3A_112] {strides = array<i32>} : memref<128xi32, #tpu.memory_space<vmem>>, vector<16xi32>,
    tpu.vector_store %arg12[%swap3A_112], %add3A_111 {strides = array<i32>} : memref<128xi32, #tpu.memory_space<vmem>>, vector<16xi32>,
    %get3A_114 = arith.constant 112 : index
    %get3A_115 = tpu.vector_load %arg12[%get3A_114] {strides = array<i32>} : memref<128xi32, #tpu.memory_space<vmem>>, vector<16xi32>,
    %mul3A_116 = arith.constant 8192 : i32
    %mul3A_117 = arith.muli %add3A_30, %mul3A_116 : i32
    %add3A_118 = vector.broadcast %mul3A_117 : i32 to vector<16xi32>
    %add3A_119 = arith.addi %get3A_115, %add3A_118 : vector<16xi32>
    %swap3A_120 = arith.constant 112 : index
    %swap3A_121 = tpu.vector_load %arg12[%swap3A_120] {strides = array<i32>} : memref<128xi32, #tpu.memory_space<vmem>>, vector<16xi32>,
    tpu.vector_store %arg12[%swap3A_120], %add3A_119 {strides = array<i32>} : memref<128xi32, #tpu.memory_space<vmem>>, vector<16xi32>,
    %mul3A_122 = arith.constant 1024 : i32
    %mul3A_123 = arith.muli %add3A_30, %mul3A_122 : i32
    %mul3A_124 = arith.constant 128 : i32
    %mul3A_125 = arith.muli %select_n3A_28, %mul3A_124 : i32
    %add3A_126 = arith.addi %mul3A_123, %mul3A_125 : i32
    %dma_start3A = arith.constant 0 : i32
    %dma_start3A_127 = arith.constant 0 : i32
    %dma_start3A_128 = tpu.memref_slice %arg3[%dma_start3A, %dma_start3A_127] : memref<32768x128xf32, #tpu.memory_space<hbm>> -> memref<32768x128xf32, #tpu.memory_space<hbm>>
    tpu.enqueue_indirect_dma source(%dma_start3A_128 : memref<32768x128xf32, #tpu.memory_space<hbm>>) target(%arg13 : memref<128x128xf32, #tpu.memory_space<vmem>>) offsets(%arg12 : memref<128xi32, #tpu.memory_space<vmem>>) semaphore(%arg18 : memref<!tpu.dma_semaphore, #tpu.memory_space<semaphore_mem>>)
    %dma_start3A_129 = arith.constant 0 : i32
    %dma_start3A_130 = arith.constant 0 : i32
    %dma_start3A_131 = tpu.memref_slice %arg4[%dma_start3A_129, %dma_start3A_130] : memref<32768x128xf32, #tpu.memory_space<hbm>> -> memref<32768x128xf32, #tpu.memory_space<hbm>>
    tpu.enqueue_indirect_dma source(%dma_start3A_131 : memref<32768x128xf32, #tpu.memory_space<hbm>>) target(%arg14 : memref<128x128xf32, #tpu.memory_space<vmem>>) offsets(%arg12 : memref<128xi32, #tpu.memory_space<vmem>>) semaphore(%arg19 : memref<!tpu.dma_semaphore, #tpu.memory_space<semaphore_mem>>)
    %dma_wait3A = arith.constant 0 : i32
    %dma_wait3A_132 = arith.constant 0 : i32
    %dma_wait3A_133 = tpu.memref_slice %arg3[%dma_wait3A, %dma_wait3A_132] : memref<32768x128xf32, #tpu.memory_space<hbm>> -> memref<32768x128xf32, #tpu.memory_space<hbm>>
    tpu.wait_indirect_dma semaphore(%arg18 : memref<!tpu.dma_semaphore, #tpu.memory_space<semaphore_mem>>) src(%dma_wait3A_133 : memref<32768x128xf32, #tpu.memory_space<hbm>>) dst(%arg13 : memref<128x128xf32, #tpu.memory_space<vmem>>)
    %dma_start3A_134 = arith.constant 0 : i32
    %dma_start3A_135 = tpu.memref_slice %arg5[%add3A_126, %dma_start3A_134] : memref<4096x128xf32, #tpu.memory_space<hbm>> -> memref<128x128xf32, #tpu.memory_space<hbm>>
    %dma_start3A_136 = arith.constant 0 : i32
    %dma_start3A_137 = tpu.memref_slice %arg5[%add3A_126, %dma_start3A_136] : memref<4096x128xf32, #tpu.memory_space<hbm>> -> memref<128x128xf32, #tpu.memory_space<hbm>>
    tpu.enqueue_dma source(%arg13 : memref<128x128xf32, #tpu.memory_space<vmem>>) target(%dma_start3A_137 : memref<128x128xf32, #tpu.memory_space<hbm>>) target_semaphore(%arg20 : memref<!tpu.dma_semaphore, #tpu.memory_space<semaphore_mem>>)
    %dma_wait3A_138 = arith.constant 0 : i32
    %dma_wait3A_139 = arith.constant 0 : i32
    %dma_wait3A_140 = tpu.memref_slice %arg4[%dma_wait3A_138, %dma_wait3A_139] : memref<32768x128xf32, #tpu.memory_space<hbm>> -> memref<32768x128xf32, #tpu.memory_space<hbm>>
    tpu.wait_indirect_dma semaphore(%arg19 : memref<!tpu.dma_semaphore, #tpu.memory_space<semaphore_mem>>) src(%dma_wait3A_140 : memref<32768x128xf32, #tpu.memory_space<hbm>>) dst(%arg14 : memref<128x128xf32, #tpu.memory_space<vmem>>)
    %dma_start3A_141 = arith.constant 0 : i32
    %dma_start3A_142 = tpu.memref_slice %arg6[%add3A_126, %dma_start3A_141] : memref<4096x128xf32, #tpu.memory_space<hbm>> -> memref<128x128xf32, #tpu.memory_space<hbm>>
    %dma_start3A_143 = arith.constant 0 : i32
    %dma_start3A_144 = tpu.memref_slice %arg6[%add3A_126, %dma_start3A_143] : memref<4096x128xf32, #tpu.memory_space<hbm>> -> memref<128x128xf32, #tpu.memory_space<hbm>>
    tpu.enqueue_dma source(%arg14 : memref<128x128xf32, #tpu.memory_space<vmem>>) target(%dma_start3A_144 : memref<128x128xf32, #tpu.memory_space<hbm>>) target_semaphore(%arg21 : memref<!tpu.dma_semaphore, #tpu.memory_space<semaphore_mem>>)
    %dma_wait3A_145 = arith.constant 0 : i32
    %dma_wait3A_146 = tpu.memref_slice %arg5[%add3A_126, %dma_wait3A_145] : memref<4096x128xf32, #tpu.memory_space<hbm>> -> memref<128x128xf32, #tpu.memory_space<hbm>>
    %dma_wait3A_147 = arith.constant 0 : i32
    %dma_wait3A_148 = tpu.memref_slice %arg5[%add3A_126, %dma_wait3A_147] : memref<4096x128xf32, #tpu.memory_space<hbm>> -> memref<128x128xf32, #tpu.memory_space<hbm>>
    tpu.wait_dma2 semaphore(%arg20 : memref<!tpu.dma_semaphore, #tpu.memory_space<semaphore_mem>>) src(%arg13 : memref<128x128xf32, #tpu.memory_space<vmem>>) dst(%dma_wait3A_148 : memref<128x128xf32, #tpu.memory_space<hbm>>)
    %dma_wait3A_149 = arith.constant 0 : i32
    %dma_wait3A_150 = tpu.memref_slice %arg6[%add3A_126, %dma_wait3A_149] : memref<4096x128xf32, #tpu.memory_space<hbm>> -> memref<128x128xf32, #tpu.memory_space<hbm>>
    %dma_wait3A_151 = arith.constant 0 : i32
    %dma_wait3A_152 = tpu.memref_slice %arg6[%add3A_126, %dma_wait3A_151] : memref<4096x128xf32, #tpu.memory_space<hbm>> -> memref<128x128xf32, #tpu.memory_space<hbm>>
    tpu.wait_dma2 semaphore(%arg21 : memref<!tpu.dma_semaphore, #tpu.memory_space<semaphore_mem>>) src(%arg14 : memref<128x128xf32, #tpu.memory_space<vmem>>) dst(%dma_wait3A_152 : memref<128x128xf32, #tpu.memory_space<hbm>>)
    return
  }
}

module attributes {stable_mosaic.version = 14 : i64} {
  func.func @_score_body(%arg0: i32, %arg1: memref<4x2048x128xf32, #tpu.memory_space<vmem>>, %arg2: memref<64x128xf32, #tpu.memory_space<vmem>>, %arg3: memref<64xf32, #tpu.memory_space<vmem>>, %arg4: memref<1x64xf32, #tpu.memory_space<vmem>>, %arg5: memref<1xf32, #tpu.memory_space<vmem>>, %arg6: memref<4x2048xi32, #tpu.memory_space<vmem>>) attributes {dimension_semantics = [#tpu.dimension_semantics<arbitrary>], iteration_bounds = array<i64: 4>, scalar_prefetch = 0 : i64, scratch_operands = 0 : i64, tpu.core_type = #tpu.core_type<tc>, window_params = [{transform_indices = @transform_0, window_bounds = array<i64: 4, 2048, 128>}, {pipeline_mode = #tpu.pipeline_mode<synchronous>, transform_indices = @transform_1, window_bounds = array<i64: 64, 128>}, {pipeline_mode = #tpu.pipeline_mode<synchronous>, transform_indices = @transform_2, window_bounds = array<i64: 64>}, {pipeline_mode = #tpu.pipeline_mode<synchronous>, transform_indices = @transform_3, window_bounds = array<i64: 1, 64>}, {pipeline_mode = #tpu.pipeline_mode<synchronous>, transform_indices = @transform_4, window_bounds = array<i64: 1>}, {transform_indices = @transform_5, window_bounds = array<i64: 4, 2048>}]} {
    %get3A = arith.constant 0 : index
    %get3A_0 = arith.constant 0 : index
    %get3A_1 = arith.constant 0 : index
    %get3A_2 = vector.load %arg1[%get3A, %get3A_0, %get3A_1] : memref<4x2048x128xf32, #tpu.memory_space<vmem>>, vector<4x2048x128xf32>
    %reshape3A = vector.shape_cast %get3A_2 : vector<4x2048x128xf32> to vector<8192x128xf32>
    %get3A_3 = arith.constant 0 : index
    %get3A_4 = arith.constant 0 : index
    %get3A_5 = vector.load %arg2[%get3A_3, %get3A_4] : memref<64x128xf32, #tpu.memory_space<vmem>>, vector<64x128xf32>
    %dot_general3A = arith.constant dense<0.000000e+00> : vector<8192x64xf32>
    %dot_general3A_6 = tpu.matmul %reshape3A, %get3A_5, %dot_general3A {dimension_numbers = #tpu.dot_dimension_numbers<[1], [1], [0], [0], [0, 0, 1, 0], [], []>, transpose_lhs_hint = false} : vector<8192x128xf32>, vector<64x128xf32>, vector<8192x64xf32> -> vector<8192x64xf32>
    %get3A_7 = arith.constant 0 : index
    %get3A_8 = vector.load %arg3[%get3A_7] : memref<64xf32, #tpu.memory_space<vmem>>, vector<64xf32>
    %broadcast_in_dim3A = vector.shape_cast %get3A_8 : vector<64xf32> to vector<1x64xf32>
    %add3A = vector.broadcast %broadcast_in_dim3A : vector<1x64xf32> to vector<8192x64xf32>
    %add3A_9 = arith.addf %dot_general3A_6, %add3A : vector<8192x64xf32>
    %tanh3A = math.tanh %add3A_9 : vector<8192x64xf32>
    %iota3A = tpu.iota {dimensions = array<i32: 0>} : vector<128x64xi32>
    %eq3A = arith.constant 0 : i32
    %eq3A_10 = vector.broadcast %eq3A : i32 to vector<128x64xi32>
    %eq3A_11 = arith.cmpi eq, %iota3A, %eq3A_10 : vector<128x64xi32>
    %get3A_12 = arith.constant 0 : index
    %get3A_13 = arith.constant 0 : index
    %get3A_14 = vector.load %arg4[%get3A_12, %get3A_13] : memref<1x64xf32, #tpu.memory_space<vmem>>, vector<1x64xf32>
    %squeeze3A = vector.shape_cast %get3A_14 : vector<1x64xf32> to vector<64xf32>
    %broadcast_in_dim3A_15 = vector.shape_cast %squeeze3A : vector<64xf32> to vector<1x64xf32>
    %convert_element_type3A = arith.sitofp %iota3A : vector<128x64xi32> to vector<128x64xf32>
    %mul3A = arith.constant 0.000000e+00 : f32
    %mul3A_16 = vector.broadcast %mul3A : f32 to vector<128x64xf32>
    %mul3A_17 = arith.mulf %mul3A_16, %convert_element_type3A : vector<128x64xf32>
    %add3A_18 = vector.broadcast %broadcast_in_dim3A_15 : vector<1x64xf32> to vector<128x64xf32>
    %add3A_19 = arith.addf %add3A_18, %mul3A_17 : vector<128x64xf32>
    %jit3A = arith.constant 0.000000e+00 : f32
    %broadcast_in_dim3A_20 = vector.broadcast %jit3A : f32 to vector<128x64xf32>
    %select_n3A = arith.select %eq3A_11, %add3A_19, %broadcast_in_dim3A_20 : vector<128x64xi1>, vector<128x64xf32>
    %dot_general3A_21 = arith.constant dense<0.000000e+00> : vector<8192x128xf32>
    %dot_general3A_22 = tpu.matmul %tanh3A, %select_n3A, %dot_general3A_21 {dimension_numbers = #tpu.dot_dimension_numbers<[1], [1], [0], [0], [0, 0, 1, 0], [], []>, transpose_lhs_hint = false} : vector<8192x64xf32>, vector<128x64xf32>, vector<8192x128xf32> -> vector<8192x128xf32>
    %get3A_23 = arith.constant 0 : index
    %get3A_24 = vector.load %arg5[%get3A_23] : memref<1xf32, #tpu.memory_space<vmem>>, vector<1xf32>
    %get3A_25 = vector.extract %get3A_24[0] : f32 from vector<1xf32>
    %add3A_26 = vector.broadcast %get3A_25 : f32 to vector<8192x128xf32>
    %add3A_27 = arith.addf %dot_general3A_22, %add3A_26 : vector<8192x128xf32>
    %slice3A = vector.extract_strided_slice %add3A_27 {offsets = [0, 0], sizes = [8192, 1], strides = [1, 1]} : vector<8192x128xf32> to vector<8192x1xf32>
    %squeeze3A_28 = vector.shape_cast %slice3A : vector<8192x1xf32> to vector<8192xf32>
    %logistic3A = arith.negf %squeeze3A_28 : vector<8192xf32>
    %logistic3A_29 = math.exp %logistic3A : vector<8192xf32>
    %logistic3A_30 = arith.constant 1.000000e+00 : f32
    %logistic3A_31 = vector.broadcast %logistic3A_30 : f32 to vector<8192xf32>
    %logistic3A_32 = arith.addf %logistic3A_31, %logistic3A_29 : vector<8192xf32>
    %logistic3A_33 = arith.divf %logistic3A_31, %logistic3A_32 : vector<8192xf32>
    %reshape3A_34 = vector.shape_cast %logistic3A_33 : vector<8192xf32> to vector<4x2048xf32>
    %bitcast_convert_type3A = tpu.bitcast %reshape3A_34 : vector<4x2048xf32> -> vector<4x2048xi32>
    %swap3A = arith.constant 0 : index
    %swap3A_35 = arith.constant 0 : index
    %swap3A_36 = vector.load %arg6[%swap3A, %swap3A_35] : memref<4x2048xi32, #tpu.memory_space<vmem>>, vector<4x2048xi32>
    tpu.vector_store %arg6[%swap3A, %swap3A_35], %bitcast_convert_type3A {strides = array<i32>} : memref<4x2048xi32, #tpu.memory_space<vmem>>, vector<4x2048xi32>,
    return
  }
  func.func @transform_0(%arg0: i32) -> (i32, i32, i32) {
    %c0_i32 = arith.constant 0 : i32
    %c0_i32_0 = arith.constant 0 : i32
    %c0_i32_1 = arith.constant 0 : i32
    return %c0_i32, %arg0, %c0_i32_0 : i32, i32, i32
  }
  func.func @transform_1(%arg0: i32) -> (i32, i32) {
    %c0_i32 = arith.constant 0 : i32
    %c0_i32_0 = arith.constant 0 : i32
    %c0_i32_1 = arith.constant 0 : i32
    return %c0_i32, %c0_i32_0 : i32, i32
  }
  func.func @transform_2(%arg0: i32) -> i32 {
    %c0_i32 = arith.constant 0 : i32
    %c0_i32_0 = arith.constant 0 : i32
    return %c0_i32 : i32
  }
  func.func @transform_3(%arg0: i32) -> (i32, i32) {
    %c0_i32 = arith.constant 0 : i32
    %c0_i32_0 = arith.constant 0 : i32
    %c0_i32_1 = arith.constant 0 : i32
    return %c0_i32, %c0_i32_0 : i32, i32
  }
  func.func @transform_4(%arg0: i32) -> i32 {
    %c0_i32 = arith.constant 0 : i32
    %c0_i32_0 = arith.constant 0 : i32
    return %c0_i32 : i32
  }
  func.func @transform_5(%arg0: i32) -> (i32, i32) {
    %c0_i32 = arith.constant 0 : i32
    %c0_i32_0 = arith.constant 0 : i32
    return %c0_i32, %arg0 : i32, i32
  }
}

</mosaic_0001>

<sc_bundles>
// kernel: kernel.4.cloned.1.call-start
scs
__scs_entry_jumppad:
0x0: {  	(pc) =	sbr.rel $0x88, $3  }
0x1: {  	(tag) =	ssettag $0x0;
	lr =	simm.s32 $0x1  }
0x2: {  	[smem:$0x3F9B] =	sst lr;
	_ =	strace $0xD0000000  }
0x3: {  	_ = 	snop  }
0x4: {  	_ = 	snop  }
0x5: {  	_ = 	snop  }
0x6: {  	_ = 	snop  }
0x7: {  	_ = 	snop  }
__scs_overlays_trampoline_lowered:
0x8: {  	[smem:$0x3FAA] =	sst s0  }
0x9: {  	[smem:$0x3FAB] =	sst s1  }
0xa: {  	[smem:$0x3FAC] =	sst s2  }
0xb: {  	[smem:$0x3FAD] =	sst s3  }
0xc: {  	[smem:$0x3FAE] =	sst s4  }
0xd: {  	[smem:$0x3FAF] =	sst s5  }
0xe: {  	[smem:$0x3FB0] =	sst s6  }
0xf: {  	[smem:$0x3FB1] =	sst s7  }
0x10: {  	[smem:$0x3FB2] =	sst s8  }
0x11: {  	[smem:$0x3FB3] =	sst s9;
	s0 =	simm.s32 @!p0 $0x0  }
0x12: {  	s1 =	sld [smem:$0x3F99];
	s0 =	simm.s32 @p0 $0x1  }
0x13: {  	[smem:$0x3FB4] =	sst s0;
	s0 =	simm.s32 @!p1 $0x0  }
0x14: {  	s2 =	sld [smem:$0x3F98];
	s0 =	simm.s32 @p1 $0x1  }
0x15: {  	[smem:$0x3FB5] =	sst s0;
	s0 =	simm.s32 @!p2 $0x0  }
0x16: {  	s3 =	sld [smem:$0x3FDB];
	s0 =	simm.s32 @p2 $0x1  }
0x17: {  	s4 =	simm.s32 $0x1BF5;
	[smem:$0x3FB7] =	sst s0  }
0x18: {  	s0 =	sld [smem:$0x3F9A];
	_ =	swait.ge [sflag:s4], $0x0  }
0x19: {  	s7 =	sld [smem:$0x3F9B]  }
0x1a: {  	s8 =	sadd.s32 $0xFFFFE003, lr  }
0x1b: {  	s9 =	sadd.s32 $0xFFFFFEF7, lr;
	s5 =	simm.s32 $0xFFFFFFFF;
	p2 =	slt.u32 s8, $0xFFFFF086  }
0x1c: {  	p1 =	slt.u32 s9, $0xF7A;
	s5 =	simm.s32 @!p2 $0x0  }
0x1d: {  	s5 =	simm.s32 @p1 $0x1;
	p0 =	seq.s32 s7, s2  }
0x1e: {  	s7 =	smul.u32 @!p0 $0xF7A, s2;
	p2 =	seq.s32 @!p0 s5, $0x0  }
0x1f: {  	s9 =	smul.u32 $0xF7A, s1;
	s8 =	simm.s32 @!p0 $0x1BF5;
	p2 =	por !p2, p0  }
0x20: {  	[sflag:s8] =	ssyncset.s32 @!p0 $0xFFFFF086;
	s6 =	sadd.s32 @!p0 s3, s7;
	s7 =	simm.s32 @!p0 $0x108  }
0x21: {  	s3 =	sadd.s32 s3, s9;
	s6 =	sadd.s32 @!p0 $0x88, s6;
	s7 =	simm.s32 @p2 $0x1082  }
0x22: {  	[simem:s7], [sflag:s8] =	dma.local @!p0 [hbm:s6], $0xF7A  }
0x23: {  	s9 =	sor.u32 $0xD0000000, s2;
	s6 =	simm.s32 $0x108;
	_ =	swait.ge @!p0 [sflag:s8], $0x0  }
0x24: {  	s3 =	sadd.s32 $0x88, s3;
	s6 =	simm.s32 @!p1 $0x1082;
	[sflag:s4] =	ssyncset.s32 $0xFFFFF086  }
0x25: {  	[simem:s6], [sflag:s4] =	dma.local [hbm:s3], $0xF7A  }
0x26: {  	[smem:$0x3F9B] =	sst s1;
	(tag) =	ssettag s2;
	_ =	strace s9  }
0x27: {  	s1 =	sld [smem:$0x3FAB]  }
0x28: {  	s2 =	sld [smem:$0x3FAC]  }
0x29: {  	s4 =	sld [smem:$0x3FAE]  }
0x2a: {  	p0 =	seq.s32 s5, $0x0;
	s5 =	sld [smem:$0x3FAF]  }
0x2b: {  	s6 =	sld [smem:$0x3FB0]  }
0x2c: {  	s7 =	sld [smem:$0x3FB1]  }
0x2d: {  	s3 =	simm.s32 $0x108;
	s8 =	sld [smem:$0x3FB2]  }
0x2e: {  	s3 =	simm.s32 @!p0 $0x1082;
	s9 =	sld [smem:$0x3FB3]  }
0x2f: {  	lr =	sadd.s32 s0, s3;
	s0 =	sld [smem:$0x3FAA]  }
0x30: {  	s3 =	sld [smem:$0x3FAD]  }
0x31: {  	[smem:$0x3FB6] =	sst s10  }
0x32: {  	s10 =	sld [smem:$0x3FB4];
	_ =	sdelay $0x3  }
0x33: {  	p0 =	seq.s32 s10, $0x1;
	s10 =	sld [smem:$0x3FB6];
	_ =	sdelay $0x3  }
0x34: {  	[smem:$0x3FB6] =	sst s10  }
0x35: {  	s10 =	sld [smem:$0x3FB5];
	_ =	sdelay $0x3  }
0x36: {  	p1 =	seq.s32 s10, $0x1;
	s10 =	sld [smem:$0x3FB6];
	_ =	sdelay $0x3  }
0x37: {  	[smem:$0x3FB6] =	sst s10  }
0x38: {  	s10 =	sld [smem:$0x3FB7]  }
0x39: {  	_ = 	snop;
	(pc) =	sbr.ind lr, $3  }
0x3a: {  	_ = 	snop  }
0x3b: {  	_ = 	snop  }
0x3c: {  	p2 =	seq.s32 s10, $0x1;
	s10 =	sld [smem:$0x3FB6]  }
0x3d: {  	_ =	shalt  }
0x3e: {  	_ =	shalt  }
0x3f: {  	_ =	shalt  }
0x40: {  	_ =	shalt  }
0x41: {  	_ =	shalt  }
0x42: {  	_ =	shalt  }
0x43: {  	_ =	shalt  }
0x44: {  	_ =	shalt  }
0x45: {  	_ =	shalt  }
0x46: {  	_ =	shalt  }
0x47: {  	_ =	shalt  }
0x48: {  	_ =	shalt  }
0x49: {  	_ =	shalt  }
0x4a: {  	_ =	shalt  }
0x4b: {  	_ =	shalt  }
0x4c: {  	_ =	shalt  }
0x4d: {  	_ =	shalt  }
0x4e: {  	_ =	shalt  }
0x4f: {  	_ =	shalt  }
0x50: {  	_ =	shalt  }
0x51: {  	_ =	shalt  }
0x52: {  	_ =	shalt  }
0x53: {  	_ =	shalt  }
0x54: {  	_ =	shalt  }
0x55: {  	_ =	shalt  }
0x56: {  	_ =	shalt  }
0x57: {  	_ =	shalt  }
0x58: {  	_ =	shalt  }
0x59: {  	_ =	shalt  }
0x5a: {  	_ =	shalt  }
0x5b: {  	_ =	shalt  }
0x5c: {  	_ =	shalt  }
0x5d: {  	_ =	shalt  }
0x5e: {  	_ =	shalt  }
0x5f: {  	_ =	shalt  }
0x60: {  	_ =	shalt  }
0x61: {  	_ =	shalt  }
0x62: {  	_ =	shalt  }
0x63: {  	_ =	shalt  }
0x64: {  	_ =	shalt  }
0x65: {  	_ =	shalt  }
0x66: {  	_ =	shalt  }
0x67: {  	_ =	shalt  }
0x68: {  	_ =	shalt  }
0x69: {  	_ =	shalt  }
0x6a: {  	_ =	shalt  }
0x6b: {  	_ =	shalt  }
0x6c: {  	_ =	shalt  }
0x6d: {  	_ =	shalt  }
0x6e: {  	_ =	shalt  }
0x6f: {  	_ =	shalt  }
0x70: {  	_ =	shalt  }
0x71: {  	_ =	shalt  }
0x72: {  	_ =	shalt  }
0x73: {  	_ =	shalt  }
0x74: {  	_ =	shalt  }
0x75: {  	_ =	shalt  }
0x76: {  	_ =	shalt  }
0x77: {  	_ =	shalt  }
0x78: {  	_ =	shalt  }
0x79: {  	_ =	shalt  }
0x7a: {  	_ =	shalt  }
0x7b: {  	_ =	shalt  }
0x7c: {  	_ =	shalt  }
0x7d: {  	_ =	shalt  }
0x7e: {  	_ =	shalt  }
0x7f: {  	_ =	shalt  }
0x80: {  	_ =	shalt  }
0x81: {  	_ =	shalt  }
0x82: {  	_ =	shalt  }
0x83: {  	_ =	shalt  }
0x84: {  	_ =	shalt  }
0x85: {  	_ =	shalt  }
0x86: {  	_ =	shalt  }
0x87: {  	_ =	shalt  }
.Lfunc_end0:
.L_simem_size_0:
called_computation_lowered:
.L_overlay_start_0:
0x88: {  	s2 =	sld [smem:$0x3FD9]  }
0x89: {  	s3 =	sld [smem:$0x3FFE];
	_ =	sdelay $0x1  }
0x8a: {  	s1 =	srdreg.scid  }
0x8b: {  	s0 =	sand.u32 $0x1, s1  }
0x8c: {  	s14 =	sshll.u32 s0, $0xA;
	s2 =	sadd.s32 s3, s2  }
0x8d: {  	s2 =	sadd.s32 s2, s14  }
0x8e: {  	[smem:$0x3FC2] =	sst s2  }
0x8f: {  	_ = 	snop  }
0x90: {  	s2 =	sld [smem:$0x3FD0];
	_ =	sdelay $0x1  }
0x91: {  	s15 =	sld [smem:$0x3FC9]  }
0x92: {  	s5 =	simm.s32 $0xA;
	s6 =	simm.s32 $0x10;
	s4 =	sld [smem:$0x3FC8]  }
0x93: {  	[smem:s6], [sflag:s5] =	dma.local [hbm:s2], $0x1  }
0x94: {  	_ =	swait.eq [sflag:s5], $0x1  }
0x95: {  	s16 =	sld [smem:$0x10];
	[sflag:s5] =	ssyncset.done $0x0  }
0x96: {  	s17 =	sld [smem:$0x11];
	[sflag:s5] =	ssyncadd.s32 $0xFFFFFFFF  }
0x97: {  	s18 =	sld [smem:$0x12];
	(tm) =	ssettm $0x1  }
0x98: {  	s7 =	sld [smem:$0x3FFB];
	_ =	sdelay $0x3  }
0x99: {  	_ =	strace s7  }
0x9a: {  	s7 =	sld [smem:$0x3FFC];
	_ =	sdelay $0x3  }
0x9b: {  	_ =	strace s7  }
0x9c: {  	s7 =	sld [smem:$0x3FFD];
	_ =	sdelay $0x3  }
0x9d: {  	_ =	strace s7  }
0x9e: {  	_ =	strace $0x8FFFFFFF  }
0x9f: {  	s19 =	sld [smem:$0x3FDB];
	_ =	sdelay $0x1  }
0xa0: {  	s8 =	simm.s32 $_scs_section_size  }
0xa1: {  	s9 =	simm.s32 $_size__tile_overlayer_lowered;
	s10 =	simm.s32 $_tile_overlayer_lowered  }
0xa2: {  	s22 =	simm.s32 $0x1BFF;
	s21 =	sshll.u32 s10, $0x1;
	s7 =	sadd.s32 s8, s19  }
0xa3: {  	s11 =	simm.s32 $0x0;
	s20 =	sshll.u32 s9, $0x1;
	s9 =	sadd.s32 s21, s7  }
0xa4: {  	[timem:s11], [sflag:s22] =	dma.local [hbm:s9], s20  }
0xa5: {  	_ =	swait.ge [sflag:s22], s20  }
0xa6: {  	s8 =	ssub.s32 $0x0, s20;
	[sflag:s22] =	ssyncset.done $0x0  }
0xa7: {  	[sflag:s22] =	ssyncadd.s32 s8;
	_ =	sdelay $0x1  }
0xa8: {  	s23 =	simm.s32 $0x1B8B  }
0xa9: {  	_ =	swait.ge [sflag:s23], $0x1  }
0xaa: {  	[sflag:s23] =	ssyncset.done $0x0  }
0xab: {  	s25 =	simm.s32 $0x1B8E;
	s24 =	sld [smem:$0x3FFE];
	[sflag:s23] =	ssyncadd.s32 $0xFFFFFFFF  }
0xac: {  	s26 =	simm.s32 $execute0_lowered;
	[smem:$0x3FD2] =	sst s25  }
0xad: {  	s9 =	sshll.u32 s26, $0x1;
	_ =	strace $0x80000046;
	[dreg:$0x1] =	wrdreg $0xFFFFFFFF  }
0xae: {  	s28 =	simm.s32 $_size_execute0_lowered;
	s7 =	sadd.s32 s7, s9;
	[dreg:$0x0] =	wrdreg $0x0  }
0xaf: {  	s9 =	sshll.u32 s28, $0x1;
	[dreg:$0x2] =	wrdreg s7  }
0xb0: {  	[dreg:$0x3] =	wrdreg s9  }
0xb1: {  	[dreg:$0x4] =	wrdreg $0xC0  }
0xb2: {  	_ =	task [dreg:s11], $0x5FFFF  }
0xb3: {  	[dreg:$0x1] =	wrdreg $0xFFFFFFFF  }
0xb4: {  	[dreg:$0x0] =	wrdreg $0x60  }
0xb5: {  	[dreg:$0x2] =	wrdreg s24  }
0xb6: {  	[dreg:$0x3] =	wrdreg s15  }
0xb7: {  	[dreg:$0x4] =	wrdreg s4  }
0xb8: {  	[dreg:$0x5] =	wrdreg s16  }
0xb9: {  	[dreg:$0x6] =	wrdreg s17  }
0xba: {  	[dreg:$0x7] =	wrdreg s18  }
0xbb: {  	[dreg:$0x8] =	wrdreg $0x92800  }
0xbc: {  	[dreg:$0x9] =	wrdreg $0x96800  }
0xbd: {  	[dreg:$0xa] =	wrdreg $0x9  }
0xbe: {  	_ =	task.clear_ibuf [dreg:s11], $0xBFFFF;
	_ =	strace $0x90000046  }
0xbf: {  	s29 =	simm.s32 $0x9;
	_ =	strace $0x80000048  }
0xc0: {  	_ =	swait.ge [sflag:s29], $0x1  }
0xc1: {  	[sflag:s29] =	ssyncadd.s32 $0xFFFFFFFF  }
0xc2: {  	_ =	strace $0x90000048  }
0xc3: {  	_ =	sfence  }
0xc4: {  	s30 =	sld [smem:$0x0];
	_ =	sdelay $0x2  }
0xc5: {  	s31 =	sshll.u32 s1, $0xD;
	s1 =	sshrl.u32 s1, $0x2  }
0xc6: {  	s3 =	sand.u32 $0x4000, s31;
	s1 =	sadd.s32 s1, s30  }
0xc7: {  	s0 =	sor.u32 s3, s0;
	s1 =	sshll.u32 s1, $0x11  }
0xc8: {  	s0 =	sor.u32 s1, s0  }
0xc9: {  	s0 =	sadd.s32 $0x8F2B, s0  }
0xca: {  	[sflag:s0] =	ssyncadd.remote.s32 $0x1  }
0xcb: {  	_ =	sfence.sel $0xFFFF  }
0xcc: {  	[dreg:$0x0] =	wrdreg $0xFFFFFFFF;
	(pc) =	sbr.abs _section_cstart, $3  }
0xcd: {  	[dreg:$0x1] =	wrdreg $0xFFFFFFFF  }
0xce: {  	_ =	task.clear_ibuf [dreg:s11], $0x2FFFF;
	_ =	strace $0x9FFFFFFF  }
0xcf: {  	(tm) =	ssettm $0x7FFFFFFF  }
tec
execute0_lowered:
.L_overlay_start_1:
0x0: {  	(tag) =	ssettag $0x1  }
0x1: {  	v0 =	vimm.s32 $0xEFCDAB89;
	v1 =	vimm.s32 $0x67452301  }
0x2: {  	v4 =	vimm.s32 $0x54761032;
	vm0 =	vcmask $0x1B14;
	vm1 =	vcmask $0xB04  }
0x3: {  	vm2 =	vcmask $0x704;
	vm4 =	vcmask $0x2724;
	vm3 =	vcmask $0x3728  }
0x4: {  	vm5 =	vcmask $0x1708;
	vm6 =	vcmask $0x332C;
	v6 =	vimm.s32 $0x0  }
0x5: {  	vm9 =	vcmask $0x1F18;
	vm10 =	vcmask $0x1F1C;
	vm11 =	vcmask $0x700  }
0x6: {  	vm12 =	vcmask $0x300;
	v0 =	vunpack.c.l.s4.s8 v0;
	v1 =	vunpack.c.l.s4.s8 v1  }
0x7: {  	v4 =	vunpack.c.l.s4.s8 v4;
	vm0 =	vmor vm1, vm0;
	vm1 =	vcmask $0x2B24  }
0x8: {  	s0 =	srdreg.scid;
	vm3 =	vmor vm5, vm3;
	vm5 =	vcmask $0x2718;
	vm0 =	vmor vm0, vm1  }
0x9: {  	s7 =	stileid.u32;
	s2 =	sand.u32 $0x1, s0;
	vm1 =	vcmask $0x3B34;
	v6 =	vsel vm3, $0xFFFFFFFF, v6;
	v2 =	vunpack.c.0.s8.s32 v0  }
0xa: {  	s1 =	sshrl.u32 s7, $0x3;
	s0 =	sshll.u32 s2, $0x1;
	v3 =	vunpack.c.0.s8.s32 v1;
	v1 =	vimm.s32 $0xDCFE98BA;
	v4 =	vunpack.c.0.s8.s32 v4  }
0xb: {  	s0 =	sor.u32 s1, s0;
	vm13 =	vmor vm0, vm1;
	vm0 =	vcmask $0x130C;
	vm1 =	vcmask $0x1B18  }
0xc: {  	[tilespmem:$0x1FF70] =	vst v6;
	v6 =	vimm.s32 $0x0;
	s9 =	sshll.u32 s0, $0xD;
	v5 =	vunpack.c.l.s4.s8 v1;
	vm0 =	vmor vm2, vm0  }
0xd: {  	v0 =	vmov s9;
	v2 =	vcombine.low v3, v2;
	vm0 =	vmor vm0, vm1  }
0xe: {  	v3 =	vunpack.c.0.s8.s32 v5;
	v5 =	vimm.s32 $0x32107654;
	vm0 =	vmor vm0, vm4  }
0xf: {  	v5 =	vunpack.c.l.s4.s8 v5;
	vm3 =	vmor vm0, vm6;
	vm0 =	vcmask $0x3B38  }
0x10: {  	v3 =	vcombine.low v4, v3;
	v4 =	vimm.s32 $0xBA98FEDC;
	vm3 =	vmor vm3, vm0  }
0x11: {  	v4 =	vunpack.c.l.s4.s8 v4;
	v6 =	vsel vm3, $0xFFFFFFFF, v6;
	vm3 =	vcmask $0xF0C  }
0x12: {  	vm6 =	vcmask $0xF08;
	v5 =	vunpack.c.0.s8.s32 v5;
	vm2 =	vmor vm2, vm3  }
0x13: {  	[tilespmem:$0x1FF80] =	vst v6;
	vm3 =	vcmask $0x1714;
	v6 =	vimm.s32 $0x76543210;
	v4 =	vunpack.c.0.s8.s32 v4  }
0x14: {  	vm8 =	vmor vm2, vm3;
	vm3 =	vcmask $0x231C;
	vm2 =	vmor vm6, vm5  }
0x15: {  	vm5 =	vcmask $0x1F10;
	vm6 =	vmor vm6, vm9;
	vm9 =	vcmask $0x2F28  }
0x16: {  	v6 =	vunpack.c.l.s4.s8 v6;
	vm7 =	vmor vm8, vm3;
	vm3 =	vcmask $0x3F30  }
0x17: {  	v4 =	vcombine.low v5, v4;
	vm15 =	vmor vm5, vm3;
	vm5 =	vmor vm6, vm9  }
0x18: {  	s11 =	rddreg [dreg:$0x0];
	vm6 =	vmor vm8, vm10;
	vm8 =	vcmask $0x3F38;
	vm9 =	vcmask $0x2F2C  }
0x19: {  	s4 =	rddreg [dreg:$0x3];
	vm10 =	vcmask $0x1710;
	v5 =	vimm.s32 $0xFEDCBA98;
	v6 =	vunpack.c.0.s8.s32 v6  }
0x1a: {  	s8 =	rddreg [dreg:$0x4];
	vm6 =	vmor vm6, vm4;
	vm4 =	vmor vm5, vm8;
	vm8 =	vcmask $0x2F20  }
0x1b: {  	s10 =	rddreg [dreg:$0x5];
	v5 =	vunpack.c.l.s4.s8 v5;
	vm5 =	vmor vm6, vm9;
	vm6 =	vcmask $0x3734  }
0x1c: {  	s3 =	rddreg [dreg:$0x6];
	vm9 =	vcmask $0xF00;
	vm5 =	vmor vm5, vm6;
	vm6 =	vcmask $0x3F3C  }
0x1d: {  	s5 =	rddreg [dreg:$0x7];
	v5 =	vunpack.c.0.s8.s32 v5;
	vm5 =	vmor vm5, vm6;
	vm6 =	vmor vm9, vm8  }
0x1e: {  	s13 =	simm.s32 $0x0;
	s28 =	simm.s32 $0x100;
	s6 =	sand.u32 $0x7, s7;
	vm8 =	vmor vm11, vm10;
	vm9 =	vcmask $0x2720;
	vm11 =	vcmask $0xB08  }
0x1f: {  	[smem:$0x7FF] =	sst s13;
	s14 =	sshll.u32 s7, $0xA;
	s15 =	sshll.u32 s7, $0x7;
	vm10 =	vmor vm8, vm9;
	vm8 =	vmor vm12, vm11;
	vm9 =	vcmask $0x1310  }
0x20: {  	s13 =	simm.s32 $0x0;
	s12 =	sshll.u32 s6, $0xA;
	s2 =	ssub.s32 $0x2, s2;
	v5 =	vand.u32 $0xF, v5;
	vm11 =	vmmov vm5;
	vm5 =	vmmov vm13  }
0x21: {  	s16 =	sor.u32 s15, s14;
	s18 =	sand.u32 $0x2000, s14;
	s9 =	sor.u32 s12, s9;
	vm8 =	vmor vm8, vm9;
	vm9 =	vcmask $0x2B28;
	v5 =	vcombine.low v5, v6  }
0x22: {  	s23 =	sshll.u32 s1, $0xD;
	s25 =	sshll.u32 s6, $0xB;
	s9 =	sshrl.u32 s9, $0x3;
	v6 =	vimm.s32 $0x0;
	vm1 =	vmor vm8, vm1;
	vm8 =	vcmask $0x2320  }
0x23: {  	p0 =	sgt.u32 s6, $0x1;
	s31 =	sshrl.u32 s2, $0x1;
	s9 =	sadd.s32 s9, s11;
	vm7 =	vmor vm7, vm9;
	v6 =	vsel vm5, $0xFFFFFFFF, v6;
	vm1 =	vmor vm1, vm8  }
0x24: {  	s19 =	sand.u32 $0x2380, s16;
	s17 =	sadd.s32 $0x1000, s9;
	_ =	strace $0x80000047;
	[tilespmem:$0x1FF90] =	vst v6;
	v6 =	vimm.s32 $0x0;
	vm1 =	vmor vm1, vm9;
	vm9 =	vcmask $0x3730  }
0x25: {  	s21 =	sshll.u32 s0, $0xA;
	s11 =	sshll.u32 s6, $0x9;
	[dreg:$0x9] =	wrdreg s17;
	v6 =	vsel vm15, $0xFFFFFFFF, v6;
	vm2 =	vmor vm2, vm9  }
0x26: {  	s20 =	sadd.s32 s19, s3;
	s24 =	sadd.s32 s11, s21;
	[dreg:$0xa] =	wrdreg s18;
	vm10 =	vmor vm10, vm9;
	vm9 =	vmmov vm4;
	[tilespmem:$0x1FFA0] =	vst v6;
	v6 =	vimm.s32 $0x0  }
0x27: {  	s22 =	sadd.s32 s19, s5;
	s1 =	sshrl.u32 s24, $0x3;
	[dreg:$0xb] =	wrdreg s20;
	v6 =	vsel vm9, $0xFFFFFFFF, v6  }
0x28: {  	s0 =	sshll.u32 s0, $0xE;
	s1 =	sadd.s32 s10, s1;
	[dreg:$0xc] =	wrdreg s22;
	[tilespmem:$0x1FFB0] =	vst v6;
	v6 =	vimm.s32 $0x0  }
0x29: {  	s26 =	sadd.s32 s23, s5;
	s0 =	sor.u32 s25, s0;
	[dreg:$0xe] =	wrdreg s1;
	v6 =	vsel vm11, $0xFFFFFFFF, v6  }
0x2a: {  	s2 =	ssub.s32 s2, s31;
	s29 =	sadd.s32 s4, s0;
	[dreg:$0xd] =	wrdreg s23;
	vm8 =	vcmask $0x3330;
	[tilespmem:$0x1FFC0] =	vst v6;
	v6 =	vimm.s32 $0x0  }
0x2b: {  	s31 =	sor.u32 $0x10, s12;
	s0 =	sadd.s32 s8, s0;
	[dreg:$0x10] =	wrdreg s29;
	vm7 =	vmor vm7, vm8;
	v6 =	vsel vm2, $0xFFFFFFFF, v6  }
.Ltmp0:
0x2c: {  	s30 =	smax.u32 s2, $0x1;
	[dreg:$0x11] =	wrdreg s0;
	vm7 =	vmor vm7, vm0;
	[tilespmem:$0x1FFD0] =	vst v6;
	v6 =	vimm.s32 $0x0;
	(pc) =	sbr.rel .LBB2_1-.Ltmp0, $4  }
0x2d: {  	vm14 =	vmxor vm14, vm14;
	v1 =	vlaneseq.u32;
	s25 =	simm.s32 $0x800;
	s21 =	simm.s32 $0x1;
	[dreg:$0x12] =	wrdreg s30;
	v6 =	vsel vm7, $0xFFFFFFFF, v6  }
0x2e: {  	v2 =	vand.u32 $0xF, v2;
	s24 =	simm.s32 $0x4;
	v3 =	vand.u32 $0xF, v3;
	s1 =	sadd.s32 s12, s26;
	[dreg:$0x13] =	wrdreg s31;
	[tilespmem:$0x1FFE0] =	vst v6;
	v6 =	vimm.s32 $0x0  }
0x2f: {  	s20 =	simm.s32 $0x5;
	s22 =	simm.s32 $0x80;
	s23 =	simm.s32 $0x400;
	v4 =	vand.u32 $0xF, v4;
	vm1 =	vmor vm1, vm8;
	v6 =	vsel vm6, $0xFFFFFFFF, v6  }
0x30: {  	s26 =	simm.s32 $0xC00;
	[dreg:$0xf] =	wrdreg s1;
	s1 =	simm.s32 $0x0;
	vm12 =	vmmov $0xff;
	vm4 =	vcmask $0x3F20;
	vm13 =	vmor vm1, vm0;
	[tilespmem:$0x1FFF0] =	vst v6  }
.LBB2_32:
0x31: {  	s0 =	rddreg [dreg:$0xf];
	s1 =	simm.s32 $0x1000  }
0x32: {  	[tilespmem:s1], [sflag:$0x5] =	stream.linear.gather [spmem:s0], $0x80, $0x38;
	[tilespmem:$0x9A80] =	vst v63  }
0x33: {  	_ =	swait.ge [sflag:s20], $0x80  }
0x34: {  	[sflag:s20] =	ssyncset.done $0x0  }
0x35: {  	[sflag:s20] =	ssyncadd.s32 $0xFFFFFF80  }
0x36: {  	v6 =	vld [tilespmem:$0x1000]  }
0x37: {  	v7 =	vld [tilespmem:$0x1010]  }
0x38: {  	v8 =	vld [tilespmem:$0x1020]  }
0x39: {  	v9 =	vld [tilespmem:$0x1030]  }
0x3a: {  	v10 =	vld [tilespmem:$0x1040]  }
0x3b: {  	v11 =	vld [tilespmem:$0x1050];
	v6 =	vadd.s32 v0, v6  }
0x3c: {  	[tilespmem:$0x1000] =	vst v6;
	v6 =	vadd.s32 v0, v7;
	v7 =	vld [tilespmem:$0x1060]  }
0x3d: {  	v63 =	vld [tilespmem:$0x1070];
	[tilespmem:$0x1010] =	vst v6;
	v6 =	vadd.s32 v0, v8  }
0x3e: {  	[tilespmem:$0x1020] =	vst v6;
	v6 =	vadd.s32 v0, v9  }
0x3f: {  	[tilespmem:$0x1030] =	vst v6;
	v6 =	vadd.s32 v0, v10  }
0x40: {  	[tilespmem:$0x1040] =	vst v6;
	v6 =	vadd.s32 v0, v11  }
0x41: {  	[tilespmem:$0x1050] =	vst v6;
	v6 =	vadd.s32 v0, v7  }
0x42: {  	[tilespmem:$0x1060] =	vst v6;
	v6 =	vadd.s32 v0, v63  }
0x43: {  	s2 =	simm.s32 $0x1080;
	s16 =	rddreg [dreg:$0x1];
	[tilespmem:$0x1070] =	vst v6  }
0x44: {  	[tilespmem:s2], [sflag:$0x1] =	stream.indirect.gather [hbm4b:s16+s22], $0x80, s1, s22, $0xb8;
	[tilespmem:$0x9A80] =	vst v63  }
0x45: {  	s4 =	simm.s32 $0x5080;
	s17 =	rddreg [dreg:$0x2]  }
0x46: {  	[tilespmem:s4], [sflag:$0x2] =	stream.indirect.gather [hbm4b:s17+s22], $0x80, s1, s22, $0xb8;
	[tilespmem:$0x9A80] =	vst v63  }
0x47: {  	_ =	swait.ge [sflag:s21], $0x4000  }
0x48: {  	[sflag:s21] =	ssyncset.done $0x0  }
0x49: {  	s19 =	simm.s32 $0x2;
	s18 =	rddreg [dreg:$0x10];
	[sflag:s21] =	ssyncadd.s32 $0xFFFFC000  }
0x4a: {  	[hbm4b:s18+s13] =	stream.linear.scatter [tilespmem:s2], [sflag:$0x3], $0x4000, $0x38;
	[tilespmem:$0x9A80] =	vst v63  }
0x4b: {  	_ =	swait.ge [sflag:s19], $0x4000  }
0x4c: {  	[sflag:s19] =	ssyncset.done $0x0  }
0x4d: {  	s30 =	simm.s32 $0x3;
	s29 =	rddreg [dreg:$0x11];
	[sflag:s19] =	ssyncadd.s32 $0xFFFFC000  }
0x4e: {  	[hbm4b:s29+s13] =	stream.linear.scatter [tilespmem:s4], [sflag:$0x4], $0x4000, $0x38;
	[tilespmem:$0x9A80] =	vst v63  }
0x4f: {  	_ =	swait.ge [sflag:s30], $0x4000  }
0x50: {  	[sflag:s30] =	ssyncset.done $0x0  }
0x51: {  	[sflag:s30] =	ssyncadd.s32 $0xFFFFC000  }
0x52: {  	_ =	swait.ge [sflag:s24], $0x4000  }
0x53: {  	s1 =	sadd.s32 $0x1, s7;
	s31 =	rddreg [dreg:$0x12]  }
0x54: {  	p1 =	sne.s32 s1, s31  }
.Ltmp1:
0x55: {  	_ = 	snop;
	(pc) =	sbr.rel @!p1 .LBB2_33-.Ltmp1, $3  }
0x56: {  	_ =	sdelay $0x1  }
0x57: {  	[sflag:s24] =	ssyncset.done $0x0  }
0x58: {  	[sflag:s24] =	ssyncadd.s32 $0xFFFFC000  }
.LBB2_1:
0x59: {  	s0 =	rddreg [dreg:$0x9]  }
0x5a: {  	[tilespmem:s13], [sflag:$0x5] =	stream.linear.gather [hbm4b:s0+s13], $0x400, $0x38;
	[tilespmem:$0x9A80] =	vst v63  }
0x5b: {  	_ =	swait.ge [sflag:s20], $0x400  }
0x5c: {  	s4 =	simm.s32 $0x0;
	s10 =	simm.s32 $0x420;
	s8 =	rddreg [dreg:$0x13]  }
0x5d: {  	s12 =	simm.s32 $0x410;
	[sflag:s20] =	ssyncset.done $0x0;
	s2 =	sadd.s32 $0xFFFFFFF0, s8  }
0x5e: {  	s0 =	simm.s32 $0x410;
	[sflag:s20] =	ssyncadd.s32 $0xFFFFFC00;
	v6 =	vor.u32 s8, v1;
	v7 =	vor.u32 s2, v1;
	s2 =	simm.s32 $0x20  }
.LBB2_2:
0x5f: {  	s4 =	sadd.s32 $0x2, s4  }
0x60: {  	[tilespmem:s0+$0xFFFFFFF0] =	vst v7;
	s8 =	sadd.s32 $0x20, s8;
	s12 =	sadd.s32 $0x20, s12;
	p1 =	slt.u32 s4, $0x3E  }
.Ltmp2:
0x61: {  	[tilespmem:s0+$0x0] =	vst v6;
	s0 =	smov.u32 s12;
	(pc) =	sbr.rel @p1 .LBB2_2-.Ltmp2, $3  }
0x62: {  	_ =	sdelay $0x1  }
0x63: {  	s14 =	sadd.s32 $0xFFFFFFF0, s8  }
0x64: {  	v6 =	vor.u32 s8, v1;
	v7 =	vor.u32 s14, v1  }
0x65: {  	[tilespmem:s0+$0xFFFFFFF0] =	vst v7  }
0x66: {  	[tilespmem:s0+$0x0] =	vst v6  }
0x67: {  	v6 =	vld [tilespmem:s2+$0x10]  }
0x68: {  	v7 =	vld [tilespmem:s10+$0x10]  }
0x69: {  	v8 =	vld [tilespmem:s10+$0xFFFFFFE0]  }
0x6a: {  	v9 =	vld [tilespmem:s2+$0xFFFFFFF0]  }
0x6b: {  	v10 =	vld [tilespmem:s10+$0xFFFFFFF0]  }
0x6c: {  	v13 =	vld [tilespmem:s2+$0x0]  }
0x6d: {  	v14 =	vld [tilespmem:s10+$0x0];
	v11 =	vperm.xlane v6, v2;
	v12 =	vperm.xlane v7, v2  }
0x6e: {  	v15 =	vld [tilespmem:s2+$0xFFFFFFE0]  }
0x6f: {  	v22 =	vld [tilespmem:$0x1FF70];
	vm0 =	veq.s32 v6, v11;
	vm1 =	vlt.s32 v7, v12  }
0x70: {  	v58 =	vld [tilespmem:$0x1FF80];
	v16 =	vperm.xlane v8, v2;
	vm2 =	vgt.s32 v6, v11;
	vm0 =	vmand vm0, vm1  }
0x71: {  	v17 =	vperm.xlane v9, v2;
	v18 =	vperm.xlane v10, v2;
	vm0 =	vmor vm2, vm0  }
0x72: {  	v19 =	vperm.xlane v13, v2;
	v20 =	vperm.xlane v14, v2;
	vm0 =	vmxor vm0, vm5  }
0x73: {  	v21 =	vperm.xlane v15, v2;
	v6 =	vsel vm0, v6, v11;
	v7 =	vsel vm0, v7, v12  }
0x74: {  	v11 =	vperm.xlane v6, v3;
	v12 =	vperm.xlane v7, v3  }
0x75: {  	vm3 =	vnez.u8 v22;
	vm11 =	vnez.u8 v58;
	vm9 =	veq.s32 v15, v21  }
0x76: {  	vm1 =	veq.s32 v9, v17;
	vm7 =	veq.s32 v6, v11;
	vm8 =	vlt.s32 v7, v12  }
0x77: {  	vm2 =	vlt.s32 v10, v18;
	vm15 =	vgt.s32 v6, v11;
	vm7 =	vmand vm7, vm8  }
0x78: {  	vm1 =	vmand vm1, vm2;
	vm0 =	vlt.s32 v8, v16;
	vm7 =	vmor vm15, vm7  }
0x79: {  	vm0 =	vmand vm9, vm0;
	vm8 =	veq.s32 v13, v19;
	vm2 =	vmxor vm7, vm3  }
0x7a: {  	vm15 =	vlt.s32 v14, v20;
	vm7 =	vgt.s32 v15, v21;
	v6 =	vsel vm2, v6, v11  }
0x7b: {  	v7 =	vsel vm2, v7, v12;
	vm2 =	vmand vm8, vm15;
	vm8 =	vgt.s32 v9, v17  }
0x7c: {  	vm0 =	vmor vm7, vm0;
	v11 =	vperm.xlane v6, v2;
	v12 =	vperm.xlane v7, v2  }
0x7d: {  	vm9 =	vgt.s32 v13, v19;
	vm1 =	vmor vm8, vm1;
	vm0 =	vmxor vm0, vm5  }
0x7e: {  	vm2 =	vmor vm9, vm2;
	vm7 =	veq.s32 v6, v11;
	vm8 =	vlt.s32 v7, v12  }
0x7f: {  	vm1 =	vmxor vm1, vm5;
	vm15 =	vgt.s32 v6, v11;
	vm7 =	vmand vm7, vm8  }
0x80: {  	vm2 =	vmxor vm2, vm5;
	v15 =	vsel vm0, v15, v21;
	vm7 =	vmor vm15, vm7  }
0x81: {  	v8 =	vsel vm0, v8, v16;
	vm5 =	vcmask $0x2F10;
	vm7 =	vmxor vm7, vm11  }
0x82: {  	v9 =	vsel vm1, v9, v17;
	v6 =	vsel vm7, v6, v11;
	v7 =	vsel vm7, v7, v12  }
0x83: {  	v10 =	vsel vm1, v10, v18;
	v11 =	vperm.xlane v6, v4;
	v12 =	vperm.xlane v7, v4  }
0x84: {  	v13 =	vsel vm2, v13, v19;
	v14 =	vsel vm2, v14, v20;
	v16 =	vperm.xlane v15, v3  }
0x85: {  	v17 =	vperm.xlane v8, v3;
	vm0 =	veq.s32 v6, v11;
	vm1 =	vlt.s32 v7, v12  }
0x86: {  	v60 =	vperm.xlane v14, v3;
	vm2 =	vgt.s32 v6, v11;
	vm0 =	vmand vm0, vm1  }
0x87: {  	v18 =	vperm.xlane v9, v3;
	v19 =	vperm.xlane v10, v3;
	vm0 =	vmor vm2, vm0  }
0x88: {  	v59 =	vperm.xlane v13, v3;
	vm15 =	vlt.s32 v14, v60;
	vm0 =	vmxor vm0, vm5  }
0x89: {  	vm7 =	vlt.s32 v10, v19;
	v6 =	vsel vm0, v6, v11;
	v7 =	vsel vm0, v7, v12  }
0x8a: {  	v61 =	vld [tilespmem:$0x1FFD0];
	vm2 =	veq.s32 v9, v18;
	v11 =	vperm.xlane v6, v3;
	v12 =	vperm.xlane v7, v3  }
0x8b: {  	vm1 =	veq.s32 v15, v16;
	vm2 =	vmand vm2, vm7;
	vm0 =	vlt.s32 v8, v17  }
0x8c: {  	vm0 =	vmand vm1, vm0;
	vm8 =	veq.s32 v6, v11;
	vm9 =	vlt.s32 v7, v12  }
0x8d: {  	vm1 =	veq.s32 v13, v59;
	vm8 =	vmand vm8, vm9;
	vm9 =	vgt.s32 v6, v11  }
0x8e: {  	vm1 =	vmand vm1, vm15;
	vm7 =	vmor vm9, vm8;
	vm8 =	vgt.s32 v15, v16  }
0x8f: {  	vm15 =	vnez.u8 v61;
	vm9 =	vgt.s32 v9, v18;
	vm0 =	vmor vm8, vm0  }
0x90: {  	vm7 =	vmxor vm7, vm15;
	vm2 =	vmor vm9, vm2;
	vm0 =	vmxor vm0, vm3  }
0x91: {  	v6 =	vsel vm7, v6, v11;
	v7 =	vsel vm7, v7, v12;
	v15 =	vsel vm0, v15, v16;
	v16 =	vld [tilespmem:$0x1FFE0]  }
0x92: {  	vm7 =	vgt.s32 v13, v59;
	v11 =	vperm.xlane v6, v2;
	v12 =	vperm.xlane v7, v2  }
0x93: {  	vm2 =	vmxor vm2, vm3;
	vm1 =	vmor vm7, vm1;
	v8 =	vsel vm0, v8, v17  }
0x94: {  	v9 =	vsel vm2, v9, v18;
	vm7 =	veq.s32 v6, v11;
	vm8 =	vlt.s32 v7, v12  }
0x95: {  	v10 =	vsel vm2, v10, v19;
	vm9 =	vgt.s32 v6, v11;
	vm7 =	vmand vm7, vm8  }
0x96: {  	vm1 =	vmxor vm1, vm3;
	vm0 =	vmor vm9, vm7;
	vm3 =	vnez.u8 v16  }
0x97: {  	v17 =	vperm.xlane v8, v2;
	v19 =	vperm.xlane v10, v2;
	vm0 =	vmxor vm0, vm3  }
0x98: {  	v14 =	vsel vm1, v14, v60;
	v6 =	vsel vm0, v6, v11;
	v7 =	vsel vm0, v7, v12  }
0x99: {  	v11 =	vsel vm1, v13, v59;
	v12 =	vperm.xlane v6, v5;
	v13 =	vperm.xlane v7, v5  }
0x9a: {  	v18 =	vperm.xlane v9, v2;
	v21 =	vperm.xlane v14, v2;
	vm8 =	vlt.s32 v10, v19  }
0x9b: {  	v16 =	vperm.xlane v15, v2;
	vm1 =	veq.s32 v6, v12;
	vm2 =	vlt.s32 v7, v13  }
0x9c: {  	vm9 =	vlt.s32 v14, v21;
	vm7 =	vgt.s32 v6, v12;
	vm1 =	vmand vm1, vm2  }
0x9d: {  	vm0 =	veq.s32 v15, v16;
	v20 =	vperm.xlane v11, v2;
	vm1 =	vmor vm7, vm1  }
0x9e: {  	vm2 =	vlt.s32 v8, v17;
	vm7 =	veq.s32 v9, v18;
	vm1 =	vmxor vm1, vm12  }
0x9f: {  	vm0 =	vmand vm0, vm2;
	v6 =	vsel vm1, v6, v12;
	v7 =	vsel vm1, v7, v13  }
0xa0: {  	vm1 =	veq.s32 v11, v20;
	v12 =	vperm.xlane v6, v4;
	v13 =	vperm.xlane v7, v4  }
0xa1: {  	vm2 =	vmand vm7, vm8;
	vm1 =	vmand vm1, vm9;
	vm9 =	vgt.s32 v15, v16  }
0xa2: {  	vm0 =	vmor vm9, vm0;
	vm7 =	veq.s32 v6, v12;
	vm8 =	vlt.s32 v7, v13  }
0xa3: {  	vm9 =	vgt.s32 v9, v18;
	vm7 =	vmand vm7, vm8;
	vm8 =	vgt.s32 v6, v12  }
0xa4: {  	vm2 =	vmor vm9, vm2;
	vm0 =	vmxor vm0, vm11;
	vm7 =	vmor vm8, vm7  }
0xa5: {  	vm2 =	vmxor vm2, vm11;
	v15 =	vsel vm0, v15, v16;
	vm7 =	vmxor vm7, vm6  }
0xa6: {  	v8 =	vsel vm0, v8, v17;
	v6 =	vsel vm7, v6, v12;
	v7 =	vsel vm7, v7, v13  }
0xa7: {  	vm8 =	vgt.s32 v11, v20;
	v12 =	vperm.xlane v6, v3;
	v13 =	vperm.xlane v7, v3  }
0xa8: {  	v9 =	vsel vm2, v9, v18;
	v10 =	vsel vm2, v10, v19;
	vm1 =	vmor vm8, vm1  }
0xa9: {  	vm0 =	vmxor vm1, vm11;
	vm1 =	veq.s32 v6, v12;
	vm7 =	vlt.s32 v7, v13  }
0xaa: {  	v16 =	vperm.xlane v15, v4;
	vm8 =	vgt.s32 v6, v12;
	vm1 =	vmand vm1, vm7  }
0xab: {  	v17 =	vperm.xlane v8, v4;
	v18 =	vperm.xlane v9, v4;
	vm1 =	vmor vm8, vm1  }
0xac: {  	v19 =	vperm.xlane v10, v4;
	v11 =	vsel vm0, v11, v20;
	vm1 =	vmxor vm1, vm10  }
0xad: {  	vm2 =	vlt.s32 v8, v17;
	v20 =	vperm.xlane v11, v4;
	v12 =	vsel vm1, v6, v12  }
0xae: {  	v6 =	vsel vm1, v7, v13;
	v13 =	vsel vm0, v14, v21;
	v14 =	vperm.xlane v12, v2  }
0xaf: {  	vm1 =	veq.s32 v15, v16;
	v7 =	vperm.xlane v6, v2;
	v21 =	vperm.xlane v13, v4  }
0xb0: {  	vm9 =	veq.s32 v11, v20;
	vm8 =	veq.s32 v9, v18;
	vm1 =	vmand vm1, vm2  }
0xb1: {  	vm0 =	veq.s32 v12, v14;
	vm7 =	vlt.s32 v6, v7;
	vm2 =	vlt.s32 v13, v21  }
0xb2: {  	vm0 =	vmand vm0, vm7;
	vm7 =	vlt.s32 v10, v19;
	vm2 =	vmand vm9, vm2  }
0xb3: {  	vm9 =	vgt.s32 v9, v18;
	vm7 =	vmand vm8, vm7;
	vm8 =	vgt.s32 v15, v16  }
0xb4: {  	vm1 =	vmor vm8, vm1;
	vm7 =	vmor vm9, vm7  }
0xb5: {  	vm8 =	vgt.s32 v11, v20;
	vm1 =	vmxor vm1, vm5;
	vm7 =	vmxor vm7, vm5  }
0xb6: {  	vm2 =	vmor vm8, vm2;
	v15 =	vsel vm1, v15, v16;
	v8 =	vsel vm1, v8, v17  }
0xb7: {  	vm1 =	vmxor vm2, vm5;
	v9 =	vsel vm7, v9, v18;
	v10 =	vsel vm7, v10, v19  }
0xb8: {  	v11 =	vsel vm1, v11, v20;
	v16 =	vperm.xlane v15, v3;
	v17 =	vperm.xlane v8, v3  }
0xb9: {  	v13 =	vsel vm1, v13, v21;
	v18 =	vperm.xlane v9, v3;
	v19 =	vperm.xlane v10, v3  }
0xba: {  	v20 =	vperm.xlane v11, v3;
	v21 =	vperm.xlane v13, v3  }
0xbb: {  	vm1 =	veq.s32 v15, v16;
	vm2 =	vlt.s32 v8, v17;
	vm7 =	veq.s32 v9, v18  }
0xbc: {  	vm8 =	vlt.s32 v10, v19;
	vm1 =	vmand vm1, vm2;
	vm2 =	veq.s32 v11, v20  }
0xbd: {  	vm9 =	vlt.s32 v13, v21;
	vm7 =	vmand vm7, vm8;
	vm8 =	vgt.s32 v15, v16  }
0xbe: {  	vm2 =	vmand vm2, vm9;
	vm1 =	vmor vm8, vm1  }
0xbf: {  	vm8 =	vgt.s32 v9, v18;
	vm9 =	vgt.s32 v11, v20;
	vm1 =	vmxor vm1, vm15  }
0xc0: {  	vm7 =	vmor vm8, vm7;
	vm8 =	vgt.s32 v12, v14;
	vm2 =	vmor vm9, vm2  }
0xc1: {  	v15 =	vsel vm1, v15, v16;
	vm7 =	vmxor vm7, vm15;
	vm2 =	vmxor vm2, vm15  }
0xc2: {  	v8 =	vsel vm1, v8, v17;
	vm0 =	vmor vm8, vm0;
	v9 =	vsel vm7, v9, v18  }
0xc3: {  	v10 =	vsel vm7, v10, v19;
	v16 =	vperm.xlane v15, v2;
	v11 =	vsel vm2, v11, v20  }
0xc4: {  	v13 =	vsel vm2, v13, v21;
	v17 =	vperm.xlane v8, v2;
	v18 =	vperm.xlane v9, v2  }
0xc5: {  	vm0 =	vmxor vm0, vm13;
	v19 =	vperm.xlane v10, v2;
	v20 =	vperm.xlane v11, v2  }
0xc6: {  	v21 =	vperm.xlane v13, v2;
	vm1 =	veq.s32 v15, v16;
	vm2 =	vlt.s32 v8, v17  }
0xc7: {  	v14 =	vsel vm0, v12, v14;
	vm7 =	veq.s32 v9, v18;
	vm1 =	vmand vm1, vm2  }
0xc8: {  	vm2 =	vlt.s32 v10, v19;
	vm8 =	veq.s32 v11, v20;
	vm9 =	vlt.s32 v13, v21  }
0xc9: {  	vm2 =	vmand vm7, vm2;
	vm7 =	vgt.s32 v15, v16;
	vm8 =	vmand vm8, vm9  }
0xca: {  	vm9 =	vgt.s32 v9, v18;
	vm1 =	vmor vm7, vm1;
	vm7 =	vgt.s32 v11, v20  }
0xcb: {  	vm2 =	vmor vm9, vm2;
	vm7 =	vmor vm7, vm8;
	vm1 =	vmxor vm1, vm3  }
0xcc: {  	vm2 =	vmxor vm2, vm3;
	vm7 =	vmxor vm7, vm3;
	v15 =	vsel vm1, v15, v16  }
0xcd: {  	v8 =	vsel vm1, v8, v17;
	v9 =	vsel vm2, v9, v18;
	v10 =	vsel vm2, v10, v19  }
0xce: {  	v11 =	vsel vm7, v11, v20;
	v16 =	vperm.xlane v15, v5;
	v17 =	vperm.xlane v8, v5  }
0xcf: {  	v13 =	vsel vm7, v13, v21;
	v18 =	vperm.xlane v9, v5;
	v19 =	vperm.xlane v10, v5  }
0xd0: {  	v63 =	vsel vm0, v6, v7;
	v20 =	vperm.xlane v11, v5;
	v21 =	vperm.xlane v13, v5  }
0xd1: {  	v6 =	vld [tilespmem:$0x1FFA0];
	vm1 =	veq.s32 v15, v16;
	vm2 =	vlt.s32 v8, v17;
	vm7 =	veq.s32 v9, v18  }
0xd2: {  	vm8 =	vlt.s32 v10, v19;
	vm1 =	vmand vm1, vm2;
	vm2 =	veq.s32 v11, v20  }
0xd3: {  	vm9 =	vlt.s32 v13, v21;
	vm7 =	vmand vm7, vm8;
	vm8 =	vgt.s32 v15, v16  }
0xd4: {  	vm2 =	vmand vm2, vm9;
	vm1 =	vmor vm8, vm1;
	vm8 =	vgt.s32 v9, v18  }
0xd5: {  	vm7 =	vmor vm8, vm7;
	vm8 =	vgt.s32 v11, v20;
	vm1 =	vmxor vm1, vm4  }
0xd6: {  	vm3 =	vnez.u8 v6;
	vm2 =	vmor vm8, vm2;
	v12 =	vsel vm1, v15, v16  }
0xd7: {  	vm7 =	vmxor vm7, vm12;
	v8 =	vsel vm1, v8, v17;
	vm2 =	vmxor vm2, vm4  }
0xd8: {  	v9 =	vsel vm7, v9, v18;
	v10 =	vsel vm7, v10, v19;
	v15 =	vperm.xlane v12, v4  }
0xd9: {  	v16 =	vperm.xlane v8, v4;
	v11 =	vsel vm2, v11, v20;
	v13 =	vsel vm2, v13, v21  }
0xda: {  	v17 =	vperm.xlane v9, v4;
	v18 =	vperm.xlane v10, v4;
	vm1 =	veq.s32 v12, v15  }
0xdb: {  	v19 =	vperm.xlane v11, v4;
	vm2 =	vlt.s32 v8, v16;
	v62 =	vperm.xlane v13, v4  }
0xdc: {  	vm0 =	veq.s32 v9, v17;
	vm1 =	vmand vm1, vm2;
	vm2 =	vlt.s32 v10, v18  }
0xdd: {  	vm7 =	veq.s32 v11, v19;
	vm8 =	vlt.s32 v13, v62;
	vm0 =	vmand vm0, vm2  }
0xde: {  	vm2 =	vgt.s32 v12, v15;
	vm7 =	vmand vm7, vm8;
	vm8 =	vgt.s32 v9, v17  }
0xdf: {  	vm1 =	vmor vm2, vm1;
	vm2 =	vgt.s32 v11, v19;
	vm0 =	vmor vm8, vm0  }
0xe0: {  	vm2 =	vmor vm2, vm7;
	vm1 =	vmxor vm1, vm3;
	vm0 =	vmxor vm0, vm6  }
0xe1: {  	vm2 =	vmxor vm2, vm3;
	v6 =	vsel vm1, v12, v15;
	v7 =	vsel vm1, v8, v16  }
0xe2: {  	v8 =	vsel vm0, v9, v17;
	v9 =	vsel vm0, v10, v18;
	v10 =	vperm.xlane v6, v3  }
0xe3: {  	v11 =	vsel vm2, v11, v19;
	v12 =	vperm.xlane v7, v3;
	v16 =	vperm.xlane v8, v3  }
0xe4: {  	v15 =	vld [tilespmem:$0x1FFB0];
	v13 =	vsel vm2, v13, v62;
	v17 =	vperm.xlane v9, v3;
	v18 =	vperm.xlane v11, v3  }
0xe5: {  	v19 =	vperm.xlane v13, v3;
	vm0 =	veq.s32 v6, v10;
	vm1 =	vlt.s32 v7, v12  }
0xe6: {  	vm2 =	veq.s32 v8, v16;
	vm7 =	vlt.s32 v9, v17;
	vm0 =	vmand vm0, vm1  }
0xe7: {  	vm1 =	veq.s32 v11, v18;
	vm8 =	vlt.s32 v13, v19;
	vm2 =	vmand vm2, vm7  }
0xe8: {  	vm7 =	vgt.s32 v6, v10;
	vm1 =	vmand vm1, vm8;
	vm8 =	vgt.s32 v11, v18  }
0xe9: {  	vm4 =	vnez.u8 v15;
	vm0 =	vmor vm7, vm0;
	vm7 =	vgt.s32 v8, v16  }
0xea: {  	vm1 =	vmor vm8, vm1;
	vm2 =	vmor vm7, vm2;
	vm0 =	vmxor vm0, vm4  }
0xeb: {  	v15 =	vsel vm0, v6, v10;
	v12 =	vsel vm0, v7, v12;
	vm0 =	vmxor vm2, vm10  }
0xec: {  	[tilespmem:s2+$0x10] =	vst v14;
	v10 =	vsel vm0, v8, v16;
	v9 =	vsel vm0, v9, v17;
	vm0 =	vmxor vm1, vm4  }
0xed: {  	s31 =	simm.s32 $0x0;
	s4 =	simm.s32 $0x60;
	s12 =	simm.s32 $0x420;
	[tilespmem:s10+$0x10] =	vst v63;
	v17 =	vperm.xlane v15, v2;
	v7 =	vsel vm0, v11, v18;
	v6 =	vsel vm0, v13, v19  }
.LBB2_4:
0xee: {  	v18 =	vld [tilespmem:s4+$0x10]  }
0xef: {  	v21 =	vld [tilespmem:s4+$0xFFFFFFF0]  }
0xf0: {  	v16 =	vperm.xlane v12, v2;
	v23 =	vld [tilespmem:s4+$0x0]  }
0xf1: {  	v13 =	vperm.xlane v10, v2;
	v14 =	vperm.xlane v9, v2;
	v50 =	vld [tilespmem:s4+$0xFFFFFFE0]  }
0xf2: {  	v11 =	vperm.xlane v7, v2;
	v8 =	vperm.xlane v6, v2;
	v27 =	vimm.s32 $0x0;
	v33 =	vld [tilespmem:$0x1FF90]  }
0xf3: {  	v29 =	vimm.s32 $0x0;
	v34 =	vld [tilespmem:$0x1FF70];
	v56 =	vimm.s32 $0x0;
	v59 =	vimm.s32 $0x0  }
0xf4: {  	s10 =	sadd.s32 $0x40, s10;
	v54 =	vld [tilespmem:$0x1FFC0];
	v40 =	vimm.s32 $0x0;
	vm0 =	veq.s32 v15, v17;
	vm8 =	vgt.s32 v15, v17  }
0xf5: {  	v19 =	vld [tilespmem:s10+$0x10];
	vm1 =	vlt.s32 v12, v16;
	vm2 =	veq.s32 v10, v13;
	vm7 =	veq.s32 v7, v11  }
0xf6: {  	v20 =	vld [tilespmem:s10+$0xFFFFFFE0];
	vm9 =	vgt.s32 v10, v13;
	vm0 =	vmand vm0, vm1;
	vm1 =	vlt.s32 v9, v14  }
0xf7: {  	v22 =	vld [tilespmem:s10+$0xFFFFFFF0];
	vm15 =	vgt.s32 v7, v11;
	vm1 =	vmand vm2, vm1;
	vm2 =	vlt.s32 v6, v8  }
0xf8: {  	v24 =	vld [tilespmem:s10+$0x0];
	vm0 =	vmor vm8, vm0;
	vm7 =	vmand vm7, vm2;
	v25 =	vperm.xlane v18, v2  }
0xf9: {  	v27 =	vsel vm0, $0xFFFFFFFF, v27;
	vm2 =	vmor vm9, vm1;
	v51 =	vperm.xlane v21, v2  }
0xfa: {  	v31 =	vperm.xlane v23, v2;
	vm5 =	vnez.u8 v33;
	v52 =	vperm.xlane v50, v2  }
0xfb: {  	vm4 =	vnez.u8 v34;
	vm1 =	vnez.u8 v54;
	v26 =	vperm.xlane v19, v2  }
0xfc: {  	v28 =	vperm.xlane v20, v2;
	vm0 =	vmor vm15, vm7;
	v30 =	vperm.xlane v22, v2  }
0xfd: {  	v32 =	vperm.xlane v24, v2;
	v29 =	vsel vm0, $0xFFFFFFFF, v29;
	vm7 =	veq.s32 v18, v25  }
0xfe: {  	vm9 =	vgt.s32 v18, v25;
	vm15 =	veq.s32 v50, v52;
	vm8 =	vlt.s32 v19, v26  }
0xff: {  	[tilespmem:$0x1FF20] =	vst v27;
	vm11 =	veq.s32 v23, v31;
	vm0 =	vlt.s32 v24, v32;
	vm7 =	vmand vm7, vm8  }
0x100: {  	v55 =	vld [tilespmem:$0x1FF20];
	vm8 =	vlt.s32 v20, v28;
	vm0 =	vmand vm11, vm0;
	vm11 =	vgt.s32 v23, v31  }
0x101: {  	vm7 =	vmor vm9, vm7;
	vm9 =	veq.s32 v21, v51;
	vm0 =	vmor vm11, vm0  }
0x102: {  	vm8 =	vmand vm15, vm8;
	vm7 =	vmxor vm7, vm5;
	vm0 =	vmxor vm0, vm5  }
0x103: {  	v18 =	vsel vm7, v18, v25;
	v19 =	vsel vm7, v19, v26;
	vm7 =	vlt.s32 v22, v30  }
0x104: {  	v23 =	vsel vm0, v23, v31;
	v25 =	vperm.xlane v18, v3;
	v26 =	vperm.xlane v19, v3  }
0x105: {  	v24 =	vsel vm0, v24, v32;
	vm0 =	vnez.u8 v55;
	vm7 =	vmand vm9, vm7  }
0x106: {  	vm0 =	vmxor vm0, vm1;
	vm15 =	veq.s32 v18, v25;
	vm3 =	vlt.s32 v19, v26  }
0x107: {  	v62 =	vperm.xlane v23, v3;
	vm9 =	vgt.s32 v18, v25;
	vm3 =	vmand vm15, vm3  }
0x108: {  	v63 =	vperm.xlane v24, v3;
	vm15 =	vgt.s32 v50, v52;
	vm3 =	vmor vm9, vm3  }
0x109: {  	vm9 =	vgt.s32 v21, v51;
	vm8 =	vmor vm15, vm8;
	vm3 =	vmxor vm3, vm4  }
0x10a: {  	v53 =	vld [tilespmem:$0x1FF80];
	v18 =	vsel vm3, v18, v25;
	v19 =	vsel vm3, v19, v26;
	vm3 =	vmor vm9, vm7  }
0x10b: {  	vm7 =	vmxor vm8, vm5;
	v25 =	vperm.xlane v18, v2;
	v26 =	vperm.xlane v19, v2  }
0x10c: {  	vm3 =	vmxor vm3, vm5;
	v27 =	vsel vm7, v50, v52;
	v20 =	vsel vm7, v20, v28  }
0x10d: {  	v36 =	vld [tilespmem:$0x1FFD0];
	v28 =	vsel vm0, $0xFFFFFFFF, v56;
	vm8 =	veq.s32 v18, v25;
	vm9 =	vlt.s32 v19, v26  }
0x10e: {  	v21 =	vsel vm3, v21, v51;
	vm11 =	vgt.s32 v18, v25;
	vm8 =	vmand vm8, vm9  }
0x10f: {  	v22 =	vsel vm3, v22, v30;
	vm3 =	vnez.u8 v53;
	vm7 =	vmor vm11, vm8  }
0x110: {  	vm0 =	vmxor vm2, vm13;
	v57 =	vperm.xlane v27, v3;
	vm3 =	vmxor vm7, vm3  }
0x111: {  	v60 =	vperm.xlane v21, v3;
	v18 =	vsel vm3, v18, v25;
	v19 =	vsel vm3, v19, v26  }
0x112: {  	vm5 =	vnez.u8 v36;
	v25 =	vperm.xlane v18, v4;
	v26 =	vperm.xlane v19, v4  }
0x113: {  	v58 =	vperm.xlane v20, v3;
	v30 =	vsel vm0, $0xFFFFFFFF, v59;
	v61 =	vperm.xlane v22, v3  }
0x114: {  	vm9 =	veq.s32 v21, v60;
	vm2 =	veq.s32 v18, v25;
	vm3 =	vlt.s32 v19, v26  }
0x115: {  	vm7 =	vcmask $0x2F10;
	vm8 =	vgt.s32 v18, v25;
	vm2 =	vmand vm2, vm3  }
0x116: {  	vm3 =	veq.s32 v27, v57;
	vm2 =	vmor vm8, vm2;
	vm8 =	vlt.s32 v20, v58  }
0x117: {  	vm11 =	vlt.s32 v24, v63;
	vm2 =	vmxor vm2, vm7;
	vm3 =	vmand vm3, vm8  }
0x118: {  	vm8 =	veq.s32 v23, v62;
	v18 =	vsel vm2, v18, v25;
	v19 =	vsel vm2, v19, v26  }
0x119: {  	vm2 =	vlt.s32 v22, v61;
	v25 =	vperm.xlane v18, v3;
	v26 =	vperm.xlane v19, v3  }
0x11a: {  	v37 =	vld [tilespmem:$0x1FFE0];
	vm0 =	vgt.s32 v21, v60;
	vm8 =	vmand vm8, vm11;
	vm2 =	vmand vm9, vm2  }
0x11b: {  	vm0 =	vmor vm0, vm2;
	vm9 =	veq.s32 v18, v25;
	vm15 =	vlt.s32 v19, v26  }
0x11c: {  	vm11 =	vgt.s32 v18, v25;
	vm0 =	vmxor vm0, vm4;
	vm9 =	vmand vm9, vm15  }
0x11d: {  	vm15 =	vgt.s32 v27, v57;
	v21 =	vsel vm0, v21, v60;
	v22 =	vsel vm0, v22, v61  }
0x11e: {  	vm9 =	vmor vm11, vm9;
	vm3 =	vmor vm15, vm3;
	vm11 =	vgt.s32 v23, v62  }
0x11f: {  	[tilespmem:$0x1FF50] =	vst v30;
	vm15 =	vnez.u8 v37;
	v30 =	vperm.xlane v21, v2;
	vm9 =	vmxor vm9, vm5  }
0x120: {  	vm2 =	vmor vm11, vm8;
	v18 =	vsel vm9, v18, v25;
	v19 =	vsel vm9, v19, v26  }
0x121: {  	vm3 =	vmxor vm3, vm4;
	v25 =	vperm.xlane v18, v2;
	v26 =	vperm.xlane v19, v2  }
0x122: {  	v31 =	vperm.xlane v22, v2;
	vm2 =	vmxor vm2, vm4;
	v27 =	vsel vm3, v27, v57  }
0x123: {  	[tilespmem:$0x1FF30] =	vst v29;
	v20 =	vsel vm3, v20, v58;
	vm8 =	veq.s32 v18, v25;
	vm9 =	vlt.s32 v19, v26  }
0x124: {  	v39 =	vld [tilespmem:$0x1FF30];
	v23 =	vsel vm2, v23, v62;
	vm3 =	vgt.s32 v18, v25;
	vm8 =	vmand vm8, vm9  }
0x125: {  	v24 =	vsel vm2, v24, v63;
	v38 =	vperm.xlane v27, v2;
	vm0 =	vmor vm3, vm8  }
0x126: {  	v41 =	vperm.xlane v20, v2;
	v32 =	vperm.xlane v23, v2;
	vm0 =	vmxor vm0, vm15  }
0x127: {  	v33 =	vperm.xlane v24, v2;
	v18 =	vsel vm0, v18, v25;
	v19 =	vsel vm0, v19, v26  }
0x128: {  	vm11 =	vgt.s32 v21, v30;
	v25 =	vperm.xlane v18, v5;
	v26 =	vperm.xlane v19, v5  }
0x129: {  	vm9 =	veq.s32 v23, v32;
	vm8 =	vlt.s32 v22, v31;
	vm0 =	vnez.u8 v39  }
0x12a: {  	vm0 =	vmxor vm0, vm1;
	vm1 =	veq.s32 v18, v25;
	vm2 =	vlt.s32 v19, v26  }
0x12b: {  	v29 =	vsel vm0, $0xFFFFFFFF, v40;
	vm3 =	vgt.s32 v18, v25;
	vm1 =	vmand vm1, vm2  }
0x12c: {  	v42 =	vld [tilespmem:$0x1FF80];
	vm0 =	veq.s32 v27, v38;
	vm2 =	vlt.s32 v20, v41;
	vm1 =	vmor vm3, vm1  }
0x12d: {  	vm3 =	veq.s32 v21, v30;
	vm0 =	vmand vm0, vm2;
	vm1 =	vmxor vm1, vm12  }
0x12e: {  	vm2 =	vmand vm3, vm8;
	vm3 =	vgt.s32 v27, v38;
	v18 =	vsel vm1, v18, v25  }
0x12f: {  	v19 =	vsel vm1, v19, v26;
	vm1 =	vlt.s32 v24, v33;
	vm0 =	vmor vm3, vm0  }
0x130: {  	vm3 =	vgt.s32 v23, v32;
	v25 =	vperm.xlane v18, v4;
	v26 =	vperm.xlane v19, v4  }
0x131: {  	vm2 =	vmor vm11, vm2;
	vm11 =	vnez.u8 v42;
	vm1 =	vmand vm9, vm1  }
0x132: {  	vm0 =	vmxor vm0, vm11;
	vm8 =	veq.s32 v18, v25;
	vm9 =	vlt.s32 v19, v26  }
0x133: {  	vm2 =	vmxor vm2, vm11;
	vm4 =	vgt.s32 v18, v25;
	vm8 =	vmand vm8, vm9  }
0x134: {  	vm1 =	vmor vm3, vm1;
	v27 =	vsel vm0, v27, v38;
	vm4 =	vmor vm4, vm8  }
0x135: {  	v20 =	vsel vm0, v20, v41;
	v21 =	vsel vm2, v21, v30;
	vm3 =	vmxor vm4, vm6  }
0x136: {  	[tilespmem:$0x1FF40] =	vst v28;
	v28 =	vperm.xlane v27, v4;
	v18 =	vsel vm3, v18, v25;
	v19 =	vsel vm3, v19, v26  }
0x137: {  	v22 =	vsel vm2, v22, v31;
	v25 =	vperm.xlane v18, v3;
	v26 =	vperm.xlane v19, v3  }
0x138: {  	[tilespmem:$0x1FF60] =	vst v29;
	vm0 =	vmxor vm1, vm11;
	v29 =	vperm.xlane v20, v4;
	v30 =	vperm.xlane v21, v4  }
0x139: {  	v31 =	vperm.xlane v22, v4;
	vm1 =	veq.s32 v18, v25;
	vm3 =	vlt.s32 v19, v26  }
0x13a: {  	v23 =	vsel vm0, v23, v32;
	vm2 =	vgt.s32 v18, v25;
	vm1 =	vmand vm1, vm3  }
0x13b: {  	v24 =	vsel vm0, v24, v33;
	v32 =	vperm.xlane v23, v4;
	vm0 =	vmor vm2, vm1  }
0x13c: {  	v33 =	vperm.xlane v24, v4;
	vm4 =	veq.s32 v21, v30;
	vm0 =	vmxor vm0, vm10  }
0x13d: {  	vm1 =	vlt.s32 v20, v29;
	v18 =	vsel vm0, v18, v25;
	v19 =	vsel vm0, v19, v26  }
0x13e: {  	vm0 =	veq.s32 v27, v28;
	v25 =	vperm.xlane v18, v2;
	v26 =	vperm.xlane v19, v2  }
0x13f: {  	vm9 =	veq.s32 v23, v32;
	vm0 =	vmand vm0, vm1;
	vm1 =	vlt.s32 v24, v33  }
0x140: {  	vm1 =	vmand vm9, vm1;
	vm2 =	veq.s32 v18, v25;
	vm3 =	vlt.s32 v19, v26  }
0x141: {  	vm8 =	vgt.s32 v18, v25;
	vm2 =	vmand vm2, vm3;
	vm3 =	vlt.s32 v22, v31  }
0x142: {  	vm2 =	vmor vm8, vm2;
	vm3 =	vmand vm4, vm3;
	vm4 =	vgt.s32 v27, v28  }
0x143: {  	v51 =	vld [tilespmem:$0x1FF40];
	vm8 =	vgt.s32 v21, v30;
	vm2 =	vmxor vm2, vm13;
	vm0 =	vmor vm4, vm0  }
0x144: {  	v18 =	vsel vm2, v18, v25;
	v19 =	vsel vm2, v19, v26;
	vm2 =	vmor vm8, vm3  }
0x145: {  	vm3 =	vgt.s32 v23, v32;
	vm0 =	vmxor vm0, vm7;
	[tilespmem:s4+$0x10] =	vst v18;
	vm2 =	vmxor vm2, vm7  }
0x146: {  	vm1 =	vmor vm3, vm1;
	v18 =	vsel vm0, v27, v28;
	[tilespmem:s10+$0x10] =	vst v19;
	v19 =	vsel vm0, v20, v29  }
0x147: {  	vm0 =	vmxor vm1, vm7;
	v44 =	vsel vm2, v21, v30;
	v45 =	vsel vm2, v22, v31  }
0x148: {  	v47 =	vperm.xlane v18, v3;
	vm7 =	vnez.u8 v51;
	v46 =	vsel vm0, v23, v32  }
0x149: {  	v48 =	vperm.xlane v19, v3;
	v24 =	vsel vm0, v24, v33;
	v49 =	vperm.xlane v44, v3  }
0x14a: {  	v50 =	vperm.xlane v45, v3;
	v15 =	vsel vm7, v15, v17;
	v12 =	vsel vm7, v12, v16  }
0x14b: {  	vm0 =	veq.s32 v18, v47;
	v17 =	vperm.xlane v46, v3;
	v52 =	vperm.xlane v24, v3  }
0x14c: {  	vm8 =	vgt.s32 v18, v47;
	vm1 =	vlt.s32 v19, v48;
	vm2 =	veq.s32 v44, v49  }
0x14d: {  	vm3 =	vlt.s32 v45, v50;
	vm0 =	vmand vm0, vm1;
	vm1 =	veq.s32 v46, v17  }
0x14e: {  	vm4 =	vlt.s32 v24, v52;
	vm2 =	vmand vm2, vm3;
	vm3 =	vgt.s32 v44, v49  }
0x14f: {  	vm1 =	vmand vm1, vm4;
	vm0 =	vmor vm8, vm0;
	vm4 =	vgt.s32 v46, v17  }
0x150: {  	vm2 =	vmor vm3, vm2;
	vm0 =	vmxor vm0, vm5;
	vm1 =	vmor vm4, vm1  }
0x151: {  	[tilespmem:s2+$0xFFFFFFE0] =	vst v15;
	vm2 =	vmxor vm2, vm5;
	v15 =	vsel vm0, v18, v47;
	vm1 =	vmxor vm1, vm5  }
0x152: {  	v18 =	vsel vm0, v19, v48;
	v19 =	vsel vm2, v44, v49;
	v53 =	vsel vm2, v45, v50  }
0x153: {  	v54 =	vperm.xlane v15, v2;
	v17 =	vsel vm1, v46, v17;
	v56 =	vperm.xlane v18, v2  }
0x154: {  	v55 =	vsel vm1, v24, v52;
	v57 =	vperm.xlane v19, v2;
	v16 =	vperm.xlane v53, v2  }
0x155: {  	[tilespmem:s12+$0xFFFFFFE0] =	vst v12;
	vm5 =	vcmask $0x3F20;
	v58 =	vperm.xlane v17, v2;
	v12 =	vperm.xlane v55, v2  }
0x156: {  	vm0 =	veq.s32 v15, v54;
	vm1 =	vlt.s32 v18, v56;
	vm2 =	veq.s32 v19, v57  }
0x157: {  	v61 =	vld [tilespmem:$0x1FF50];
	vm4 =	vgt.s32 v15, v54;
	vm7 =	vgt.s32 v19, v57;
	vm0 =	vmand vm0, vm1  }
0x158: {  	vm1 =	vlt.s32 v53, v16;
	vm3 =	veq.s32 v17, v58;
	vm8 =	vgt.s32 v17, v58  }
0x159: {  	vm1 =	vmand vm2, vm1;
	vm2 =	vlt.s32 v55, v12;
	vm0 =	vmor vm4, vm0  }
0x15a: {  	vm2 =	vmand vm3, vm2;
	vm1 =	vmor vm7, vm1;
	vm0 =	vmxor vm0, vm15  }
0x15b: {  	vm2 =	vmor vm8, vm2;
	vm1 =	vmxor vm1, vm15;
	v15 =	vsel vm0, v15, v54  }
0x15c: {  	v18 =	vsel vm0, v18, v56;
	vm0 =	vnez.u8 v61;
	vm2 =	vmxor vm2, vm15  }
0x15d: {  	v19 =	vsel vm1, v19, v57;
	v16 =	vsel vm1, v53, v16;
	v59 =	vperm.xlane v15, v5  }
0x15e: {  	v60 =	vperm.xlane v18, v5;
	v10 =	vsel vm0, v10, v13;
	v9 =	vsel vm0, v9, v14  }
0x15f: {  	v17 =	vsel vm2, v17, v58;
	v12 =	vsel vm2, v55, v12;
	v13 =	vperm.xlane v19, v5  }
0x160: {  	v62 =	vperm.xlane v16, v5;
	[tilespmem:s2+$0xFFFFFFF0] =	vst v10;
	vm0 =	veq.s32 v15, v59;
	v10 =	vperm.xlane v17, v5  }
0x161: {  	v14 =	vperm.xlane v12, v5;
	vm1 =	vlt.s32 v18, v60;
	vm7 =	vgt.s32 v15, v59  }
0x162: {  	v43 =	vld [tilespmem:$0x1FFB0];
	vm2 =	veq.s32 v19, v13;
	vm3 =	vlt.s32 v16, v62;
	vm0 =	vmand vm0, vm1  }
0x163: {  	vm1 =	veq.s32 v17, v10;
	vm2 =	vmand vm2, vm3;
	vm3 =	vgt.s32 v19, v13  }
0x164: {  	vm4 =	vlt.s32 v12, v14;
	vm0 =	vmor vm7, vm0;
	vm2 =	vmor vm3, vm2  }
0x165: {  	vm1 =	vmand vm1, vm4;
	vm4 =	vgt.s32 v17, v10;
	vm2 =	vmxor vm2, vm12  }
0x166: {  	vm0 =	vmxor vm0, vm5;
	vm1 =	vmor vm4, vm1;
	v13 =	vsel vm2, v19, v13;
	v19 =	vld [tilespmem:$0x1FF60]  }
0x167: {  	vm9 =	vnez.u8 v43;
	[tilespmem:s12+$0xFFFFFFF0] =	vst v9;
	v9 =	vsel vm0, v15, v59;
	vm1 =	vmxor vm1, vm5  }
0x168: {  	v15 =	vsel vm0, v18, v60;
	v18 =	vperm.xlane v9, v4;
	v10 =	vsel vm1, v17, v10  }
0x169: {  	v12 =	vsel vm1, v12, v14;
	v14 =	vperm.xlane v15, v4;
	v17 =	vperm.xlane v13, v4  }
0x16a: {  	v16 =	vsel vm2, v16, v62;
	vm0 =	veq.s32 v9, v18;
	vm4 =	vgt.s32 v9, v18  }
0x16b: {  	v63 =	vld [tilespmem:$0x1FFA0];
	vm1 =	vlt.s32 v15, v14;
	vm2 =	veq.s32 v13, v17;
	vm5 =	vnez.u8 v19  }
0x16c: {  	v19 =	vperm.xlane v10, v4;
	v7 =	vsel vm5, v7, v11;
	v11 =	vperm.xlane v16, v4  }
0x16d: {  	vm7 =	vgt.s32 v13, v17;
	vm0 =	vmand vm0, vm1;
	[tilespmem:s2+$0x0] =	vst v7;
	v7 =	vperm.xlane v12, v4  }
0x16e: {  	vm0 =	vmor vm4, vm0;
	vm3 =	veq.s32 v10, v19;
	vm1 =	vlt.s32 v16, v11  }
0x16f: {  	vm8 =	vgt.s32 v10, v19;
	vm1 =	vmand vm2, vm1;
	vm2 =	vlt.s32 v12, v7  }
0x170: {  	vm2 =	vmand vm3, vm2;
	vm1 =	vmor vm7, vm1;
	vm3 =	vnez.u8 v63  }
0x171: {  	vm2 =	vmor vm8, vm2;
	vm0 =	vmxor vm0, vm3;
	vm1 =	vmxor vm1, vm6  }
0x172: {  	vm2 =	vmxor vm2, vm3;
	v9 =	vsel vm0, v9, v18;
	v14 =	vsel vm0, v15, v14  }
0x173: {  	v13 =	vsel vm1, v13, v17;
	v11 =	vsel vm1, v16, v11;
	v16 =	vsel vm2, v10, v19  }
0x174: {  	v18 =	vsel vm2, v12, v7;
	v7 =	vperm.xlane v9, v3;
	v10 =	vperm.xlane v14, v3  }
0x175: {  	v6 =	vsel vm5, v6, v8;
	v8 =	vperm.xlane v13, v3;
	v17 =	vperm.xlane v11, v3  }
0x176: {  	[tilespmem:s12+$0x0] =	vst v6;
	v6 =	vperm.xlane v16, v3;
	v19 =	vperm.xlane v18, v3;
	vm0 =	veq.s32 v9, v7  }
0x177: {  	vm1 =	vlt.s32 v14, v10;
	vm2 =	veq.s32 v13, v8;
	vm3 =	vlt.s32 v11, v17  }
0x178: {  	s31 =	sadd.s32 $0x4, s31;
	vm7 =	vgt.s32 v9, v7;
	vm0 =	vmand vm0, vm1;
	vm1 =	veq.s32 v16, v6  }
0x179: {  	p1 =	slt.u32 s31, $0x3C;
	vm4 =	vlt.s32 v18, v19;
	vm2 =	vmand vm2, vm3;
	vm3 =	vgt.s32 v13, v8  }
.Ltmp3:
0x17a: {  	vm1 =	vmand vm1, vm4;
	vm0 =	vmor vm7, vm0;
	vm4 =	vgt.s32 v16, v6;
	(pc) =	sbr.rel @p1 .LBB2_4-.Ltmp3, $4  }
0x17b: {  	vm2 =	vmor vm3, vm2;
	vm0 =	vmxor vm0, vm9;
	vm1 =	vmor vm4, vm1  }
0x17c: {  	vm2 =	vmxor vm2, vm10;
	v15 =	vsel vm0, v9, v7;
	vm1 =	vmxor vm1, vm9  }
0x17d: {  	s14 =	simm.s32 $0x5;
	s8 =	simm.s32 $0x1;
	v12 =	vsel vm0, v14, v10;
	v10 =	vsel vm2, v13, v8;
	v9 =	vsel vm2, v11, v17  }
0x17e: {  	s2 =	smov.u32 s4;
	s4 =	sadd.s32 $0x40, s4;
	s12 =	smov.u32 s10;
	v17 =	vperm.xlane v15, v2;
	v7 =	vsel vm1, v16, v6;
	v6 =	vsel vm1, v18, v19  }
0x17f: {  	v8 =	vperm.xlane v12, v2;
	v18 =	vld [tilespmem:$0x1FFC0]  }
0x180: {  	v11 =	vperm.xlane v10, v2;
	v13 =	vperm.xlane v9, v2  }
0x181: {  	v14 =	vperm.xlane v7, v2;
	vm0 =	veq.s32 v15, v17;
	vm1 =	vlt.s32 v12, v8  }
0x182: {  	vm2 =	veq.s32 v10, v11;
	vm0 =	vmand vm0, vm1;
	vm1 =	vlt.s32 v9, v13  }
0x183: {  	v16 =	vperm.xlane v6, v2;
	vm3 =	vgt.s32 v15, v17;
	vm1 =	vmand vm2, vm1  }
0x184: {  	vm0 =	vmor vm3, vm0;
	vm3 =	vgt.s32 v10, v11;
	vm5 =	vnez.u8 v18  }
0x185: {  	vm4 =	veq.s32 v7, v14;
	vm1 =	vmor vm3, vm1;
	vm0 =	vmxor vm0, vm5  }
0x186: {  	[dreg:$0x14] =	wrdreg s1;
	vm2 =	vlt.s32 v6, v16;
	vm1 =	vmxor vm1, vm13;
	v61 =	vsel vm0, v15, v17  }
0x187: {  	vm7 =	vgt.s32 v7, v14;
	vm2 =	vmand vm4, vm2;
	v62 =	vsel vm1, v10, v11;
	[tilespmem:s2+$0xFFFFFFE0] =	vst v61  }
0x188: {  	v8 =	vsel vm0, v12, v8;
	vm0 =	vmor vm7, vm2;
	[tilespmem:s2+$0xFFFFFFF0] =	vst v62  }
0x189: {  	v63 =	vsel vm1, v9, v13;
	vm0 =	vmxor vm0, vm5;
	[tilespmem:s12+$0xFFFFFFE0] =	vst v8  }
0x18a: {  	[tilespmem:s12+$0xFFFFFFF0] =	vst v63;
	v7 =	vsel vm0, v7, v14  }
0x18b: {  	v6 =	vsel vm0, v6, v16;
	[tilespmem:s2+$0x0] =	vst v7  }
0x18c: {  	[tilespmem:s12+$0x0] =	vst v6  }
.LBB2_6:
0x18d: {  	s2 =	sshll.u32 s21, s14;
	s4 =	simm.s32 $0x0  }
.LBB2_7:
0x18e: {  	s4 =	sadd.s32 $0x1, s4  }
0x18f: {  	s0 =	sshrl.u32 s2, s4  }
0x190: {  	s10 =	simm.s32 $0x0;
	s12 =	ssub.s32 $0x0, s0  }
0x191: {  	v6 =	vmov s0;
	s16 =	sadd.s32 $0xFFFFFFFF, s0;
	s30 =	sand.u32 s12, s10  }
0x192: {  	s10 =	sand.u32 s16, s10;
	s0 =	sshll.u32 s30, $0x1  }
0x193: {  	s17 =	sor.u32 s10, s0  }
0x194: {  	s1 =	simm.s32 $0x10;
	v10 =	vld [tilespmem:s17+$0x0]  }
0x195: {  	s7 =	sand.u32 s12, s1;
	v19 =	vld [tilespmem:s17+$0x400]  }
0x196: {  	s0 =	sand.u32 s16, s1;
	s10 =	sshll.u32 s7, $0x1;
	v17 =	vld.idx.msk [tilespmem:v6+s17+$0x0 ss:$0x1], $0xffff  }
0x197: {  	s10 =	sor.u32 s0, s10;
	v18 =	vld.idx.msk [tilespmem:v6+s17+$0x400 ss:$0x1], $0xffff  }
0x198: {  	v9 =	vld.idx.msk [tilespmem:v6+s10+$0x0 ss:$0x1], $0xffff  }
0x199: {  	v14 =	vld.idx.msk [tilespmem:v6+s10+$0x400 ss:$0x1], $0xffff  }
0x19a: {  	v15 =	vld [tilespmem:s10+$0x0]  }
0x19b: {  	s9 =	simm.s32 $0x20;
	v7 =	vld [tilespmem:s10+$0x400]  }
0x19c: {  	s18 =	sand.u32 s12, s9  }
0x19d: {  	s18 =	sshll.u32 s18, $0x1;
	s0 =	sand.u32 s16, s9;
	s19 =	sand.u32 s2, s17;
	vm0 =	vne.s32 v10, v17;
	vm1 =	vge.s32 v19, v18  }
0x19e: {  	s29 =	simm.s32 $0x30;
	s31 =	sor.u32 s0, s18;
	p1 =	seq.s32 s19, $0x0;
	vm2 =	vle.s32 v10, v17;
	vm0 =	vmor vm0, vm1;
	vm1 =	vmmov vm14  }
0x19f: {  	vm3 =	vmmov vm14;
	s15 =	sand.u32 s2, s10;
	s19 =	sand.u32 s12, s29;
	v8 =	vld [tilespmem:s31+$0x0];
	vm1 =	vmneg @p1 vm1;
	vm0 =	vmand vm2, vm0  }
0x1a0: {  	s30 =	sand.u32 s16, s29;
	s0 =	sshll.u32 s19, $0x1;
	v11 =	vld.idx.msk [tilespmem:v6+s31+$0x0 ss:$0x1], $0xffff;
	vm4 =	vle.s32 v15, v9;
	p1 =	seq.s32 s15, $0x0;
	vm2 =	vge.s32 v7, v14;
	vm1 =	vmxor vm1, vm0  }
0x1a1: {  	v12 =	vld.idx.msk [tilespmem:v6+s31+$0x400 ss:$0x1], $0xffff;
	s15 =	sor.u32 s30, s0;
	vm3 =	vmneg @p1 vm3;
	vm0 =	vne.s32 v15, v9;
	v13 =	vsel vm1, v10, v17  }
0x1a2: {  	v16 =	vld [tilespmem:s31+$0x400];
	s0 =	sand.u32 s2, s15;
	v20 =	vsel vm1, v19, v18;
	vm2 =	vmor vm0, vm2;
	vm3 =	vmmov vm3;
	[tilespmem:s17+$0x0] =	vst v13  }
0x1a3: {  	p1 =	seq.s32 s0, $0x0;
	vm0 =	vmmov vm14;
	v17 =	vsel vm1, v17, v10;
	v10 =	vld.idx.msk [tilespmem:v6+s15+$0x400 ss:$0x1], $0xffff;
	[tilespmem:s17+$0x400] =	vst v20;
	vm2 =	vmand vm4, vm2  }
0x1a4: {  	s18 =	simm.s32 $0x50;
	s0 =	simm.s32 $0x2;
	v13 =	vld.idx.msk [tilespmem:v6+s15+$0x0 ss:$0x1], $0xffff;
	vm0 =	vmneg @p1 vm0;
	[tilespmem:v6+s17+$0x0 ss:$0x1] =	vst.idx.msk $0xffff, v17;
	v17 =	vsel vm1, v18, v19;
	vm2 =	vmxor vm3, vm2  }
.LBB2_8:
0x1a5: {  	s19 =	sadd.s32 $0xFFFFFFF0, s18;
	s29 =	sand.u32 s12, s18;
	s30 =	sand.u32 s16, s18;
	[tilespmem:v6+s17+$0x400 ss:$0x1] =	vst.idx.msk $0xffff, v17;
	v22 =	vsel vm2, v15, v9  }
0x1a6: {  	v21 =	vsel vm2, v7, v14;
	vm1 =	vmmov vm0;
	v9 =	vsel vm2, v9, v15;
	v17 =	vmovc v11;
	s17 =	smov.u32 s31;
	s1 =	sand.u32 s12, s19;
	s29 =	sshll.u32 s29, $0x1  }
0x1a7: {  	v18 =	vld [tilespmem:s15+$0x0];
	v14 =	vsel vm2, v14, v7;
	s19 =	sand.u32 s16, s19;
	s7 =	sand.u32 s2, s17;
	vm0 =	vne.s32 v8, v17;
	s1 =	sshll.u32 s1, $0x1;
	vm2 =	vge.s32 v16, v12  }
0x1a8: {  	[tilespmem:s10+$0x0] =	vst v22;
	v7 =	vld [tilespmem:s15+$0x400];
	vm3 =	vle.s32 v8, v17;
	p1 =	seq.s32 s7, $0x0;
	s31 =	sor.u32 s19, s1;
	s1 =	sor.u32 s30, s29;
	vm0 =	vmor vm0, vm2;
	vm2 =	vmmov vm14  }
0x1a9: {  	v19 =	vmovc v12;
	[tilespmem:s10+$0x400] =	vst v21;
	v20 =	vmov v16;
	s7 =	sand.u32 s2, s1;
	vm2 =	vmneg @p1 vm2;
	vm0 =	vmand vm3, vm0  }
0x1aa: {  	s0 =	sadd.s32 $0x2, s0;
	[tilespmem:v6+s10+$0x0 ss:$0x1] =	vst.idx.msk $0xffff, v9;
	p1 =	seq.s32 s7, $0x0;
	vm2 =	vmxor vm2, vm0;
	vm0 =	vmmov vm14  }
0x1ab: {  	v9 =	vmov v13;
	v21 =	vld [tilespmem:s31+$0x0];
	[tilespmem:v6+s10+$0x400 ss:$0x1] =	vst.idx.msk $0xffff, v14;
	s10 =	smov.u32 s15;
	s15 =	smov.u32 s1;
	vm0 =	vmneg @p1 vm0;
	p1 =	slt.u32 s0, $0x1E  }
.Ltmp4:
0x1ac: {  	v11 =	vld.idx.msk [tilespmem:v6+s31+$0x0 ss:$0x1], $0xffff;
	vm3 =	vle.s32 v18, v9;
	vm4 =	vne.s32 v18, v9;
	v15 =	vmov v18;
	(pc) =	sbr.rel @p1 .LBB2_8-.Ltmp4, $4  }
0x1ad: {  	v14 =	vmov v10;
	v12 =	vld.idx.msk [tilespmem:v6+s31+$0x400 ss:$0x1], $0xffff;
	v13 =	vsel vm2, v8, v17;
	vm7 =	vge.s32 v7, v10  }
0x1ae: {  	v10 =	vsel vm2, v20, v19;
	v16 =	vld [tilespmem:s31+$0x400];
	[tilespmem:s17+$0x0] =	vst v13;
	vm4 =	vmor vm4, vm7  }
0x1af: {  	v18 =	vsel vm2, v17, v8;
	v13 =	vld.idx.msk [tilespmem:v6+s15+$0x0 ss:$0x1], $0xffff;
	[tilespmem:s17+$0x400] =	vst v10;
	vm3 =	vmand vm3, vm4  }
0x1b0: {  	s18 =	sadd.s32 $0x20, s18;
	v17 =	vsel vm2, v19, v20;
	v10 =	vld.idx.msk [tilespmem:v6+s15+$0x400 ss:$0x1], $0xffff;
	[tilespmem:v6+s17+$0x0 ss:$0x1] =	vst.idx.msk $0xffff, v18;
	vm2 =	vmxor vm1, vm3;
	v8 =	vmov v21  }
0x1b1: {  	_ =	sdelay $0x2  }
0x1b2: {  	v18 =	vld [tilespmem:s15+$0x0]  }
0x1b3: {  	[tilespmem:v6+s17+$0x400 ss:$0x1] =	vst.idx.msk $0xffff, v17;
	v60 =	vsel vm2, v15, v9;
	v19 =	vld [tilespmem:s15+$0x400];
	v20 =	vsel vm2, v7, v14  }
0x1b4: {  	s0 =	sand.u32 s2, s31;
	vm1 =	vne.s32 v8, v11;
	v61 =	vsel vm2, v9, v15;
	[tilespmem:s10+$0x0] =	vst v60;
	vm3 =	vge.s32 v16, v12  }
0x1b5: {  	vm4 =	vle.s32 v8, v11;
	[tilespmem:s10+$0x400] =	vst v20;
	p1 =	seq.s32 s0, $0x0;
	vm1 =	vmor vm1, vm3;
	vm3 =	vmmov vm14  }
0x1b6: {  	v7 =	vsel vm2, v14, v7;
	[tilespmem:v6+s10+$0x0 ss:$0x1] =	vst.idx.msk $0xffff, v61;
	vm3 =	vmneg @p1 vm3;
	vm1 =	vmand vm4, vm1  }
0x1b7: {  	[tilespmem:v6+s10+$0x400 ss:$0x1] =	vst.idx.msk $0xffff, v7;
	vm1 =	vmxor vm3, vm1  }
0x1b8: {  	vm2 =	vne.s32 v18, v13;
	vm3 =	vge.s32 v19, v10;
	v7 =	vsel vm1, v8, v11  }
0x1b9: {  	vm4 =	vle.s32 v18, v13;
	vm2 =	vmor vm2, vm3;
	[tilespmem:s31+$0x0] =	vst v7;
	v7 =	vsel vm1, v16, v12  }
0x1ba: {  	vm0 =	vmmov vm0;
	vm2 =	vmand vm4, vm2;
	[tilespmem:s31+$0x400] =	vst v7;
	v7 =	vsel vm1, v11, v8  }
0x1bb: {  	p1 =	sne.s32 s4, s8;
	vm0 =	vmxor vm0, vm2;
	[tilespmem:v6+s31+$0x0 ss:$0x1] =	vst.idx.msk $0xffff, v7;
	v7 =	vsel vm1, v12, v16  }
.Ltmp5:
0x1bc: {  	v62 =	vsel vm0, v19, v10;
	[tilespmem:v6+s31+$0x400 ss:$0x1] =	vst.idx.msk $0xffff, v7;
	(pc) =	sbr.rel @p1 .LBB2_7-.Ltmp5, $4  }
0x1bd: {  	v7 =	vsel vm0, v18, v13;
	[tilespmem:s15+$0x400] =	vst v62  }
0x1be: {  	[tilespmem:s15+$0x0] =	vst v7;
	v7 =	vsel vm0, v13, v18  }
0x1bf: {  	v63 =	vsel vm0, v10, v19;
	[tilespmem:v6+s15+$0x0 ss:$0x1] =	vst.idx.msk $0xffff, v7  }
0x1c0: {  	[tilespmem:v6+s15+$0x400 ss:$0x1] =	vst.idx.msk $0xffff, v63  }
0x1c1: {  	v6 =	vmov s2;
	s2 =	simm.s32 $0x20  }
0x1c2: {  	s10 =	simm.s32 $0x420;
	v7 =	vld [tilespmem:s2+$0x10]  }
0x1c3: {  	v8 =	vld [tilespmem:s10+$0x10];
	_ =	sdelay $0x2  }
0x1c4: {  	v9 =	vld [tilespmem:s10+$0xFFFFFFE0]  }
0x1c5: {  	s4 =	simm.s32 $0x0;
	v10 =	vld [tilespmem:s2+$0xFFFFFFF0]  }
0x1c6: {  	s0 =	simm.s32 $0x30;
	s29 =	simm.s32 $0x10;
	s30 =	simm.s32 $0x20;
	v12 =	vld [tilespmem:s2+$0x0];
	v17 =	vor.u32 s4, v1;
	v13 =	vperm.xlane v7, v5;
	v14 =	vperm.xlane v8, v5  }
0x1c7: {  	v15 =	vld [tilespmem:s2+$0xFFFFFFE0];
	v19 =	vor.u32 s0, v1;
	v24 =	vor.u32 s29, v1;
	v25 =	vor.u32 s30, v1  }
0x1c8: {  	v16 =	vld [tilespmem:s10+$0x0];
	v19 =	vand.u32 v6, v19;
	vm0 =	veq.s32 v7, v13;
	vm1 =	vlt.s32 v8, v14  }
0x1c9: {  	v17 =	vand.u32 v6, v17;
	vm2 =	vgt.s32 v7, v13;
	vm0 =	vmand vm0, vm1  }
0x1ca: {  	v11 =	vld [tilespmem:s10+$0xFFFFFFF0];
	v25 =	vand.u32 v6, v25;
	vm1 =	veq.s32 v19, $0x0;
	vm0 =	vmor vm2, vm0  }
0x1cb: {  	v18 =	vperm.xlane v9, v5;
	v20 =	vperm.xlane v10, v5;
	vm0 =	vmxor vm1, vm0  }
0x1cc: {  	v21 =	vperm.xlane v12, v5;
	v22 =	vperm.xlane v15, v5;
	vm0 =	vmxor vm0, vm12  }
0x1cd: {  	v23 =	vperm.xlane v16, v5;
	v7 =	vsel vm0, v7, v13;
	v8 =	vsel vm0, v8, v14  }
0x1ce: {  	vm3 =	veq.s32 v10, v20;
	v13 =	vperm.xlane v7, v4;
	v14 =	vperm.xlane v8, v4  }
0x1cf: {  	vm7 =	veq.s32 v12, v21;
	vm8 =	vlt.s32 v16, v23;
	v19 =	vperm.xlane v11, v5  }
0x1d0: {  	vm2 =	vlt.s32 v9, v18;
	vm9 =	veq.s32 v7, v13;
	vm11 =	vlt.s32 v8, v14  }
0x1d1: {  	vm0 =	veq.s32 v15, v22;
	vm15 =	vgt.s32 v7, v13;
	vm9 =	vmand vm9, vm11  }
0x1d2: {  	vm4 =	vlt.s32 v11, v19;
	vm0 =	vmand vm0, vm2;
	vm2 =	vmor vm15, vm9  }
0x1d3: {  	vm3 =	vmand vm3, vm4;
	vm4 =	vmand vm7, vm8;
	vm2 =	vmxor vm1, vm2  }
0x1d4: {  	vm7 =	vgt.s32 v15, v22;
	vm8 =	vgt.s32 v10, v20;
	vm2 =	vmxor vm2, vm6  }
0x1d5: {  	vm3 =	vmor vm8, vm3;
	vm9 =	vgt.s32 v12, v21;
	v7 =	vsel vm2, v7, v13  }
0x1d6: {  	v8 =	vsel vm2, v8, v14;
	v13 =	vand.u32 v6, v24;
	v14 =	vperm.xlane v7, v3  }
0x1d7: {  	vm4 =	vmor vm9, vm4;
	v63 =	vperm.xlane v8, v3;
	vm15 =	veq.s32 v13, $0x0  }
0x1d8: {  	vm2 =	vmor vm7, vm0;
	vm3 =	vmxor vm15, vm3;
	vm0 =	veq.s32 v7, v14  }
0x1d9: {  	vm7 =	vlt.s32 v8, v63;
	vm8 =	vgt.s32 v7, v14;
	vm3 =	vmxor vm3, vm12  }
0x1da: {  	vm0 =	vmand vm0, vm7;
	vm7 =	veq.s32 v25, $0x0;
	v10 =	vsel vm3, v10, v20  }
0x1db: {  	v11 =	vsel vm3, v11, v19;
	vm8 =	vmor vm8, vm0;
	vm0 =	veq.s32 v17, $0x0  }
0x1dc: {  	vm4 =	vmxor vm7, vm4;
	v19 =	vperm.xlane v10, v4;
	vm8 =	vmxor vm1, vm8  }
0x1dd: {  	v20 =	vperm.xlane v11, v4;
	vm2 =	vmxor vm0, vm2;
	vm8 =	vmxor vm8, vm10  }
0x1de: {  	vm2 =	vmxor vm2, vm12;
	vm9 =	vgt.s32 v10, v19;
	v7 =	vsel vm8, v7, v14  }
0x1df: {  	v8 =	vsel vm8, v8, v63;
	v15 =	vsel vm2, v15, v22;
	v9 =	vsel vm2, v9, v18  }
0x1e0: {  	vm2 =	vmxor vm4, vm12;
	v13 =	vperm.xlane v7, v2;
	v14 =	vperm.xlane v8, v2  }
0x1e1: {  	v12 =	vsel vm2, v12, v21;
	v16 =	vsel vm2, v16, v23;
	v17 =	vperm.xlane v15, v4  }
0x1e2: {  	v21 =	vperm.xlane v12, v4;
	vm4 =	veq.s32 v7, v13;
	vm8 =	vlt.s32 v8, v14  }
0x1e3: {  	v18 =	vperm.xlane v9, v4;
	vm3 =	vgt.s32 v7, v13;
	vm4 =	vmand vm4, vm8  }
0x1e4: {  	v22 =	vperm.xlane v16, v4;
	vm8 =	veq.s32 v12, v21;
	vm2 =	vmor vm3, vm4  }
0x1e5: {  	vm3 =	vlt.s32 v9, v18;
	vm1 =	vmxor vm1, vm2;
	vm2 =	veq.s32 v15, v17  }
0x1e6: {  	vm4 =	vlt.s32 v11, v20;
	vm1 =	vmxor vm1, vm13;
	vm2 =	vmand vm2, vm3  }
0x1e7: {  	v23 =	vsel vm1, v7, v13;
	v24 =	vsel vm1, v8, v14;
	vm1 =	veq.s32 v10, v19  }
0x1e8: {  	vm3 =	vlt.s32 v16, v22;
	vm1 =	vmand vm1, vm4;
	vm4 =	vgt.s32 v15, v17  }
0x1e9: {  	vm3 =	vmand vm8, vm3;
	vm2 =	vmor vm4, vm2;
	vm1 =	vmor vm9, vm1  }
0x1ea: {  	vm4 =	vgt.s32 v12, v21;
	vm2 =	vmxor vm0, vm2;
	vm1 =	vmxor vm15, vm1  }
0x1eb: {  	vm3 =	vmor vm4, vm3;
	vm2 =	vmxor vm2, vm6;
	vm1 =	vmxor vm1, vm6  }
0x1ec: {  	vm3 =	vmxor vm7, vm3;
	v7 =	vsel vm2, v15, v17;
	v8 =	vsel vm2, v9, v18  }
0x1ed: {  	vm2 =	vmxor vm3, vm6;
	v9 =	vsel vm1, v10, v19;
	v10 =	vsel vm1, v11, v20  }
0x1ee: {  	v11 =	vsel vm2, v12, v21;
	v12 =	vperm.xlane v7, v3;
	v13 =	vperm.xlane v8, v3  }
0x1ef: {  	v17 =	vsel vm2, v16, v22;
	v14 =	vperm.xlane v9, v3;
	v19 =	vperm.xlane v10, v3  }
0x1f0: {  	v21 =	vperm.xlane v11, v3;
	v22 =	vperm.xlane v17, v3;
	vm1 =	veq.s32 v7, v12  }
0x1f1: {  	vm2 =	vlt.s32 v8, v13;
	vm3 =	veq.s32 v9, v14;
	vm4 =	vlt.s32 v10, v19  }
0x1f2: {  	vm9 =	vgt.s32 v7, v12;
	vm1 =	vmand vm1, vm2;
	vm2 =	veq.s32 v11, v21  }
0x1f3: {  	vm8 =	vlt.s32 v17, v22;
	vm3 =	vmand vm3, vm4;
	vm4 =	vgt.s32 v9, v14  }
0x1f4: {  	vm2 =	vmand vm2, vm8;
	vm1 =	vmor vm9, vm1;
	vm8 =	vgt.s32 v11, v21  }
0x1f5: {  	vm3 =	vmor vm4, vm3;
	vm1 =	vmxor vm0, vm1;
	vm2 =	vmor vm8, vm2  }
0x1f6: {  	vm3 =	vmxor vm15, vm3;
	vm1 =	vmxor vm1, vm10;
	vm2 =	vmxor vm7, vm2  }
0x1f7: {  	vm3 =	vmxor vm3, vm10;
	v15 =	vsel vm1, v7, v12;
	vm2 =	vmxor vm2, vm10  }
0x1f8: {  	v18 =	vsel vm1, v8, v13;
	v16 =	vsel vm3, v9, v14;
	v14 =	vsel vm3, v10, v19  }
0x1f9: {  	v20 =	vperm.xlane v15, v2;
	v7 =	vsel vm2, v17, v22;
	v22 =	vperm.xlane v18, v2  }
0x1fa: {  	v13 =	vsel vm2, v11, v21;
	v21 =	vperm.xlane v16, v2;
	v19 =	vperm.xlane v14, v2  }
0x1fb: {  	v17 =	vperm.xlane v13, v2;
	v8 =	vperm.xlane v7, v2  }
0x1fc: {  	[tilespmem:s2+$0x10] =	vst v23;
	vm1 =	veq.s32 v15, v20;
	vm2 =	vlt.s32 v18, v22;
	vm8 =	veq.s32 v16, v21  }
0x1fd: {  	s31 =	simm.s32 $0x0;
	s15 =	simm.s32 $0x60;
	s12 =	simm.s32 $0x420;
	[tilespmem:s10+$0x10] =	vst v24;
	vm9 =	vlt.s32 v14, v19;
	vm1 =	vmand vm1, vm2;
	vm2 =	veq.s32 v13, v17  }
.LBB2_11:
0x1fe: {  	v23 =	vld [tilespmem:s15+$0x10];
	vm3 =	vgt.s32 v15, v20;
	vm4 =	vmand vm8, vm9;
	vm8 =	vlt.s32 v7, v8;
	s10 =	sadd.s32 $0x40, s10  }
0x1ff: {  	vm9 =	vgt.s32 v16, v21;
	vm11 =	vgt.s32 v13, v17;
	v24 =	vld [tilespmem:s10+$0x10];
	vm2 =	vmand vm2, vm8  }
0x200: {  	s31 =	sadd.s32 $0x4, s31;
	vm1 =	vmor vm3, vm1;
	vm3 =	vmor vm9, vm4;
	v9 =	vld [tilespmem:s10+$0xFFFFFFE0];
	vm2 =	vmor vm11, vm2  }
0x201: {  	p1 =	slt.u32 s31, $0x3C;
	vm0 =	vmxor vm0, vm1;
	vm1 =	vmxor vm15, vm3;
	v10 =	vld [tilespmem:s15+$0xFFFFFFF0];
	vm2 =	vmxor vm7, vm2  }
0x202: {  	vm0 =	vmxor vm0, vm13;
	vm3 =	vmxor vm1, vm13;
	v11 =	vld [tilespmem:s10+$0xFFFFFFF0];
	vm1 =	vmxor vm2, vm13  }
0x203: {  	v15 =	vsel vm0, v15, v20;
	v18 =	vsel vm0, v18, v22;
	v16 =	vsel vm3, v16, v21;
	v12 =	vld [tilespmem:s15+$0x0]  }
0x204: {  	s4 =	sadd.s32 $0x40, s4;
	v14 =	vsel vm3, v14, v19;
	v21 =	vperm.xlane v23, v5;
	v20 =	vld [tilespmem:s10+$0x0];
	v22 =	vperm.xlane v24, v5;
	[tilespmem:s2+$0xFFFFFFE0] =	vst v15  }
0x205: {  	s0 =	sadd.s32 $0x10, s4;
	s1 =	sadd.s32 $0x20, s4;
	s7 =	sadd.s32 $0x30, s4;
	v19 =	vor.u32 s4, v1;
	v13 =	vsel vm1, v13, v17;
	v15 =	vld [tilespmem:s15+$0xFFFFFFE0];
	v25 =	vperm.xlane v9, v5;
	[tilespmem:s12+$0xFFFFFFE0] =	vst v18  }
0x206: {  	v17 =	vor.u32 s7, v1;
	vm0 =	veq.s32 v23, v21;
	vm2 =	vlt.s32 v24, v22;
	[tilespmem:s2+$0xFFFFFFF0] =	vst v16  }
0x207: {  	vm3 =	vgt.s32 v23, v21;
	v16 =	vand.u32 v6, v17;
	vm0 =	vmand vm0, vm2;
	[tilespmem:s12+$0xFFFFFFF0] =	vst v14  }
0x208: {  	v14 =	vperm.xlane v10, v5;
	vm2 =	veq.s32 v16, $0x0;
	vm0 =	vmor vm3, vm0;
	[tilespmem:s2+$0x0] =	vst v13;
	s2 =	smov.u32 s15  }
0x209: {  	v13 =	vperm.xlane v11, v5;
	v16 =	vperm.xlane v12, v5;
	vm0 =	vmxor vm2, vm0  }
0x20a: {  	v18 =	vperm.xlane v20, v5;
	v17 =	vperm.xlane v15, v5;
	vm0 =	vmxor vm0, vm12  }
0x20b: {  	vm3 =	vlt.s32 v9, v25;
	v21 =	vsel vm0, v23, v21;
	v22 =	vsel vm0, v24, v22  }
0x20c: {  	vm0 =	veq.s32 v15, v17;
	v23 =	vperm.xlane v21, v4;
	v24 =	vperm.xlane v22, v4  }
0x20d: {  	vm4 =	veq.s32 v10, v14;
	vm7 =	vlt.s32 v11, v13;
	vm8 =	veq.s32 v12, v16  }
0x20e: {  	vm9 =	vlt.s32 v20, v18;
	vm11 =	veq.s32 v21, v23;
	vm15 =	vlt.s32 v22, v24  }
0x20f: {  	v26 =	vor.u32 s0, v1;
	vm5 =	vgt.s32 v21, v23;
	vm11 =	vmand vm11, vm15  }
0x210: {  	v27 =	vor.u32 s1, v1;
	vm0 =	vmand vm0, vm3;
	vm3 =	vmor vm5, vm11  }
0x211: {  	vm4 =	vmand vm4, vm7;
	vm5 =	vmand vm8, vm9;
	vm3 =	vmxor vm2, vm3  }
0x212: {  	vm7 =	vgt.s32 v15, v17;
	vm8 =	vgt.s32 v10, v14;
	vm3 =	vmxor vm3, vm6  }
0x213: {  	vm9 =	vgt.s32 v12, v16;
	v21 =	vsel vm3, v21, v23;
	v22 =	vsel vm3, v22, v24  }
0x214: {  	v23 =	vand.u32 v6, v26;
	v24 =	vperm.xlane v21, v3;
	v26 =	vperm.xlane v22, v3  }
0x215: {  	v27 =	vand.u32 v6, v27;
	v19 =	vand.u32 v6, v19;
	vm3 =	vmor vm7, vm0  }
0x216: {  	vm4 =	vmor vm8, vm4;
	vm0 =	veq.s32 v21, v24;
	vm7 =	vlt.s32 v22, v26  }
0x217: {  	vm5 =	vmor vm9, vm5;
	vm8 =	vgt.s32 v21, v24;
	vm0 =	vmand vm0, vm7  }
0x218: {  	vm15 =	veq.s32 v23, $0x0;
	vm7 =	veq.s32 v27, $0x0;
	vm8 =	vmor vm8, vm0  }
0x219: {  	vm4 =	vmxor vm15, vm4;
	vm0 =	veq.s32 v19, $0x0;
	vm8 =	vmxor vm2, vm8  }
0x21a: {  	vm5 =	vmxor vm7, vm5;
	vm3 =	vmxor vm0, vm3;
	vm8 =	vmxor vm8, vm10  }
0x21b: {  	vm3 =	vmxor vm3, vm12;
	v19 =	vsel vm8, v21, v24;
	v21 =	vsel vm8, v22, v26  }
0x21c: {  	vm4 =	vmxor vm4, vm12;
	v22 =	vperm.xlane v19, v2;
	v23 =	vperm.xlane v21, v2  }
0x21d: {  	v15 =	vsel vm3, v15, v17;
	v9 =	vsel vm3, v9, v25;
	vm3 =	vmxor vm5, vm12  }
0x21e: {  	v10 =	vsel vm4, v10, v14;
	vm5 =	veq.s32 v19, v22;
	vm8 =	vlt.s32 v21, v23  }
0x21f: {  	v11 =	vsel vm4, v11, v13;
	vm4 =	vgt.s32 v19, v22;
	vm5 =	vmand vm5, vm8  }
0x220: {  	v12 =	vsel vm3, v12, v16;
	v13 =	vsel vm3, v20, v18;
	vm3 =	vmor vm4, vm5  }
0x221: {  	v14 =	vperm.xlane v15, v4;
	v16 =	vperm.xlane v9, v4;
	vm2 =	vmxor vm2, vm3  }
0x222: {  	v17 =	vperm.xlane v10, v4;
	v18 =	vperm.xlane v11, v4;
	vm2 =	vmxor vm2, vm13  }
0x223: {  	v20 =	vperm.xlane v12, v4;
	v24 =	vperm.xlane v13, v4;
	v19 =	vsel vm2, v19, v22  }
0x224: {  	vm4 =	vlt.s32 v9, v16;
	vm3 =	veq.s32 v15, v14;
	v21 =	vsel vm2, v21, v23;
	[tilespmem:s15+$0x10] =	vst v19  }
0x225: {  	vm8 =	veq.s32 v12, v20;
	vm5 =	vlt.s32 v11, v18;
	vm2 =	veq.s32 v10, v17;
	[tilespmem:s10+$0x10] =	vst v21  }
0x226: {  	vm3 =	vmand vm3, vm4;
	vm4 =	vlt.s32 v13, v24;
	vm2 =	vmand vm2, vm5  }
0x227: {  	vm9 =	vgt.s32 v10, v17;
	vm4 =	vmand vm8, vm4;
	vm5 =	vgt.s32 v15, v14  }
0x228: {  	vm3 =	vmor vm5, vm3;
	vm2 =	vmor vm9, vm2;
	vm5 =	vgt.s32 v12, v20  }
0x229: {  	vm3 =	vmxor vm0, vm3;
	vm2 =	vmxor vm15, vm2;
	vm4 =	vmor vm5, vm4  }
0x22a: {  	vm3 =	vmxor vm3, vm6;
	vm2 =	vmxor vm2, vm6;
	vm4 =	vmxor vm7, vm4  }
0x22b: {  	v14 =	vsel vm3, v15, v14;
	v9 =	vsel vm3, v9, v16;
	vm3 =	vmxor vm4, vm6  }
0x22c: {  	v10 =	vsel vm2, v10, v17;
	v11 =	vsel vm2, v11, v18;
	v12 =	vsel vm3, v12, v20  }
0x22d: {  	v15 =	vperm.xlane v14, v3;
	v16 =	vperm.xlane v9, v3;
	v17 =	vsel vm3, v13, v24  }
0x22e: {  	v7 =	vsel vm1, v7, v8;
	v13 =	vperm.xlane v10, v3;
	v19 =	vperm.xlane v11, v3  }
0x22f: {  	v8 =	vperm.xlane v12, v3;
	v21 =	vperm.xlane v17, v3;
	vm1 =	veq.s32 v14, v15;
	[tilespmem:s12+$0x0] =	vst v7;
	s12 =	smov.u32 s10  }
0x230: {  	vm2 =	vlt.s32 v9, v16;
	vm3 =	veq.s32 v10, v13;
	vm4 =	vlt.s32 v11, v19  }
0x231: {  	vm1 =	vmand vm1, vm2;
	vm2 =	veq.s32 v12, v8;
	vm5 =	vlt.s32 v17, v21  }
0x232: {  	vm8 =	vgt.s32 v14, v15;
	vm3 =	vmand vm3, vm4;
	vm2 =	vmand vm2, vm5  }
0x233: {  	vm4 =	vgt.s32 v10, v13;
	vm1 =	vmor vm8, vm1;
	vm5 =	vgt.s32 v12, v8  }
0x234: {  	vm3 =	vmor vm4, vm3;
	vm1 =	vmxor vm0, vm1;
	vm2 =	vmor vm5, vm2  }
0x235: {  	vm3 =	vmxor vm15, vm3;
	vm1 =	vmxor vm1, vm10;
	vm2 =	vmxor vm7, vm2  }
0x236: {  	vm3 =	vmxor vm3, vm10;
	v15 =	vsel vm1, v14, v15;
	vm2 =	vmxor vm2, vm10  }
0x237: {  	v18 =	vsel vm1, v9, v16;
	v16 =	vsel vm3, v10, v13;
	v14 =	vsel vm3, v11, v19  }
.Ltmp6:
0x238: {  	v20 =	vperm.xlane v15, v2;
	v13 =	vsel vm2, v12, v8;
	v7 =	vsel vm2, v17, v21;
	(pc) =	sbr.rel @p1 .LBB2_11-.Ltmp6, $4  }
0x239: {  	v22 =	vperm.xlane v18, v2;
	v21 =	vperm.xlane v16, v2  }
0x23a: {  	v19 =	vperm.xlane v14, v2;
	v17 =	vperm.xlane v13, v2;
	vm1 =	veq.s32 v15, v20  }
0x23b: {  	v8 =	vperm.xlane v7, v2;
	vm2 =	vlt.s32 v18, v22;
	vm8 =	veq.s32 v16, v21  }
0x23c: {  	s15 =	sadd.s32 $0x40, s15;
	vm9 =	vlt.s32 v14, v19;
	vm1 =	vmand vm1, vm2;
	vm2 =	veq.s32 v13, v17  }
0x23d: {  	vm3 =	vgt.s32 v15, v20  }
0x23e: {  	vm4 =	vmand vm8, vm9;
	vm1 =	vmor vm3, vm1  }
0x23f: {  	vm5 =	vgt.s32 v16, v21;
	vm3 =	vlt.s32 v7, v8;
	vm0 =	vmxor vm0, vm1  }
0x240: {  	vm4 =	vmor vm5, vm4;
	vm1 =	vgt.s32 v13, v17;
	vm0 =	vmxor vm0, vm13  }
0x241: {  	vm2 =	vmand vm2, vm3;
	vm3 =	vmxor vm15, vm4;
	v6 =	vsel vm0, v15, v20  }
0x242: {  	vm1 =	vmor vm1, vm2;
	vm2 =	vmxor vm3, vm13;
	v9 =	vsel vm0, v18, v22;
	[tilespmem:s2+$0xFFFFFFE0] =	vst v6  }
0x243: {  	vm0 =	vmxor vm7, vm1;
	v6 =	vsel vm2, v16, v21;
	[tilespmem:s12+$0xFFFFFFE0] =	vst v9  }
0x244: {  	v63 =	vsel vm2, v14, v19;
	vm0 =	vmxor vm0, vm13;
	[tilespmem:s2+$0xFFFFFFF0] =	vst v6  }
0x245: {  	v6 =	vsel vm0, v13, v17;
	[tilespmem:s12+$0xFFFFFFF0] =	vst v63  }
0x246: {  	[tilespmem:s2+$0x0] =	vst v6;
	v6 =	vsel vm0, v7, v8  }
0x247: {  	[tilespmem:s12+$0x0] =	vst v6  }
0x248: {  	v6 =	vld [tilespmem:$0x1FF90];
	_ =	sdelay $0x3  }
0x249: {  	s8 =	sadd.s32 $0x1, s8  }
0x24a: {  	p1 =	sne.s32 s8, $0x7;
	vm5 =	vnez.u8 v6;
	v6 =	vld [tilespmem:$0x1FFB0]  }
.Ltmp7:
0x24b: {  	_ = 	snop;
	(pc) =	sbr.rel @p1 .LBB2_6-.Ltmp7, $2  }
0x24c: {  	_ =	sdelay $0x2  }
0x24d: {  	s14 =	sadd.s32 $0x1, s14;
	vm9 =	vnez.u8 v6  }
0x24e: {  	s2 =	simm.s32 $0x0;
	s0 =	rddreg [dreg:$0xb]  }
0x24f: {  	[spmem:s0] =	stream.strided.scatter [tilespmem:s2], [sflag:$0x5], $0x400, s23, s22, $0x38;
	[tilespmem:$0x9A80] =	vst v63  }
0x250: {  	_ =	swait.ge [sflag:s20], $0x400  }
0x251: {  	[sflag:s20] =	ssyncset.done $0x0  }
0x252: {  	s31 =	rddreg [dreg:$0xc];
	[sflag:s20] =	ssyncadd.s32 $0xFFFFFC00  }
0x253: {  	[spmem:s31] =	stream.strided.scatter [tilespmem:s23], [sflag:$0x5], $0x400, s23, s22, $0x38;
	[tilespmem:$0x9A80] =	vst v63  }
.Ltmp8:
0x254: {  	_ =	swait.ge [sflag:s20], $0x400;
	(pc) =	sbr.rel .LBB2_14-.Ltmp8, $4  }
0x255: {  	[sflag:s20] =	ssyncset.done $0x0  }
0x256: {  	[sflag:s20] =	ssyncadd.s32 $0xFFFFFC00  }
0x257: {  	[bflag:$0x0] =	sbarrier.arrive $0xFFFF  }
0x258: {  	vm4 =	vcmask $0x3F20  }
.LBB2_26:
0x259: {  	[bflag:$0x0] =	sbarrier.arrive $0xFFFF  }
.LBB2_27:
0x25a: {  	s2 =	sadd.s32 $0x1, s2  }
0x25b: {  	p1 =	sne.s32 s2, $0x3  }
.Ltmp9:
0x25c: {  	_ = 	snop;
	(pc) =	sbr.rel @!p1 .LBB2_28-.Ltmp9, $2  }
0x25d: {  	_ =	sdelay $0x1  }
0x25e: {  	[bflag:$0x0] =	sbarrier.arrive $0xFFFF;
	_ =	sdelay $0x1  }
.LBB2_14:
0x25f: {  	s0 =	sshrl.u32 s24, s2  }
0x260: {  	s1 =	sshll.u32 s0, $0x1  }
0x261: {  	p1 =	sge.u32 s6, s1  }
.Ltmp10:
0x262: {  	_ = 	snop;
	(pc) =	sbr.rel @p1 .LBB2_26-.Ltmp10, $1  }
0x263: {  	_ =	sdelay $0x3  }
0x264: {  	s0 =	sadd.s32 $0xFFFFFFFF, s0  }
0x265: {  	s8 =	sand.u32 s6, s0  }
0x266: {  	s1 =	rddreg [dreg:$0xa];
	s0 =	sshll.u32 s8, $0xB  }
0x267: {  	s16 =	sshll.u32 s8, $0x8;
	s0 =	sadd.s32 s1, s0  }
0x268: {  	s1 =	sand.u32 $0x300, s16;
	s0 =	sand.u32 $0x6000, s0  }
0x269: {  	s0 =	sor.u32 s1, s0  }
0x26a: {  	s1 =	sadd.s32 s0, s3  }
0x26b: {  	[tilespmem:s13], [sflag:$0x5] =	stream.strided.gather [spmem:s1], $0x400, s23, s22, $0x38;
	[tilespmem:$0x9A80] =	vst v63  }
0x26c: {  	_ =	swait.ge [sflag:s20], $0x400  }
0x26d: {  	[sflag:s20] =	ssyncset.done $0x0  }
0x26e: {  	s17 =	sadd.s32 s0, s5;
	[sflag:s20] =	ssyncadd.s32 $0xFFFFFC00  }
0x26f: {  	[tilespmem:s23], [sflag:$0x5] =	stream.strided.gather [spmem:s17], $0x400, s23, s22, $0x38;
	[tilespmem:$0x9A80] =	vst v63  }
0x270: {  	_ =	swait.ge [sflag:s20], $0x400  }
0x271: {  	s0 =	sor.u32 $0x80, s0;
	[sflag:s20] =	ssyncset.done $0x0  }
0x272: {  	s18 =	sadd.s32 s0, s3;
	[sflag:s20] =	ssyncadd.s32 $0xFFFFFC00  }
0x273: {  	[tilespmem:s25], [sflag:$0x5] =	stream.strided.gather [spmem:s18], $0x400, s23, s22, $0x38;
	[tilespmem:$0x9A80] =	vst v63  }
0x274: {  	_ =	swait.ge [sflag:s20], $0x400  }
0x275: {  	[sflag:s20] =	ssyncset.done $0x0  }
0x276: {  	v6 =	vmul.u32 $0xFFFFFFFF, v1;
	s19 =	simm.s32 $0x3EF;
	s0 =	sadd.s32 s0, s5;
	[sflag:s20] =	ssyncadd.s32 $0xFFFFFC00  }
0x277: {  	[tilespmem:s26], [sflag:$0x5] =	stream.strided.gather [spmem:s0], $0x400, s23, s22, $0x38;
	[tilespmem:$0x9A80] =	vst v63  }
0x278: {  	v7 =	vadd.s32 s19, v6;
	_ =	swait.ge [sflag:s20], $0x400  }
0x279: {  	[sflag:s20] =	ssyncset.done $0x0  }
0x27a: {  	s29 =	simm.s32 $0x3FF;
	[sflag:s20] =	ssyncadd.s32 $0xFFFFFC00  }
0x27b: {  	s14 =	simm.s32 $0x10;
	v8 =	vadd.s32 s29, v6;
	[bflag:$0x0] =	sbarrier.arrive $0xFFFF  }
0x27c: {  	v13 =	vld [tilespmem:s14+$0x0]  }
0x27d: {  	v17 =	vld.idx.msk [tilespmem:v7+s25+$0x0], $0xffff  }
0x27e: {  	s16 =	simm.s32 $0x410;
	v14 =	vld.idx.msk [tilespmem:v7+s26+$0x0], $0xffff  }
0x27f: {  	s17 =	simm.s32 $0x3CF;
	v16 =	vld [tilespmem:s16+$0x0]  }
0x280: {  	v18 =	vadd.s32 s17, v6;
	v10 =	vld.idx.msk [tilespmem:v8+s25+$0x0], $0xffff  }
0x281: {  	v9 =	vld.idx.msk [tilespmem:v8+s26+$0x0], $0xffff  }
0x282: {  	s31 =	simm.s32 $0x3DF;
	v12 =	vld [tilespmem:s16+$0xFFFFFFF0]  }
0x283: {  	v15 =	vadd.s32 s31, v6;
	s0 =	simm.s32 $0x30;
	v8 =	vld [tilespmem:s14+$0xFFFFFFF0]  }
0x284: {  	s30 =	ssub.s32 $0x2, s2;
	s15 =	simm.s32 $0x410;
	v7 =	vld [tilespmem:s0+$0x0];
	vm1 =	veq.s32 v13, v17;
	vm2 =	vlt.s32 v16, v14  }
0x285: {  	s10 =	sshrl.u32 s6, s30;
	s19 =	simm.s32 $0x30;
	s18 =	simm.s32 $0x2;
	v11 =	vld.idx.msk [tilespmem:v18+s25+$0x0], $0xffff;
	vm0 =	vgt.s32 v13, v17;
	vm1 =	vmand vm1, vm2  }
.LBB2_16:
0x286: {  	v19 =	vld.idx.msk [tilespmem:v18+s26+$0x0], $0xffff;
	vm0 =	vmor vm0, vm1;
	s16 =	sadd.s32 $0x20, s16;
	v20 =	vmov v10  }
0x287: {  	s17 =	sadd.s32 $0xFFFFFFE0, s17;
	s18 =	sadd.s32 $0x2, s18;
	v21 =	vld [tilespmem:s16+$0x0];
	vm1 =	vlt.s32 v12, v9;
	v13 =	vsel vm0, v13, v17;
	v17 =	vmovc v9;
	v22 =	vmov v12  }
0x288: {  	s1 =	sadd.s32 $0x10, s17;
	v18 =	vadd.s32 s17, v6;
	v12 =	vsel vm0, v16, v14;
	p1 =	slt.u32 s18, $0x3E;
	v10 =	vld.idx.msk [tilespmem:v15+s25+$0x0], $0xffff;
	vm2 =	veq.s32 v8, v20;
	[tilespmem:s14+$0x0] =	vst v13  }
.Ltmp11:
0x289: {  	s12 =	simm.s32 $0x210;
	s4 =	simm.s32 $0x610;
	vm0 =	vgt.s32 v8, v20;
	v9 =	vld.idx.msk [tilespmem:v15+s26+$0x0], $0xffff;
	v15 =	vadd.s32 s1, v6;
	vm1 =	vmand vm2, vm1;
	[tilespmem:s15+$0x0] =	vst v12;
	(pc) =	sbr.rel @p1 .LBB2_16-.Ltmp11, $4  }
0x28a: {  	v12 =	vld [tilespmem:s16+$0xFFFFFFF0];
	vm0 =	vmor vm0, vm1;
	v13 =	vmov v7  }
0x28b: {  	s19 =	sadd.s32 $0x20, s19;
	v23 =	vsel vm0, v8, v20;
	v8 =	vld [tilespmem:s0+$0xFFFFFFF0];
	v20 =	vsel vm0, v22, v17;
	v17 =	vmov v11  }
0x28c: {  	v14 =	vmovc v19;
	v7 =	vld [tilespmem:s19+$0x0];
	vm1 =	veq.s32 v13, v17;
	vm2 =	vlt.s32 v21, v19;
	[tilespmem:s14+$0xFFFFFFF0] =	vst v23;
	v16 =	vmov v21;
	s14 =	smov.u32 s0;
	s0 =	smov.u32 s19  }
0x28d: {  	vm0 =	vgt.s32 v13, v17;
	v11 =	vld.idx.msk [tilespmem:v18+s25+$0x0], $0xffff;
	vm1 =	vmand vm1, vm2;
	[tilespmem:s15+$0xFFFFFFF0] =	vst v20;
	s15 =	smov.u32 s16  }
0x28e: {  	_ =	sdelay $0x3  }
0x28f: {  	v6 =	vld.idx.msk [tilespmem:v18+s26+$0x0], $0xffff  }
0x290: {  	v19 =	vld.idx.msk [tilespmem:v15+s25+$0x0], $0xffff  }
0x291: {  	s1 =	sadd.s32 $0x20, s16;
	v15 =	vld.idx.msk [tilespmem:v15+s26+$0x0], $0xffff  }
0x292: {  	v18 =	vld [tilespmem:s1+$0x0]  }
0x293: {  	v21 =	vld [tilespmem:s0+$0xFFFFFFF0]  }
0x294: {  	v20 =	vld [tilespmem:s1+$0xFFFFFFF0];
	vm2 =	vlt.s32 v12, v9;
	vm3 =	veq.s32 v8, v10  }
0x295: {  	vm0 =	vmor vm0, vm1;
	vm1 =	vmand vm3, vm2;
	vm2 =	vgt.s32 v8, v10  }
0x296: {  	v13 =	vsel vm0, v13, v17;
	v14 =	vsel vm0, v16, v14;
	vm0 =	vmor vm2, vm1  }
0x297: {  	[tilespmem:s14+$0x0] =	vst v13;
	vm1 =	veq.s32 v7, v11;
	v8 =	vsel vm0, v8, v10;
	vm2 =	vlt.s32 v18, v6  }
0x298: {  	[tilespmem:s15+$0x0] =	vst v14;
	v9 =	vsel vm0, v12, v9;
	vm0 =	vgt.s32 v7, v11;
	vm1 =	vmand vm1, vm2  }
0x299: {  	[tilespmem:s14+$0xFFFFFFF0] =	vst v8;
	vm2 =	veq.s32 v21, v19;
	vm0 =	vmor vm0, vm1;
	vm1 =	vlt.s32 v20, v15  }
0x29a: {  	vm3 =	vgt.s32 v21, v19;
	[tilespmem:s15+$0xFFFFFFF0] =	vst v9;
	v7 =	vsel vm0, v7, v11;
	vm1 =	vmand vm2, vm1  }
0x29b: {  	v6 =	vsel vm0, v18, v6;
	[tilespmem:s0+$0x0] =	vst v7;
	vm0 =	vmor vm3, vm1  }
0x29c: {  	[tilespmem:s1+$0x0] =	vst v6;
	v6 =	vsel vm0, v21, v19  }
0x29d: {  	v7 =	vsel vm0, v20, v15;
	[tilespmem:s0+$0xFFFFFFF0] =	vst v6  }
0x29e: {  	[tilespmem:s1+$0xFFFFFFF0] =	vst v7  }
0x29f: {  	v12 =	vld [tilespmem:s12+$0xFFFFFE00]  }
0x2a0: {  	v16 =	vld [tilespmem:s4+$0xFFFFFE00]  }
0x2a1: {  	v14 =	vld [tilespmem:s12+$0x0]  }
0x2a2: {  	v17 =	vld [tilespmem:s4+$0x0]  }
0x2a3: {  	v9 =	vld [tilespmem:s4+$0xFFFFFDF0]  }
0x2a4: {  	v19 =	vld [tilespmem:s12+$0xFFFFFFF0]  }
0x2a5: {  	v15 =	vld [tilespmem:s4+$0xFFFFFFF0]  }
0x2a6: {  	s14 =	simm.s32 $0x230;
	v20 =	vld [tilespmem:s12+$0xFFFFFDF0]  }
0x2a7: {  	s15 =	simm.s32 $0x630;
	v6 =	vld [tilespmem:s14+$0xFFFFFE00];
	vm0 =	veq.s32 v12, v14;
	vm1 =	vlt.s32 v16, v17  }
0x2a8: {  	v7 =	vld [tilespmem:s15+$0xFFFFFE00];
	vm2 =	vgt.s32 v12, v14;
	vm0 =	vmand vm0, vm1  }
0x2a9: {  	v8 =	vld [tilespmem:s14+$0x0];
	vm1 =	vmor vm2, vm0  }
0x2aa: {  	v10 =	vld [tilespmem:s15+$0x0];
	v13 =	vsel vm1, v12, v14  }
0x2ab: {  	v11 =	vld [tilespmem:s15+$0xFFFFFDF0];
	vm0 =	vlt.s32 v9, v15;
	vm2 =	veq.s32 v20, v19;
	v18 =	vsel vm1, v16, v17;
	[tilespmem:s12+$0xFFFFFE00] =	vst v13  }
0x2ac: {  	vm3 =	vgt.s32 v20, v19;
	vm0 =	vmand vm2, vm0;
	v12 =	vsel vm1, v14, v12;
	v13 =	vld [tilespmem:s14+$0xFFFFFFF0];
	[tilespmem:s4+$0xFFFFFE00] =	vst v18  }
0x2ad: {  	v14 =	vld [tilespmem:s15+$0xFFFFFFF0];
	v63 =	vsel vm1, v17, v16;
	vm0 =	vmor vm3, vm0;
	[tilespmem:s12+$0x0] =	vst v12  }
0x2ae: {  	s16 =	simm.s32 $0x2;
	s17 =	simm.s32 $0x250;
	s0 =	simm.s32 $0x630;
	v18 =	vsel vm0, v20, v19;
	v17 =	vsel vm0, v9, v15;
	v16 =	vsel vm0, v19, v20;
	v12 =	vld [tilespmem:s14+$0xFFFFFDF0];
	[tilespmem:s4+$0x0] =	vst v63  }
.LBB2_18:
0x2af: {  	v19 =	vld [tilespmem:s17+$0xFFFFFE00];
	vm1 =	veq.s32 v6, v8;
	vm2 =	vlt.s32 v7, v10;
	s15 =	sadd.s32 $0x20, s15;
	[tilespmem:s12+$0xFFFFFDF0] =	vst v18;
	v15 =	vsel vm0, v15, v9  }
0x2b0: {  	vm0 =	vgt.s32 v6, v8;
	v20 =	vmovc v10;
	s16 =	sadd.s32 $0x2, s16;
	v18 =	vld [tilespmem:s15+$0xFFFFFE00];
	vm1 =	vmand vm1, vm2;
	[tilespmem:s4+$0xFFFFFDF0] =	vst v17;
	v17 =	vmovc v8;
	v9 =	vmov v11  }
0x2b1: {  	p1 =	slt.u32 s16, $0x1E;
	v8 =	vld [tilespmem:s17+$0x0];
	vm1 =	vmor vm0, vm1;
	[tilespmem:s12+$0xFFFFFFF0] =	vst v16;
	v16 =	vmov v13;
	s12 =	smov.u32 s14;
	s14 =	smov.u32 s17  }
.Ltmp12:
0x2b2: {  	v10 =	vld [tilespmem:s15+$0x0];
	vm0 =	vlt.s32 v9, v14;
	v13 =	vsel vm1, v6, v17;
	[tilespmem:s4+$0xFFFFFFF0] =	vst v15;
	v15 =	vmov v14;
	s4 =	smov.u32 s0;
	s0 =	smov.u32 s15;
	(pc) =	sbr.rel @p1 .LBB2_18-.Ltmp12, $4  }
0x2b3: {  	v14 =	vsel vm1, v7, v20;
	v11 =	vld [tilespmem:s15+$0xFFFFFDF0];
	vm2 =	vgt.s32 v12, v16;
	vm3 =	veq.s32 v12, v16;
	[tilespmem:s12+$0xFFFFFE00] =	vst v13  }
0x2b4: {  	v17 =	vsel vm1, v17, v6;
	v13 =	vld [tilespmem:s17+$0xFFFFFFF0];
	vm0 =	vmand vm3, vm0;
	[tilespmem:s4+$0xFFFFFE00] =	vst v14;
	v6 =	vmov v19  }
0x2b5: {  	v19 =	vsel vm1, v20, v7;
	v14 =	vld [tilespmem:s15+$0xFFFFFFF0];
	vm0 =	vmor vm2, vm0;
	[tilespmem:s12+$0x0] =	vst v17;
	v7 =	vmov v18  }
0x2b6: {  	s17 =	sadd.s32 $0x20, s17;
	v18 =	vsel vm0, v12, v16;
	v17 =	vsel vm0, v9, v15;
	v16 =	vsel vm0, v16, v12;
	v12 =	vld [tilespmem:s14+$0xFFFFFDF0];
	[tilespmem:s4+$0x0] =	vst v19  }
0x2b7: {  	vm1 =	veq.s32 v6, v8;
	vm2 =	vlt.s32 v7, v10;
	[tilespmem:s12+$0xFFFFFDF0] =	vst v18  }
0x2b8: {  	vm3 =	vgt.s32 v6, v8;
	vm1 =	vmand vm1, vm2;
	[tilespmem:s4+$0xFFFFFDF0] =	vst v17  }
0x2b9: {  	v9 =	vsel vm0, v15, v9;
	vm0 =	vmor vm3, vm1;
	[tilespmem:s12+$0xFFFFFFF0] =	vst v16  }
0x2ba: {  	v62 =	vsel vm0, v6, v8;
	[tilespmem:s4+$0xFFFFFFF0] =	vst v9  }
0x2bb: {  	vm1 =	vlt.s32 v11, v14;
	v63 =	vsel vm0, v7, v10;
	vm2 =	veq.s32 v12, v13;
	[tilespmem:s14+$0xFFFFFE00] =	vst v62  }
0x2bc: {  	v6 =	vsel vm0, v8, v6;
	vm3 =	vgt.s32 v12, v13;
	vm1 =	vmand vm2, vm1;
	[tilespmem:s0+$0xFFFFFE00] =	vst v63  }
0x2bd: {  	vm1 =	vmor vm3, vm1;
	[tilespmem:s14+$0x0] =	vst v6;
	v6 =	vsel vm0, v10, v7  }
0x2be: {  	v7 =	vsel vm1, v12, v13;
	[tilespmem:s0+$0x0] =	vst v6  }
0x2bf: {  	v6 =	vsel vm1, v11, v14;
	[tilespmem:s14+$0xFFFFFDF0] =	vst v7  }
0x2c0: {  	v7 =	vsel vm1, v13, v12;
	[tilespmem:s0+$0xFFFFFDF0] =	vst v6  }
0x2c1: {  	v6 =	vsel vm1, v14, v11;
	[tilespmem:s14+$0xFFFFFFF0] =	vst v7  }
0x2c2: {  	s4 =	simm.s32 $0x0;
	s14 =	sshll.u32 s10, $0x9;
	[tilespmem:s0+$0xFFFFFFF0] =	vst v6  }
.LBB2_20:
0x2c3: {  	s0 =	sshrl.u32 s28, s4  }
0x2c4: {  	s1 =	simm.s32 $0x0;
	s16 =	ssub.s32 $0x0, s0  }
0x2c5: {  	s31 =	sadd.s32 $0xFFFFFFFF, s0;
	v6 =	vmov s0;
	s15 =	sand.u32 s16, s1  }
0x2c6: {  	s1 =	sand.u32 s31, s1;
	s0 =	sshll.u32 s15, $0x1  }
0x2c7: {  	s0 =	sor.u32 s0, s1  }
0x2c8: {  	s17 =	simm.s32 $0x10;
	s30 =	sor.u32 s14, s0  }
0x2c9: {  	s18 =	sand.u32 s16, s17;
	v9 =	vld [tilespmem:s30+$0x0]  }
0x2ca: {  	s1 =	sand.u32 s31, s17;
	s0 =	sshll.u32 s18, $0x1;
	v14 =	vld.idx.msk [tilespmem:v6+s30+$0x0 ss:$0x1], $0xffff  }
0x2cb: {  	s0 =	sor.u32 s0, s1;
	v15 =	vld.idx.msk [tilespmem:v6+s30+$0x400 ss:$0x1], $0xffff  }
0x2cc: {  	s7 =	simm.s32 $0x20;
	v19 =	vld [tilespmem:s30+$0x400];
	s15 =	sor.u32 s14, s0  }
0x2cd: {  	s17 =	sand.u32 s16, s7;
	v8 =	vld.idx.msk [tilespmem:v6+s15+$0x0 ss:$0x1], $0xffff  }
0x2ce: {  	s7 =	sand.u32 s31, s7;
	s17 =	sshll.u32 s17, $0x1;
	s0 =	sand.u32 $0x7FFFFFF0, s15;
	v18 =	vld.idx.msk [tilespmem:v6+s15+$0x400 ss:$0x1], $0xffff  }
0x2cf: {  	s19 =	simm.s32 $0x30;
	s7 =	sor.u32 s17, s7;
	v16 =	vld [tilespmem:s0+$0x0]  }
0x2d0: {  	s12 =	sand.u32 s16, s19;
	s17 =	sor.u32 s14, s7;
	v17 =	vld [tilespmem:s0+$0x400]  }
0x2d1: {  	s12 =	sshll.u32 s12, $0x1;
	s1 =	sand.u32 s31, s19;
	v13 =	vld [tilespmem:s17+$0x0];
	vm0 =	veq.s32 v9, v14;
	vm1 =	vlt.s32 v19, v15  }
0x2d2: {  	s1 =	sor.u32 s12, s1;
	v11 =	vld.idx.msk [tilespmem:v6+s17+$0x0 ss:$0x1], $0xffff;
	vm2 =	vgt.s32 v9, v14;
	vm0 =	vmand vm0, vm1  }
0x2d3: {  	s12 =	sor.u32 s14, s1;
	v12 =	vld.idx.msk [tilespmem:v6+s17+$0x400 ss:$0x1], $0xffff;
	vm0 =	vmor vm2, vm0  }
0x2d4: {  	v7 =	vld.idx.msk [tilespmem:v6+s12+$0x0 ss:$0x1], $0xffff;
	vm1 =	veq.s32 v16, v8;
	v20 =	vsel vm0, v9, v14  }
0x2d5: {  	s29 =	simm.s32 $0x2;
	s19 =	simm.s32 $0x50;
	v10 =	vld [tilespmem:s17+$0x400];
	s18 =	sand.u32 $0x7FFFFFF0, s12;
	vm2 =	vgt.s32 v16, v8;
	vm7 =	vlt.s32 v17, v18;
	[tilespmem:s30+$0x0] =	vst v20;
	v20 =	vsel vm0, v19, v15  }
.LBB2_21:
0x2d6: {  	s1 =	sadd.s32 $0xFFFFFFF0, s19  }
0x2d7: {  	s7 =	sand.u32 s16, s19;
	s9 =	sand.u32 s31, s19;
	v21 =	vld [tilespmem:s18+$0x0];
	[tilespmem:s30+$0x400] =	vst v20;
	v22 =	vsel vm0, v14, v9;
	vm1 =	vmand vm1, vm7;
	s29 =	sadd.s32 $0x2, s29  }
0x2d8: {  	v19 =	vsel vm0, v15, v19;
	s13 =	sand.u32 s16, s1;
	s7 =	sshll.u32 s7, $0x1;
	v20 =	vld [tilespmem:s18+$0x400];
	[tilespmem:v6+s30+$0x0 ss:$0x1] =	vst.idx.msk $0xffff, v22;
	vm0 =	vmor vm2, vm1;
	v9 =	vmov v13;
	s1 =	sand.u32 s31, s1  }
0x2d9: {  	p1 =	slt.u32 s29, $0xE;
	s13 =	sshll.u32 s13, $0x1;
	s7 =	sor.u32 s7, s9;
	v22 =	vld.idx.msk [tilespmem:v6+s12+$0x400 ss:$0x1], $0xffff;
	[tilespmem:v6+s30+$0x400 ss:$0x1] =	vst.idx.msk $0xffff, v19;
	v13 =	vsel vm0, v16, v8;
	v19 =	vsel vm0, v17, v18  }
0x2da: {  	v16 =	vsel vm0, v8, v16;
	v17 =	vsel vm0, v18, v17;
	v8 =	vmovc v7;
	v14 =	vmov v11;
	s30 =	smov.u32 s17;
	s1 =	sor.u32 s13, s1;
	s7 =	sor.u32 s14, s7;
	[tilespmem:s0+$0x0] =	vst v13  }
.Ltmp13:
0x2db: {  	vm0 =	veq.s32 v9, v14;
	v15 =	vmov v12;
	s17 =	sor.u32 s14, s1;
	s1 =	sand.u32 $0x7FFFFFF0, s7;
	v7 =	vld.idx.msk [tilespmem:v6+s7+$0x0 ss:$0x1], $0xffff;
	vm1 =	vlt.s32 v10, v12;
	[tilespmem:s0+$0x400] =	vst v19;
	(pc) =	sbr.rel @p1 .LBB2_21-.Ltmp13, $4  }
0x2dc: {  	vm2 =	vgt.s32 v9, v14;
	s0 =	smov.u32 s18;
	v13 =	vld [tilespmem:s17+$0x0];
	vm0 =	vmand vm0, vm1;
	vm1 =	veq.s32 v21, v8;
	[tilespmem:v6+s15+$0x0 ss:$0x1] =	vst.idx.msk $0xffff, v16;
	s18 =	smov.u32 s1  }
0x2dd: {  	v16 =	vmov v21;
	v11 =	vld.idx.msk [tilespmem:v6+s17+$0x0 ss:$0x1], $0xffff;
	vm0 =	vmor vm2, vm0;
	vm2 =	vgt.s32 v21, v8;
	[tilespmem:v6+s15+$0x400 ss:$0x1] =	vst.idx.msk $0xffff, v17;
	s15 =	smov.u32 s12;
	s12 =	smov.u32 s7  }
0x2de: {  	v19 =	vmov v10;
	v17 =	vmov v20;
	v12 =	vld.idx.msk [tilespmem:v6+s17+$0x400 ss:$0x1], $0xffff;
	v21 =	vsel vm0, v9, v14  }
0x2df: {  	s19 =	sadd.s32 $0x20, s19;
	v20 =	vsel vm0, v19, v15;
	vm7 =	vlt.s32 v17, v22;
	v18 =	vmov v22;
	v10 =	vld [tilespmem:s17+$0x400];
	[tilespmem:s30+$0x0] =	vst v21  }
0x2e0: {  	_ =	sdelay $0x2  }
0x2e1: {  	v21 =	vld [tilespmem:s18+$0x0];
	[tilespmem:s30+$0x400] =	vst v20;
	v9 =	vsel vm0, v14, v9;
	vm1 =	vmand vm1, vm7  }
0x2e2: {  	v50 =	vld [tilespmem:s18+$0x400];
	v51 =	vsel vm0, v15, v19;
	[tilespmem:v6+s30+$0x0 ss:$0x1] =	vst.idx.msk $0xffff, v9;
	vm0 =	vmor vm2, vm1  }
0x2e3: {  	v52 =	vld.idx.msk [tilespmem:v6+s12+$0x400 ss:$0x1], $0xffff;
	[tilespmem:v6+s30+$0x400 ss:$0x1] =	vst.idx.msk $0xffff, v51;
	v53 =	vsel vm0, v16, v8  }
0x2e4: {  	v54 =	vsel vm0, v17, v18;
	vm1 =	veq.s32 v13, v11;
	[tilespmem:s0+$0x0] =	vst v53;
	vm2 =	vlt.s32 v10, v12  }
0x2e5: {  	v55 =	vsel vm0, v8, v16;
	vm3 =	vgt.s32 v13, v11;
	[tilespmem:s0+$0x400] =	vst v54;
	vm1 =	vmand vm1, vm2  }
0x2e6: {  	v56 =	vsel vm0, v18, v17;
	[tilespmem:v6+s15+$0x0 ss:$0x1] =	vst.idx.msk $0xffff, v55;
	vm0 =	vmor vm3, vm1  }
0x2e7: {  	[tilespmem:v6+s15+$0x400 ss:$0x1] =	vst.idx.msk $0xffff, v56;
	v57 =	vsel vm0, v13, v11  }
0x2e8: {  	vm2 =	vlt.s32 v50, v52;
	vm1 =	veq.s32 v21, v7;
	v58 =	vsel vm0, v10, v12;
	[tilespmem:s17+$0x0] =	vst v57  }
0x2e9: {  	s4 =	sadd.s32 $0x1, s4;
	vm3 =	vgt.s32 v21, v7;
	v59 =	vsel vm0, v11, v13;
	vm1 =	vmand vm1, vm2;
	[tilespmem:s17+$0x400] =	vst v58  }
0x2ea: {  	p1 =	sne.s32 s4, $0x5;
	v60 =	vsel vm0, v12, v10;
	vm0 =	vmor vm3, vm1;
	[tilespmem:v6+s17+$0x0 ss:$0x1] =	vst.idx.msk $0xffff, v59  }
.Ltmp14:
0x2eb: {  	v61 =	vsel vm0, v21, v7;
	[tilespmem:v6+s17+$0x400 ss:$0x1] =	vst.idx.msk $0xffff, v60;
	(pc) =	sbr.rel @p1 .LBB2_20-.Ltmp14, $4  }
0x2ec: {  	v62 =	vsel vm0, v50, v52;
	[tilespmem:s18+$0x0] =	vst v61  }
0x2ed: {  	v7 =	vsel vm0, v7, v21;
	[tilespmem:s18+$0x400] =	vst v62  }
0x2ee: {  	v63 =	vsel vm0, v52, v50;
	[tilespmem:v6+s12+$0x0 ss:$0x1] =	vst.idx.msk $0xffff, v7  }
0x2ef: {  	[tilespmem:v6+s12+$0x400 ss:$0x1] =	vst.idx.msk $0xffff, v63  }
0x2f0: {  	s4 =	sor.u32 $0x20, s14;
	v22 =	vld [tilespmem:$0x1FFA0]  }
0x2f1: {  	s12 =	sadd.s32 $0x420, s14;
	v6 =	vld [tilespmem:s4+$0x10]  }
0x2f2: {  	v7 =	vld [tilespmem:s12+$0x10]  }
0x2f3: {  	v8 =	vld [tilespmem:s12+$0xFFFFFFE0]  }
0x2f4: {  	v9 =	vld [tilespmem:s4+$0xFFFFFFF0]  }
0x2f5: {  	v10 =	vld [tilespmem:s12+$0xFFFFFFF0]  }
0x2f6: {  	v14 =	vld [tilespmem:s4+$0xFFFFFFE0]  }
0x2f7: {  	v11 =	vld [tilespmem:s4+$0x0]  }
0x2f8: {  	v15 =	vld [tilespmem:s12+$0x0];
	v12 =	vperm.xlane v6, v5;
	v13 =	vperm.xlane v7, v5  }
0x2f9: {  	vm6 =	vmmov vm4;
	vm15 =	vnez.u8 v22;
	v16 =	vperm.xlane v8, v5  }
0x2fa: {  	v17 =	vperm.xlane v9, v5;
	vm0 =	veq.s32 v6, v12;
	vm1 =	vlt.s32 v7, v13  }
0x2fb: {  	v20 =	vperm.xlane v14, v5;
	vm2 =	vgt.s32 v6, v12;
	vm0 =	vmand vm0, vm1  }
0x2fc: {  	v18 =	vperm.xlane v10, v5;
	v19 =	vperm.xlane v11, v5;
	vm0 =	vmor vm2, vm0  }
0x2fd: {  	v21 =	vperm.xlane v15, v5;
	vm3 =	veq.s32 v14, v20;
	vm0 =	vmxor vm0, vm4  }
0x2fe: {  	vm1 =	vlt.s32 v8, v16;
	v6 =	vsel vm0, v6, v12;
	v7 =	vsel vm0, v7, v13  }
0x2ff: {  	vm2 =	vlt.s32 v10, v18;
	v12 =	vperm.xlane v6, v4;
	v13 =	vperm.xlane v7, v4  }
0x300: {  	vm1 =	vmand vm3, vm1;
	vm4 =	veq.s32 v11, v19;
	vm0 =	veq.s32 v9, v17  }
0x301: {  	vm0 =	vmand vm0, vm2;
	vm5 =	veq.s32 v6, v12;
	vm7 =	vlt.s32 v7, v13  }
0x302: {  	vm3 =	vgt.s32 v6, v12;
	vm5 =	vmand vm5, vm7;
	vm7 =	vlt.s32 v15, v21  }
0x303: {  	vm2 =	vmor vm3, vm5;
	vm3 =	vgt.s32 v14, v20;
	vm4 =	vmand vm4, vm7  }
0x304: {  	vm5 =	vgt.s32 v9, v17;
	vm2 =	vmxor vm2, vm15;
	vm1 =	vmor vm3, vm1  }
0x305: {  	vm0 =	vmor vm5, vm0;
	v6 =	vsel vm2, v6, v12;
	v7 =	vsel vm2, v7, v13  }
0x306: {  	vm2 =	vgt.s32 v11, v19;
	vm1 =	vmxor vm1, vm6;
	vm0 =	vmxor vm0, vm6  }
0x307: {  	v12 =	vperm.xlane v6, v3;
	v13 =	vperm.xlane v7, v3;
	vm2 =	vmor vm2, vm4  }
0x308: {  	v14 =	vsel vm1, v14, v20;
	v8 =	vsel vm1, v8, v16;
	v9 =	vsel vm0, v9, v17  }
0x309: {  	v10 =	vsel vm0, v10, v18;
	vm3 =	veq.s32 v6, v12;
	vm5 =	vlt.s32 v7, v13  }
0x30a: {  	v62 =	vld [tilespmem:$0x1FFC0];
	vm2 =	vmxor vm2, vm6;
	vm4 =	vgt.s32 v6, v12;
	vm3 =	vmand vm3, vm5  }
0x30b: {  	v16 =	vperm.xlane v14, v4;
	v17 =	vperm.xlane v8, v4;
	vm3 =	vmor vm4, vm3  }
0x30c: {  	v18 =	vperm.xlane v9, v4;
	v11 =	vsel vm2, v11, v19;
	vm1 =	vmxor vm3, vm9  }
0x30d: {  	v19 =	vperm.xlane v10, v4;
	v6 =	vsel vm1, v6, v12;
	v7 =	vsel vm1, v7, v13  }
0x30e: {  	v15 =	vsel vm2, v15, v21;
	v12 =	vperm.xlane v6, v2;
	v13 =	vperm.xlane v7, v2  }
0x30f: {  	vm11 =	vnez.u8 v62;
	v61 =	vperm.xlane v11, v4;
	v21 =	vperm.xlane v15, v4  }
0x310: {  	vm4 =	vlt.s32 v10, v19;
	vm0 =	veq.s32 v6, v12;
	vm1 =	vlt.s32 v7, v13  }
0x311: {  	vm3 =	veq.s32 v9, v18;
	vm2 =	vgt.s32 v6, v12;
	vm0 =	vmand vm0, vm1  }
0x312: {  	vm5 =	veq.s32 v11, v61;
	vm7 =	vlt.s32 v15, v21;
	vm0 =	vmor vm2, vm0  }
0x313: {  	vm1 =	veq.s32 v14, v16;
	vm2 =	vlt.s32 v8, v17;
	vm0 =	vmxor vm0, vm11  }
0x314: {  	v6 =	vsel vm0, v6, v12;
	v63 =	vsel vm0, v7, v13;
	vm0 =	vmand vm1, vm2  }
0x315: {  	vm1 =	vmand vm3, vm4;
	vm2 =	vmand vm5, vm7;
	vm3 =	vgt.s32 v14, v16  }
0x316: {  	vm4 =	vgt.s32 v9, v18;
	vm5 =	vgt.s32 v11, v61;
	vm0 =	vmor vm3, vm0  }
0x317: {  	vm1 =	vmor vm4, vm1;
	vm2 =	vmor vm5, vm2;
	vm0 =	vmxor vm0, vm15  }
0x318: {  	vm1 =	vmxor vm1, vm15;
	vm2 =	vmxor vm2, vm15;
	v7 =	vsel vm0, v14, v16  }
0x319: {  	v8 =	vsel vm0, v8, v17;
	v9 =	vsel vm1, v9, v18;
	v10 =	vsel vm1, v10, v19  }
0x31a: {  	v11 =	vsel vm2, v11, v61;
	v12 =	vperm.xlane v7, v3;
	v13 =	vperm.xlane v8, v3  }
0x31b: {  	v15 =	vsel vm2, v15, v21;
	v16 =	vperm.xlane v9, v3;
	v17 =	vperm.xlane v10, v3  }
0x31c: {  	v18 =	vperm.xlane v11, v3;
	v19 =	vperm.xlane v15, v3  }
0x31d: {  	vm0 =	veq.s32 v7, v12;
	vm1 =	vlt.s32 v8, v13;
	vm2 =	veq.s32 v9, v16  }
0x31e: {  	vm3 =	vlt.s32 v10, v17;
	vm4 =	vlt.s32 v15, v19;
	vm5 =	vgt.s32 v7, v12  }
0x31f: {  	vm0 =	vmand vm0, vm1;
	vm1 =	veq.s32 v11, v18;
	vm2 =	vmand vm2, vm3  }
0x320: {  	vm3 =	vgt.s32 v9, v16;
	vm1 =	vmand vm1, vm4;
	vm0 =	vmor vm5, vm0  }
0x321: {  	vm4 =	vgt.s32 v11, v18;
	vm2 =	vmor vm3, vm2;
	vm0 =	vmxor vm0, vm9  }
0x322: {  	vm1 =	vmor vm4, vm1;
	vm2 =	vmxor vm2, vm9;
	v14 =	vsel vm0, v7, v12  }
0x323: {  	vm1 =	vmxor vm1, vm9;
	v13 =	vsel vm0, v8, v13;
	v12 =	vsel vm2, v9, v16  }
0x324: {  	v9 =	vsel vm2, v10, v17;
	v16 =	vperm.xlane v14, v2;
	v7 =	vsel vm1, v11, v18  }
0x325: {  	[tilespmem:s4+$0x10] =	vst v6;
	v6 =	vsel vm1, v15, v19;
	v17 =	vperm.xlane v13, v2;
	v15 =	vperm.xlane v12, v2  }
0x326: {  	s31 =	simm.s32 $0x0;
	s16 =	sadd.s32 $0x40, s4;
	s15 =	smov.u32 s12;
	[tilespmem:s12+$0x10] =	vst v63;
	v11 =	vperm.xlane v9, v2;
	v10 =	vperm.xlane v7, v2;
	vm0 =	veq.s32 v14, v16  }
.LBB2_24:
0x327: {  	v18 =	vld [tilespmem:s16+$0x10]  }
0x328: {  	v8 =	vperm.xlane v6, v2;
	s12 =	sadd.s32 $0x40, s12;
	vm4 =	vgt.s32 v14, v16;
	v21 =	vld [tilespmem:s16+$0xFFFFFFF0];
	vm1 =	vlt.s32 v13, v17  }
0x329: {  	vm2 =	veq.s32 v12, v15;
	v19 =	vld [tilespmem:s12+$0x10];
	vm3 =	veq.s32 v7, v10;
	vm5 =	vgt.s32 v12, v15  }
0x32a: {  	v20 =	vld [tilespmem:s12+$0xFFFFFFE0];
	vm7 =	vgt.s32 v7, v10;
	vm0 =	vmand vm0, vm1;
	vm1 =	vlt.s32 v9, v11  }
0x32b: {  	v24 =	vld [tilespmem:s12+$0x0];
	vm1 =	vmand vm2, vm1;
	vm2 =	vlt.s32 v6, v8;
	vm0 =	vmor vm4, vm0  }
0x32c: {  	v22 =	vld [tilespmem:s12+$0xFFFFFFF0];
	vm2 =	vmand vm3, vm2;
	vm1 =	vmor vm5, vm1;
	vm3 =	vmxor vm0, vm11  }
0x32d: {  	v23 =	vld [tilespmem:s16+$0x0];
	vm2 =	vmor vm7, vm2;
	vm1 =	vmxor vm1, vm11;
	v25 =	vperm.xlane v18, v5  }
0x32e: {  	v14 =	vsel vm3, v14, v16;
	v13 =	vsel vm3, v13, v17;
	vm0 =	vmxor vm2, vm11  }
0x32f: {  	v26 =	vperm.xlane v19, v5;
	v27 =	vperm.xlane v20, v5;
	v12 =	vsel vm1, v12, v15  }
0x330: {  	v16 =	vld [tilespmem:s16+$0xFFFFFFE0];
	[tilespmem:s4+$0xFFFFFFE0] =	vst v14;
	v14 =	vperm.xlane v21, v5;
	v15 =	vperm.xlane v24, v5;
	v9 =	vsel vm1, v9, v11  }
0x331: {  	vm2 =	veq.s32 v18, v25;
	[tilespmem:s15+$0xFFFFFFE0] =	vst v13;
	v13 =	vperm.xlane v22, v5;
	vm3 =	vlt.s32 v19, v26  }
0x332: {  	vm4 =	vgt.s32 v18, v25;
	[tilespmem:s4+$0xFFFFFFF0] =	vst v12;
	v12 =	vperm.xlane v23, v5;
	vm2 =	vmand vm2, vm3  }
0x333: {  	v7 =	vsel vm0, v7, v10;
	vm8 =	vlt.s32 v24, v15;
	vm2 =	vmor vm4, vm2  }
0x334: {  	vm3 =	vlt.s32 v20, v27;
	vm7 =	veq.s32 v23, v12;
	vm2 =	vmxor vm2, vm6  }
0x335: {  	v17 =	vperm.xlane v16, v5;
	v18 =	vsel vm2, v18, v25;
	v19 =	vsel vm2, v19, v26  }
0x336: {  	v28 =	vld [tilespmem:$0x1FFB0];
	vm4 =	veq.s32 v21, v14;
	v25 =	vperm.xlane v18, v4;
	v26 =	vperm.xlane v19, v4  }
0x337: {  	vm7 =	vmand vm7, vm8;
	vm2 =	vlt.s32 v22, v13;
	vm5 =	veq.s32 v16, v17  }
0x338: {  	vm3 =	vmand vm5, vm3;
	vm5 =	veq.s32 v18, v25;
	vm9 =	vlt.s32 v19, v26  }
0x339: {  	vm2 =	vmand vm4, vm2;
	vm4 =	vgt.s32 v18, v25;
	vm5 =	vmand vm5, vm9  }
0x33a: {  	vm8 =	vgt.s32 v23, v12;
	vm9 =	vgt.s32 v16, v17;
	vm4 =	vmor vm4, vm5  }
0x33b: {  	vm5 =	vgt.s32 v21, v14;
	vm3 =	vmor vm9, vm3;
	vm9 =	vnez.u8 v28  }
0x33c: {  	vm4 =	vmxor vm4, vm15;
	vm2 =	vmor vm5, vm2;
	vm3 =	vmxor vm3, vm6  }
0x33d: {  	v18 =	vsel vm4, v18, v25;
	v19 =	vsel vm4, v19, v26;
	vm2 =	vmxor vm2, vm6  }
0x33e: {  	vm4 =	vmor vm8, vm7;
	v25 =	vperm.xlane v18, v3;
	v26 =	vperm.xlane v19, v3  }
0x33f: {  	v16 =	vsel vm3, v16, v17;
	v17 =	vsel vm3, v20, v27;
	vm4 =	vmxor vm4, vm6  }
0x340: {  	v14 =	vsel vm2, v21, v14;
	vm5 =	veq.s32 v18, v25;
	vm7 =	vlt.s32 v19, v26  }
0x341: {  	v13 =	vsel vm2, v22, v13;
	vm8 =	vgt.s32 v18, v25;
	vm5 =	vmand vm5, vm7  }
0x342: {  	v11 =	vperm.xlane v16, v4;
	v62 =	vperm.xlane v17, v4;
	vm3 =	vmor vm8, vm5  }
0x343: {  	[tilespmem:s15+$0xFFFFFFF0] =	vst v9;
	v12 =	vsel vm4, v23, v12;
	v9 =	vperm.xlane v14, v4;
	vm2 =	vmxor vm3, vm9  }
0x344: {  	[tilespmem:s4+$0x0] =	vst v7;
	v7 =	vperm.xlane v13, v4;
	v18 =	vsel vm2, v18, v25;
	v19 =	vsel vm2, v19, v26  }
0x345: {  	v15 =	vsel vm4, v24, v15;
	v60 =	vperm.xlane v18, v2;
	v61 =	vperm.xlane v19, v2  }
0x346: {  	v6 =	vsel vm0, v6, v8;
	v10 =	vperm.xlane v12, v4;
	v63 =	vperm.xlane v15, v4  }
0x347: {  	vm4 =	veq.s32 v14, v9;
	vm1 =	veq.s32 v18, v60;
	vm2 =	vlt.s32 v19, v61  }
0x348: {  	vm5 =	vlt.s32 v13, v7;
	vm3 =	vgt.s32 v18, v60;
	vm1 =	vmand vm1, vm2  }
0x349: {  	vm7 =	veq.s32 v12, v10;
	vm8 =	vlt.s32 v15, v63;
	vm1 =	vmor vm3, vm1  }
0x34a: {  	vm2 =	veq.s32 v16, v11;
	vm3 =	vlt.s32 v17, v62;
	vm1 =	vmxor vm1, vm11  }
0x34b: {  	v18 =	vsel vm1, v18, v60;
	v19 =	vsel vm1, v19, v61;
	vm1 =	vmand vm2, vm3  }
0x34c: {  	vm2 =	vmand vm4, vm5;
	vm3 =	vmand vm7, vm8;
	vm4 =	vgt.s32 v16, v11  }
0x34d: {  	vm5 =	vgt.s32 v14, v9;
	vm7 =	vgt.s32 v12, v10;
	vm1 =	vmor vm4, vm1  }
0x34e: {  	vm2 =	vmor vm5, vm2;
	vm3 =	vmor vm7, vm3;
	vm1 =	vmxor vm1, vm15  }
0x34f: {  	vm2 =	vmxor vm2, vm15;
	vm3 =	vmxor vm3, vm15;
	v11 =	vsel vm1, v16, v11  }
0x350: {  	v16 =	vsel vm1, v17, v62;
	v9 =	vsel vm2, v14, v9;
	v7 =	vsel vm2, v13, v7  }
0x351: {  	v10 =	vsel vm3, v12, v10;
	v12 =	vperm.xlane v11, v3;
	v13 =	vperm.xlane v16, v3  }
0x352: {  	[tilespmem:s15+$0x0] =	vst v6;
	v15 =	vsel vm3, v15, v63;
	v8 =	vperm.xlane v9, v3;
	v17 =	vperm.xlane v7, v3  }
0x353: {  	[tilespmem:s16+$0x10] =	vst v18;
	v6 =	vperm.xlane v10, v3;
	v18 =	vperm.xlane v15, v3  }
0x354: {  	vm0 =	veq.s32 v11, v12;
	vm1 =	vlt.s32 v16, v13;
	vm2 =	veq.s32 v9, v8  }
0x355: {  	vm3 =	vlt.s32 v7, v17;
	vm4 =	vlt.s32 v15, v18;
	vm5 =	vgt.s32 v11, v12  }
0x356: {  	vm0 =	vmand vm0, vm1;
	vm1 =	veq.s32 v10, v6;
	vm2 =	vmand vm2, vm3  }
0x357: {  	s31 =	sadd.s32 $0x4, s31;
	vm3 =	vgt.s32 v9, v8;
	vm1 =	vmand vm1, vm4;
	vm0 =	vmor vm5, vm0  }
0x358: {  	p1 =	slt.u32 s31, $0x1C;
	vm4 =	vgt.s32 v10, v6;
	vm2 =	vmor vm3, vm2;
	vm0 =	vmxor vm0, vm9  }
.Ltmp15:
0x359: {  	vm1 =	vmor vm4, vm1;
	vm2 =	vmxor vm2, vm9;
	v14 =	vsel vm0, v11, v12;
	(pc) =	sbr.rel @p1 .LBB2_24-.Ltmp15, $4  }
0x35a: {  	vm1 =	vmxor vm1, vm9;
	v13 =	vsel vm0, v16, v13;
	v12 =	vsel vm2, v9, v8  }
0x35b: {  	v9 =	vsel vm2, v7, v17;
	v16 =	vperm.xlane v14, v2;
	v7 =	vsel vm1, v10, v6  }
0x35c: {  	v6 =	vsel vm1, v15, v18;
	v17 =	vperm.xlane v13, v2;
	v15 =	vperm.xlane v12, v2  }
0x35d: {  	s4 =	smov.u32 s16;
	s15 =	smov.u32 s12;
	s16 =	sadd.s32 $0x40, s16;
	[tilespmem:s12+$0x10] =	vst v19;
	v11 =	vperm.xlane v9, v2;
	v10 =	vperm.xlane v7, v2;
	vm0 =	veq.s32 v14, v16  }
0x35e: {  	vm1 =	vlt.s32 v13, v17  }
0x35f: {  	vm3 =	vgt.s32 v14, v16;
	vm0 =	vmand vm0, vm1  }
0x360: {  	vm2 =	veq.s32 v12, v15;
	vm1 =	vlt.s32 v9, v11;
	vm0 =	vmor vm3, vm0  }
0x361: {  	vm1 =	vmand vm2, vm1;
	vm3 =	vgt.s32 v12, v15;
	vm0 =	vmxor vm0, vm11  }
0x362: {  	v8 =	vperm.xlane v6, v2;
	vm1 =	vmor vm3, vm1;
	v60 =	vsel vm0, v14, v16  }
0x363: {  	vm1 =	vmxor vm1, vm11;
	v61 =	vsel vm0, v13, v17;
	[tilespmem:s4+$0xFFFFFFE0] =	vst v60  }
0x364: {  	vm4 =	veq.s32 v7, v10;
	vm2 =	vlt.s32 v6, v8;
	v62 =	vsel vm1, v12, v15;
	[tilespmem:s15+$0xFFFFFFE0] =	vst v61  }
0x365: {  	vm5 =	vgt.s32 v7, v10;
	vm2 =	vmand vm4, vm2;
	v63 =	vsel vm1, v9, v11;
	[tilespmem:s4+$0xFFFFFFF0] =	vst v62  }
0x366: {  	vm0 =	vmor vm5, vm2;
	[tilespmem:s15+$0xFFFFFFF0] =	vst v63  }
0x367: {  	s0 =	sshll.u32 s10, $0xC;
	vm0 =	vmxor vm0, vm11;
	s1 =	rddreg [dreg:$0xd]  }
0x368: {  	s30 =	sshll.u32 s8, $0x7;
	v7 =	vsel vm0, v7, v10;
	s0 =	sadd.s32 s1, s0  }
0x369: {  	v6 =	vsel vm0, v6, v8;
	[tilespmem:s4+$0x0] =	vst v7;
	s0 =	sor.u32 s30, s0  }
0x36a: {  	[tilespmem:s15+$0x0] =	vst v6;
	s1 =	sadd.s32 s0, s3  }
0x36b: {  	[spmem:s1] =	stream.strided.scatter [tilespmem:s14], [sflag:$0x5], $0x200, s23, s22, $0x38;
	[tilespmem:$0x9A80] =	vst v63  }
0x36c: {  	_ =	swait.ge [sflag:s20], $0x200  }
0x36d: {  	[sflag:s20] =	ssyncset.done $0x0  }
0x36e: {  	s31 =	sadd.s32 $0x400, s14;
	s0 =	sadd.s32 s0, s5;
	[sflag:s20] =	ssyncadd.s32 $0xFFFFFE00  }
0x36f: {  	[spmem:s0] =	stream.strided.scatter [tilespmem:s31], [sflag:$0x5], $0x200, s23, s22, $0x38;
	[tilespmem:$0x9A80] =	vst v63  }
0x370: {  	_ =	swait.ge [sflag:s20], $0x200  }
0x371: {  	v6 =	vld [tilespmem:$0x1FF90];
	_ =	sdelay $0x4  }
0x372: {  	vm5 =	vnez.u8 v6;
	v6 =	vld [tilespmem:$0x1FFF0]  }
.Ltmp16:
0x373: {  	_ = 	snop;
	(pc) =	sbr.rel .LBB2_27-.Ltmp16, $3  }
0x374: {  	_ =	sdelay $0x1  }
0x375: {  	[sflag:s20] =	ssyncset.done $0x0  }
0x376: {  	s13 =	simm.s32 $0x0;
	vm4 =	vmmov vm6;
	[sflag:s20] =	ssyncadd.s32 $0xFFFFFE00;
	vm6 =	vnez.u8 v6  }
.LBB2_28:
.Ltmp17:
0x377: {  	(pc) =	sbr.rel @p0 .LBB2_32-.Ltmp17, $2  }
0x378: {  	_ =	sdelay $0x2  }
0x379: {  	s7 =	rddreg [dreg:$0x14]  }
0x37a: {  	s1 =	simm.s32 $0x0  }
0x37b: {  	s4 =	sand.u32 $0x180, s1  }
0x37c: {  	s2 =	simm.s32 $0x10;
	s1 =	sand.u32 $0x60, s1;
	s7 =	sadd.s32 s4, s11  }
0x37d: {  	s2 =	sand.u32 $0x70, s2;
	s1 =	sadd.s32 s1, s7  }
0x37e: {  	s7 =	sadd.s32 s2, s7;
	v6 =	vld [tilespmem:s1+$0x0]  }
0x37f: {  	s0 =	simm.s32 $0x9090;
	s9 =	simm.s32 $0x20;
	s8 =	simm.s32 $0x30;
	v7 =	vld [tilespmem:s7+$0x0]  }
0x380: {  	s31 =	sand.u32 $0x180, s9;
	s12 =	sand.u32 $0x60, s9;
	s14 =	sand.u32 $0x70, s8  }
0x381: {  	s4 =	simm.s32 $0x2;
	s10 =	sadd.s32 s31, s11;
	s2 =	simm.s32 $0x90B0  }
.LBB2_30:
0x382: {  	s4 =	sadd.s32 $0x2, s4  }
0x383: {  	s1 =	sadd.s32 s12, s10;
	s7 =	sadd.s32 s14, s10;
	[tilespmem:s0+$0xFFFFFFF0] =	vst v6;
	p1 =	slt.u32 s4, $0x1E  }
.Ltmp18:
0x384: {  	v6 =	vld [tilespmem:s1+$0x0];
	[tilespmem:s0+$0x0] =	vst v7;
	s0 =	smov.u32 s2;
	(pc) =	sbr.rel @p1 .LBB2_30-.Ltmp18, $4  }
0x385: {  	s8 =	sadd.s32 $0x20, s8;
	v7 =	vld [tilespmem:s7+$0x0]  }
0x386: {  	s1 =	sadd.s32 $0xFFFFFFF0, s8  }
0x387: {  	s2 =	sadd.s32 $0x20, s2;
	s7 =	sand.u32 $0x180, s1  }
0x388: {  	s14 =	sand.u32 $0x70, s8;
	s12 =	sand.u32 $0x60, s1;
	s10 =	sadd.s32 s7, s11  }
0x389: {  	s1 =	sadd.s32 s12, s10  }
0x38a: {  	s4 =	sadd.s32 s14, s10;
	v8 =	vld [tilespmem:s1+$0x0]  }
0x38b: {  	v9 =	vld [tilespmem:s4+$0x0];
	_ =	sdelay $0x1  }
0x38c: {  	[tilespmem:s0+$0xFFFFFFF0] =	vst v6  }
0x38d: {  	[tilespmem:s0+$0x0] =	vst v7  }
0x38e: {  	[tilespmem:s2+$0xFFFFFFF0] =	vst v8  }
0x38f: {  	[tilespmem:s2+$0x0] =	vst v9  }
.Ltmp19:
0x390: {  	s31 =	simm.s32 $0x9080;
	s0 =	rddreg [dreg:$0xe];
	(pc) =	sbr.rel .LBB2_32-.Ltmp19, $4  }
0x391: {  	[hbm4b:s0+s13] =	stream.linear.scatter [tilespmem:s31], [sflag:$0x5], $0x200, $0x38;
	[tilespmem:$0x9A80] =	vst v63  }
0x392: {  	_ =	swait.ge [sflag:s20], $0x200  }
0x393: {  	[sflag:s20] =	ssyncset.done $0x0  }
0x394: {  	s7 =	rddreg [dreg:$0x14];
	[sflag:s20] =	ssyncadd.s32 $0xFFFFFE00  }
.LBB2_33:
0x395: {  	_ =	sfence.sel $0x180000  }
0x396: {  	[bflag:$0x0] =	sbarrier.arrive $0xFFFF  }
0x397: {  	_ =	strace $0x90000047  }
0x398: {  	s0 =	stileid.u32;
	[bflag:$0x2] =	sbarrier.arrive $0xFFFF  }
0x399: {  	p0 =	sne.s32 s0, $0x0;
	s0 =	rddreg [dreg:$0x8]  }
0x39a: {  	s0 =	sadd.s32 @!p0 $0x100000, s0  }
0x39b: {  	[sflag:s0] =	ssyncadd.tile.s32 @!p0 $0x1;
	_ =	shalt  }
.Lfunc_end2:
_tile_overlayer_lowered:
.L_overlay_start_2:
0x39c: {  	(tag) =	ssettag $0x2  }
0x39d: {  	s0 =	rddreg [dreg:$0x0];
	s2 =	stileid.u32  }
0x39e: {  	s1 =	rddreg [dreg:$0x1];
	p0 =	sne.s32 s2, $0x0  }
0x39f: {  	s3 =	rddreg [dreg:$0x2];
	[bflag:$0x3] =	sbarrier.arrive $0xFFFF;
	s2 =	simm.s32 @!p0 $0x1C05  }
0x3a0: {  	[timem:s3], [sflag:s2] =	dma.local @!p0 [hbm:s0], s1  }
0x3a1: {  	s0 =	simm.s32 @!p0 $0x5  }
0x3a2: {  	_ =	swait.ge @!p0 [sflag:s0], s1  }
0x3a3: {  	s1 =	ssub.s32 @!p0 $0x0, s1;
	[sflag:s0] =	ssyncset.done @!p0 $0x0  }
0x3a4: {  	[sflag:s0] =	ssyncadd.s32 @!p0 s1  }
0x3a5: {  	[bflag:$0x3] =	sbarrier.arrive $0xFFFF  }
0x3a6: {  	_ =	shalt  }

</sc_bundles>
